<compile_context>
chip_gen: v7x
topology: tpu7x:2x2x1
jax: 0.10.2.dev20260603
libtpu: 0.0.44.dev20260713+nightly
codegen_flags: <defaults>
</compile_context>

<pallas_src>
import functools
import jax
import jax.numpy as jnp
from jax import lax
from jax.experimental import pallas as pl
from jax.experimental.pallas import tpu as pltpu
from jax.experimental.pallas import tpu_sc as plsc

N = 10000
E = 320000
DIN = 128
DH = 256
DH2 = 128
NG = 64
NS = 16
NC = 2
K = 125
BQ = 16
R = 1000
GRID = N // R

_mesh = plsc.VectorSubcoreMesh(core_axis_name="c", subcore_axis_name="s")

_F32 = jnp.float32
_HIGH = lax.Precision.DEFAULT


_DEG_NCH = E // (NC * NS) // K


@functools.partial(
    pl.kernel,
    out_type=jax.ShapeDtypeStruct((NC, NS, (N // NS) * 16), _F32),
    mesh=_mesh,
    scratch_types=[
        pltpu.VMEM((_DEG_NCH, K), jnp.int32),
        pltpu.VMEM((K, 128), _F32),
        pltpu.VMEM(((N // NS) * 16,), _F32),
        pltpu.VMEM_SHARED((N, 128), _F32),
    ],
)
def _deg_kernel(didx_hbm, out_hbm, idxs_v, rows, red_v, acc_sh):
    c = lax.axis_index("c")
    s = lax.axis_index("s")
    w = c * NS + s
    pltpu.sync_copy(didx_hbm.at[w], idxs_v)
    zero = jnp.zeros((16,), _F32)

    def z(i, carry):
        rows[i // 8, pl.ds((i % 8) * 16, 16)] = zero
        return carry

    lax.fori_loop(0, K * 8, z, 0)
    rpt = N // NS

    def zc(q, carry):
        pltpu.sync_copy(rows, acc_sh.at[pl.ds(s * rpt + q * K, K)])
        return carry

    lax.fori_loop(0, rpt // K, zc, 0)
    e1 = jnp.where(lax.iota(jnp.int32, 16) == 0, 1.0, 0.0)

    def f(i, carry):
        rows[i, pl.ds(0, 16)] = e1
        return carry

    lax.fori_loop(0, K, f, 0)
    plsc.subcore_barrier()

    def step(j, carry):
        pltpu.sync_copy(rows, acc_sh.at[idxs_v.at[j]], add=True)
        return carry

    lax.fori_loop(0, _DEG_NCH, step, 0)
    plsc.subcore_barrier()

    def reduce_chunk(q, carry):
        pltpu.sync_copy(acc_sh.at[pl.ds(s * rpt + q * K, K)], rows)

        def rrow(i, carry2):
            acc = rows[i, pl.ds(0, 16)]
            for l in range(1, 8):
                acc = acc + rows[i, pl.ds(l * 16, 16)]
            red_v[pl.ds((q * K + i) * 16, 16)] = acc
            return carry2

        lax.fori_loop(0, K, rrow, 0)
        return carry

    lax.fori_loop(0, rpt // K, reduce_chunk, 0)
    pltpu.sync_copy(red_v, out_hbm.at[c, s])


def _make_agg(nch, per_core_gidx):

    def body(tbl_hbm, gidx_hbm, didx_hbm, out_hbm, idxg_v, idxs_v, rows0,
             rows1, acc_sh, semg0, semg1, sems0, sems1):
        c = lax.axis_index("c")
        s = lax.axis_index("s")
        w = c * NS + s

        zero = jnp.zeros((16,), _F32)

        def z(i, carry):
            rows0[i // 8, pl.ds((i % 8) * 16, 16)] = zero
            return carry

        lax.fori_loop(0, K * 8, z, 0)
        rpt = N // NS

        def zc(q, carry):
            pltpu.sync_copy(rows0, acc_sh.at[pl.ds(s * rpt + q * K, K)])
            return carry

        lax.fori_loop(0, rpt // K, zc, 0)
        plsc.subcore_barrier()

        def block(b, carry):
            if per_core_gidx:
                pltpu.sync_copy(gidx_hbm.at[c, s, pl.ds(b * BQ, BQ)], idxg_v)
                pltpu.sync_copy(didx_hbm.at[s, pl.ds(b * BQ, BQ)], idxs_v)
            else:
                pltpu.sync_copy(gidx_hbm.at[w, pl.ds(b * BQ, BQ)], idxg_v)
                pltpu.sync_copy(didx_hbm.at[w, pl.ds(b * BQ, BQ)], idxs_v)
            pltpu.async_copy(tbl_hbm.at[idxg_v.at[0]], rows0, semg0)

            def step2(jj, carry2):
                j0 = jj * 2
                cp1 = pltpu.async_copy(tbl_hbm.at[idxg_v.at[j0 + 1]], rows1,
                                       semg1)
                pltpu.make_async_copy(tbl_hbm.at[idxg_v.at[j0]], rows0,
                                      semg0).wait()
                pltpu.sync_copy(rows0, acc_sh.at[idxs_v.at[j0]], add=True)

                @pl.when(jj + 1 < BQ // 2)
                def _():
                    pltpu.async_copy(tbl_hbm.at[idxg_v.at[j0 + 2]], rows0,
                                     semg0)

                cp1.wait()
                pltpu.sync_copy(rows1, acc_sh.at[idxs_v.at[j0 + 1]], add=True)
                return carry2

            lax.fori_loop(0, BQ // 2, step2, 0)
            return carry

        lax.fori_loop(0, nch // BQ, block, 0)
        plsc.subcore_barrier()
        pltpu.sync_copy(acc_sh.at[pl.ds(s * rpt, rpt)], out_hbm.at[c, s])

    return functools.partial(
        pl.kernel,
        out_type=jax.ShapeDtypeStruct((NC, NS, N // NS, 128), _F32),
        mesh=_mesh,
        scratch_types=[
            pltpu.VMEM((BQ, K), jnp.int32),
            pltpu.VMEM((BQ, K), jnp.int32),
            pltpu.VMEM((K, 128), _F32),
            pltpu.VMEM((K, 128), _F32),
            pltpu.VMEM_SHARED((N, 128), _F32),
            pltpu.SemaphoreType.DMA,
            pltpu.SemaphoreType.DMA,
            pltpu.SemaphoreType.DMA,
            pltpu.SemaphoreType.DMA,
        ],
    )(body)


_NCH1 = E // NS // K
_NCH2 = E // (NC * NS) // K
_agg1_kernel = _make_agg(_NCH1, True)
_agg2_kernel = _make_agg(_NCH2, False)


def _dinv_block(degp_ref):
    i = pl.program_id(0)
    blk = degp_ref[:, pl.ds(i * R, R), :]
    deg = jnp.sum(jnp.sum(blk, axis=0), axis=-1)
    return lax.rsqrt(deg + 1.0)


def _mm1a_body(x_ref, w_ref, out_ref):
    out_ref[...] = jnp.dot(x_ref[...], w_ref[...],
                           preferred_element_type=_F32, precision=_HIGH)


def _mm1a(x, Wc1):
    return pl.pallas_call(
        _mm1a_body,
        grid=(GRID,),
        in_specs=[
            pl.BlockSpec((R, DIN), lambda i: (i, 0)),
            pl.BlockSpec((DIN, DH), lambda i: (0, 0)),
        ],
        out_specs=pl.BlockSpec((R, DH), lambda i: (i, 0)),
        out_shape=jax.ShapeDtypeStruct((N, DH), _F32),
    )(x, Wc1)


def _mm1b_body(degp_ref, h_ref, out_ref):
    dinv = _dinv_block(degp_ref)
    out_ref[...] = h_ref[...] * dinv[:, None]


def _mm1b(deg_part, h):
    return pl.pallas_call(
        _mm1b_body,
        grid=(GRID,),
        in_specs=[
            pl.BlockSpec((NC, N, 16), lambda i: (0, 0, 0)),
            pl.BlockSpec((R, DH), lambda i: (i, 0)),
        ],
        out_specs=pl.BlockSpec((R, DH), lambda i: (i, 0)),
        out_shape=jax.ShapeDtypeStruct((N, DH), _F32),
    )(deg_part, h)


def _mm2_body(degp_ref, alo_ref, ahi_ref, hs_ref, b_ref, w_ref, out_ref):
    dinv = _dinv_block(degp_ref)[:, None]
    a = jnp.concatenate([alo_ref[...], ahi_ref[...]], axis=1) + hs_ref[...]
    h1 = jnp.maximum(a * dinv + b_ref[...], 0.0)
    h2 = jnp.dot(h1, w_ref[...], preferred_element_type=_F32, precision=_HIGH)
    out_ref[...] = h2 * dinv


def _mm2(deg_part, alo, ahi, hs, bc1, Wc2):
    return pl.pallas_call(
        _mm2_body,
        grid=(GRID,),
        in_specs=[
            pl.BlockSpec((NC, N, 16), lambda i: (0, 0, 0)),
            pl.BlockSpec((R, DH // 2), lambda i: (i, 0)),
            pl.BlockSpec((R, DH // 2), lambda i: (i, 0)),
            pl.BlockSpec((R, DH), lambda i: (i, 0)),
            pl.BlockSpec((1, DH), lambda i: (0, 0)),
            pl.BlockSpec((DH, DH2), lambda i: (0, 0)),
        ],
        out_specs=pl.BlockSpec((R, DH2), lambda i: (i, 0)),
        out_shape=jax.ShapeDtypeStruct((N, DH2), _F32),
    )(deg_part, alo, ahi, hs, bc1, Wc2)


def _pool_body(degp_ref, plo_ref, phi_ref, hs2_ref, b_ref, batch_ref, w1_ref,
               b1_ref, w2_ref, b2_ref, out_ref, acc):
    i = pl.program_id(0)
    dinv = _dinv_block(degp_ref)[:, None]
    y = (plo_ref[...] + phi_ref[...] + hs2_ref[...]) * dinv + b_ref[...]
    seg = batch_ref[0, 0, :]
    oh = (seg[:, None] == lax.broadcasted_iota(jnp.int32, (R, NG), 1)
          ).astype(_F32)
    yext = jnp.concatenate([y, jnp.ones((R, 1), _F32)], axis=1)
    part = lax.dot_general(oh, yext, (((0,), (0,)), ((), ())),
                           preferred_element_type=_F32, precision=_HIGH)

    @pl.when(i == 0)
    def _():
        acc[...] = part

    @pl.when(i > 0)
    def _():
        acc[...] += part

    @pl.when(i == pl.num_programs(0) - 1)
    def _():
        sums = acc[:, :DH2]
        cnt = jnp.maximum(acc[:, DH2:DH2 + 1], 1.0)
        g = jnp.maximum(sums / cnt, 0.0)
        z1 = jnp.maximum(
            jnp.dot(g, w1_ref[...], preferred_element_type=_F32,
                    precision=_HIGH) + b1_ref[...], 0.0)
        z2 = jnp.maximum(
            jnp.dot(z1, w2_ref[...], preferred_element_type=_F32,
                    precision=_HIGH) + b2_ref[...], 0.0)
        out_ref[...] = z2


def _pool(deg_part, plo, phi, hs2, bc2, batch3, W1, b1, W2, b2):
    return pl.pallas_call(
        _pool_body,
        grid=(GRID,),
        in_specs=[
            pl.BlockSpec((NC, N, 16), lambda i: (0, 0, 0)),
            pl.BlockSpec((R, DH2), lambda i: (i, 0)),
            pl.BlockSpec((R, DH2), lambda i: (i, 0)),
            pl.BlockSpec((R, DH2), lambda i: (i, 0)),
            pl.BlockSpec((1, DH2), lambda i: (0, 0)),
            pl.BlockSpec((1, 1, R), lambda i: (i, 0, 0)),
            pl.BlockSpec((DH2, NG), lambda i: (0, 0)),
            pl.BlockSpec((1, NG), lambda i: (0, 0)),
            pl.BlockSpec((NG, 10), lambda i: (0, 0)),
            pl.BlockSpec((1, 10), lambda i: (0, 0)),
        ],
        out_specs=pl.BlockSpec((NG, 10), lambda i: (0, 0)),
        out_shape=jax.ShapeDtypeStruct((NG, 10), _F32),
        scratch_shapes=[pltpu.VMEM((NG, DH2 + 1), _F32)],
    )(deg_part, plo, phi, hs2, bc2, batch3, W1, b1, W2, b2)


def kernel(x, edge_index, batch, Wc1, bc1, Wc2, bc2, W1, b1, W2, b2):
    src = edge_index[0]
    dst = edge_index[1]

    didx2 = dst.reshape(NC * NS, _NCH2, K)
    deg_part = _deg_kernel(didx2).reshape(NC, N, 16)

    h = _mm1a(x, Wc1)
    hs = _mm1b(deg_part, h)
    hsv = hs.reshape(2 * N, DH // 2)

    gidx1 = (2 * src[None, :] + jnp.arange(NC, dtype=jnp.int32)[:, None]
             ).reshape(NC, NS, _NCH1, K)
    didx1 = dst.reshape(NS, _NCH1, K)
    agg1 = _agg1_kernel(hsv, gidx1, didx1).reshape(NC, N, DH // 2)

    hs2 = _mm2(deg_part, agg1[0], agg1[1], hs, bc1.reshape(1, DH), Wc2)

    gidx2 = src.reshape(NC * NS, _NCH2, K)
    p = _agg2_kernel(hs2, gidx2, didx2).reshape(NC, N, DH2)

    return _pool(deg_part, p[0], p[1], hs2, bc2.reshape(1, DH2),
                 batch.reshape(GRID, 1, R), W1, b1.reshape(1, NG), W2,
                 b2.reshape(1, 10))

# --- scband reference (transcript-rebuilt; emitter-appended) ---
"""Pipeline reference for scband-gcnclassifier-linear-80642305949904 (READ-ONLY COPY).

The authoritative reference and input builder live on the scoring server;
editing this copy changes nothing except your own understanding.
"""

import jax, jax.numpy as jnp
import numpy as np

N_NODES = 10000
N_EDGES = 320000
D_IN = 128
D_HID = 256
D_OUT = 10
NUM_GRAPHS = 64


def setup_inputs(seed: int = 0) -> dict:
    key = jax.random.key(seed)
    ks = jax.random.split(key, 12)
    x = jax.random.normal(ks[0], (N_NODES, D_IN), dtype=jnp.float32)
    edge_index = jax.random.randint(ks[1], (2, N_EDGES), 0, N_NODES, dtype=jnp.int64 if jax.config.jax_enable_x64 else jnp.int32).astype(jnp.int32)
    batch = jnp.sort(jax.random.randint(ks[2], (N_NODES,), 0, NUM_GRAPHS).astype(jnp.int32))
    def glorot(k, shape):
        lim = float(np.sqrt(6.0 / (shape[0] + shape[1])))
        return jax.random.uniform(k, shape, dtype=jnp.float32, minval=-lim, maxval=lim)
    Wc1 = glorot(ks[3], (D_IN, D_HID))
    bc1 = jnp.zeros((D_HID,), dtype=jnp.float32)
    Wc2 = glorot(ks[4], (D_HID, D_HID // 2))
    bc2 = jnp.zeros((D_HID // 2,), dtype=jnp.float32)
    W1 = glorot(ks[5], (D_HID // 2, D_HID // 4))
    b1 = jnp.zeros((D_HID // 4,), dtype=jnp.float32)
    W2 = glorot(ks[6], (D_HID // 4, D_OUT))
    b2 = jnp.zeros((D_OUT,), dtype=jnp.float32)
    return {"x": x, "edge_index": edge_index, "batch": batch,
            "Wc1": Wc1, "bc1": bc1, "Wc2": Wc2, "bc2": bc2,
            "W1": W1, "b1": b1, "W2": W2, "b2": b2}


def gcn_conv(x, edge_index, W, b):
    # PyG GCNConv: add self loops, symmetric normalization D^-1/2 (A+I) D^-1/2 X W + b
    N = x.shape[0]
    src = edge_index[0]
    dst = edge_index[1]
    deg = jnp.zeros((N,), dtype=jnp.float32).at[dst].add(jnp.ones((src.shape[0],), dtype=jnp.float32)) + 1.0
    dinv = 1.0 / jnp.sqrt(deg)
    h = x @ W
    norm = dinv[src] * dinv[dst]
    msg = h[src] * norm[:, None]
    out = jnp.zeros((N, h.shape[1]), dtype=h.dtype).at[dst].add(msg)
    out = out + h * (dinv * dinv)[:, None]  # self loops
    return out + b


def global_mean_pool(x, batch, num_graphs):
    sums = jax.ops.segment_sum(x, batch, num_segments=num_graphs)
    counts = jax.ops.segment_sum(jnp.ones((x.shape[0],), dtype=x.dtype), batch, num_segments=num_graphs)
    counts = jnp.maximum(counts, 1.0)
    return sums / counts[:, None]


def reference(x, edge_index, batch, Wc1, bc1, Wc2, bc2, W1, b1, W2, b2):
    h = gcn_conv(x, edge_index, Wc1, bc1)
    h = jax.nn.relu(h)
    # dropout is a no-op in eval mode
    h = gcn_conv(h, edge_index, Wc2, bc2)
    g = global_mean_pool(h, batch, NUM_GRAPHS)
    g = jax.nn.relu(g)
    g = jax.nn.relu(g @ W1 + b1)
    g = jax.nn.relu(g @ W2 + b2)
    return g

if __name__ == "__main__":
    import jax
    _d = setup_inputs()
    print(jax.jit(kernel)(*tuple(_d.values())))

</pallas_src>

<mosaic_0001>
#map = affine_map<(d0, d1) -> (0, 0, 0)>
module attributes {stable_mosaic.version = 14 : i64} {
  func.func @_deg_kernel(%arg0: i32, %arg1: i32, %arg2: memref<32x80x125xi32, #tpu.memory_space<hbm>>, %arg3: memref<2x16x10000xf32, #tpu.memory_space<hbm>>, %arg4: memref<80x125xi32, #tpu.memory_space<vmem>>, %arg5: memref<125x128xf32, #tpu.memory_space<vmem>>, %arg6: memref<10000xf32, #tpu.memory_space<vmem>>, %arg7: memref<10000x128xf32, #tpu.memory_space<vmem_shared>>) attributes {dimension_semantics = [#tpu.dimension_semantics<core_parallel>, #tpu.dimension_semantics<subcore_parallel>], iteration_bounds = array<i64: 2, 16>, scalar_prefetch = 0 : i64, scratch_operands = 4 : i64, tpu.core_type = #tpu.core_type<sc_vector_subcore>, window_params = [{transform_indices = #map}, {transform_indices = #map}]} {
    %mul3A = arith.constant 16 : i32
    %mul3A_0 = arith.muli %arg0, %mul3A : i32
    %add3A = arith.addi %mul3A_0, %arg1 : i32
    "tpu.region"() ({
      %run_scoped3A = tpu.sem_alloc : memref<!tpu.dma_semaphore, #tpu.memory_space<semaphore_mem>>
      %dma_start3A = arith.constant 0 : i32
      %dma_start3A_37 = arith.constant 0 : i32
      %dma_start3A_38 = tpu.memref_slice %arg2[%add3A, %dma_start3A, %dma_start3A_37] : memref<32x80x125xi32, #tpu.memory_space<hbm>> -> memref<1x80x125xi32, #tpu.memory_space<hbm>>
      %dma_start3A_39 = tpu.memref_squeeze %dma_start3A_38 : memref<1x80x125xi32, #tpu.memory_space<hbm>> -> memref<80x125xi32, #tpu.memory_space<hbm>>
      %dma_start3A_40 = arith.constant 0 : i32
      %dma_start3A_41 = arith.constant 0 : i32
      %dma_start3A_42 = tpu.memref_slice %arg2[%add3A, %dma_start3A_40, %dma_start3A_41] : memref<32x80x125xi32, #tpu.memory_space<hbm>> -> memref<1x80x125xi32, #tpu.memory_space<hbm>>
      %dma_start3A_43 = tpu.memref_squeeze %dma_start3A_42 : memref<1x80x125xi32, #tpu.memory_space<hbm>> -> memref<80x125xi32, #tpu.memory_space<hbm>>
      tpu.enqueue_dma source(%dma_start3A_43 : memref<80x125xi32, #tpu.memory_space<hbm>>) target(%arg4 : memref<80x125xi32, #tpu.memory_space<vmem>>) target_semaphore(%run_scoped3A : memref<!tpu.dma_semaphore, #tpu.memory_space<semaphore_mem>>)
      %dma_wait3A = arith.constant 0 : i32
      %dma_wait3A_44 = arith.constant 0 : i32
      %dma_wait3A_45 = tpu.memref_slice %arg2[%add3A, %dma_wait3A, %dma_wait3A_44] : memref<32x80x125xi32, #tpu.memory_space<hbm>> -> memref<1x80x125xi32, #tpu.memory_space<hbm>>
      %dma_wait3A_46 = tpu.memref_squeeze %dma_wait3A_45 : memref<1x80x125xi32, #tpu.memory_space<hbm>> -> memref<80x125xi32, #tpu.memory_space<hbm>>
      %dma_wait3A_47 = arith.constant 0 : i32
      %dma_wait3A_48 = arith.constant 0 : i32
      %dma_wait3A_49 = tpu.memref_slice %arg2[%add3A, %dma_wait3A_47, %dma_wait3A_48] : memref<32x80x125xi32, #tpu.memory_space<hbm>> -> memref<1x80x125xi32, #tpu.memory_space<hbm>>
      %dma_wait3A_50 = tpu.memref_squeeze %dma_wait3A_49 : memref<1x80x125xi32, #tpu.memory_space<hbm>> -> memref<80x125xi32, #tpu.memory_space<hbm>>
      tpu.wait_dma2 semaphore(%run_scoped3A : memref<!tpu.dma_semaphore, #tpu.memory_space<semaphore_mem>>) src(%dma_wait3A_50 : memref<80x125xi32, #tpu.memory_space<hbm>>) dst(%arg4 : memref<80x125xi32, #tpu.memory_space<vmem>>)
      tpu.yield
    }) : () -> ()
    %broadcast_in_dim3A = arith.constant 0.000000e+00 : f32
    %broadcast_in_dim3A_1 = vector.broadcast %broadcast_in_dim3A : f32 to vector<16xf32>
    %scan3A = arith.constant 0 : i32
    %scan3A_2 = arith.constant 0 : i32
    %scan3A_3 = arith.constant 1000 : i32
    %scan3A_4 = arith.addi %scan3A_2, %scan3A_3 : i32
    %scan3A_5 = arith.constant 1 : i32
    scf.for %scan3A_37 = %scan3A_2 to %scan3A_4 step %scan3A_5  : i32 {
      %jit3A_38 = arith.constant 8 : i32
      %div3A = arith.divsi %scan3A_37, %jit3A_38 : i32
      %sign3A = arith.constant 0 : i32
      %sign3A_39 = arith.cmpi sgt, %scan3A_37, %sign3A : i32
      %sign3A_40 = arith.extui %sign3A_39 : i1 to i32
      %sign3A_41 = arith.constant 0 : i32
      %sign3A_42 = arith.cmpi slt, %scan3A_37, %sign3A_41 : i32
      %sign3A_43 = arith.extui %sign3A_42 : i1 to i32
      %sign3A_44 = arith.subi %sign3A_40, %sign3A_43 : i32
      %sign3A_45 = arith.constant 0 : i32
      %sign3A_46 = arith.cmpi sgt, %jit3A_38, %sign3A_45 : i32
      %sign3A_47 = arith.extui %sign3A_46 : i1 to i32
      %sign3A_48 = arith.constant 0 : i32
      %sign3A_49 = arith.cmpi slt, %jit3A_38, %sign3A_48 : i32
      %sign3A_50 = arith.extui %sign3A_49 : i1 to i32
      %sign3A_51 = arith.subi %sign3A_47, %sign3A_50 : i32
      %ne3A = arith.cmpi ne, %sign3A_44, %sign3A_51 : i32
      %rem3A = arith.remsi %scan3A_37, %jit3A_38 : i32
      %ne3A_52 = arith.constant 0 : i32
      %ne3A_53 = arith.cmpi ne, %rem3A, %ne3A_52 : i32
      %and3A = arith.andi %ne3A, %ne3A_53 : i1
      %sub3A = arith.constant 1 : i32
      %sub3A_54 = arith.subi %div3A, %sub3A : i32
      %select_n3A_55 = arith.select %and3A, %sub3A_54, %div3A : i32
      %jit3A_56 = arith.constant 8 : i32
      %eq3A_57 = arith.constant 0 : i32
      %eq3A_58 = arith.cmpi eq, %jit3A_56, %eq3A_57 : i32
      %jit3A_59 = arith.constant 1 : i32
      %select_n3A_60 = arith.select %eq3A_58, %jit3A_59, %jit3A_56 : i32
      %rem3A_61 = arith.remsi %scan3A_37, %select_n3A_60 : i32
      %ne3A_62 = arith.constant 0 : i32
      %ne3A_63 = arith.cmpi ne, %rem3A_61, %ne3A_62 : i32
      %lt3A = arith.constant 0 : i32
      %lt3A_64 = arith.cmpi slt, %rem3A_61, %lt3A : i32
      %lt3A_65 = arith.constant 0 : i32
      %lt3A_66 = arith.cmpi slt, %select_n3A_60, %lt3A_65 : i32
      %ne3A_67 = arith.xori %lt3A_64, %lt3A_66 : i1
      %and3A_68 = arith.andi %ne3A_67, %ne3A_63 : i1
      %add3A_69 = arith.addi %rem3A_61, %select_n3A_60 : i32
      %select_n3A_70 = arith.select %and3A_68, %add3A_69, %rem3A_61 : i32
      %mul3A_71 = arith.constant 16 : i32
      %mul3A_72 = arith.muli %select_n3A_70, %mul3A_71 : i32
      %swap3A = arith.index_cast %select_n3A_55 : i32 to index
      %swap3A_73 = arith.index_cast %mul3A_72 : i32 to index
      %swap3A_74 = tpu.vector_load %arg5[%swap3A, %swap3A_73] {strides = array<i32>} : memref<125x128xf32, #tpu.memory_space<vmem>>, vector<1x16xf32>,
      %swap3A_75 = vector.shape_cast %swap3A_74 : vector<1x16xf32> to vector<16xf32>
      %swap3A_76 = vector.shape_cast %broadcast_in_dim3A_1 : vector<16xf32> to vector<1x16xf32>
      tpu.vector_store %arg5[%swap3A, %swap3A_73], %swap3A_76 {strides = array<i32>} : memref<125x128xf32, #tpu.memory_space<vmem>>, vector<1x16xf32>,
    }
    %scan3A_6 = arith.constant 1000 : i32
    %scan3A_7 = arith.constant 0 : i32
    %scan3A_8 = arith.constant 0 : i32
    %scan3A_9 = arith.constant 5 : i32
    %scan3A_10 = arith.addi %scan3A_8, %scan3A_9 : i32
    %scan3A_11 = arith.constant 1 : i32
    scf.for %scan3A_37 = %scan3A_8 to %scan3A_10 step %scan3A_11  : i32 {
      %mul3A_38 = arith.constant 625 : i32
      %mul3A_39 = arith.muli %arg1, %mul3A_38 : i32
      %mul3A_40 = arith.constant 125 : i32
      %mul3A_41 = arith.muli %scan3A_37, %mul3A_40 : i32
      %add3A_42 = arith.addi %mul3A_39, %mul3A_41 : i32
      "tpu.region"() ({
        %run_scoped3A = tpu.sem_alloc : memref<!tpu.dma_semaphore, #tpu.memory_space<semaphore_mem>>
        %dma_start3A = arith.constant 0 : i32
        %dma_start3A_43 = tpu.memref_slice %arg7[%add3A_42, %dma_start3A] : memref<10000x128xf32, #tpu.memory_space<vmem_shared>> -> memref<125x128xf32, #tpu.memory_space<vmem_shared>>
        %dma_start3A_44 = arith.constant 0 : i32
        %dma_start3A_45 = tpu.memref_slice %arg7[%add3A_42, %dma_start3A_44] : memref<10000x128xf32, #tpu.memory_space<vmem_shared>> -> memref<125x128xf32, #tpu.memory_space<vmem_shared>>
        tpu.enqueue_dma source(%arg5 : memref<125x128xf32, #tpu.memory_space<vmem>>) target(%dma_start3A_45 : memref<125x128xf32, #tpu.memory_space<vmem_shared>>) target_semaphore(%run_scoped3A : memref<!tpu.dma_semaphore, #tpu.memory_space<semaphore_mem>>)
        %dma_wait3A = arith.constant 0 : i32
        %dma_wait3A_46 = tpu.memref_slice %arg7[%add3A_42, %dma_wait3A] : memref<10000x128xf32, #tpu.memory_space<vmem_shared>> -> memref<125x128xf32, #tpu.memory_space<vmem_shared>>
        %dma_wait3A_47 = arith.constant 0 : i32
        %dma_wait3A_48 = tpu.memref_slice %arg7[%add3A_42, %dma_wait3A_47] : memref<10000x128xf32, #tpu.memory_space<vmem_shared>> -> memref<125x128xf32, #tpu.memory_space<vmem_shared>>
        tpu.wait_dma2 semaphore(%run_scoped3A : memref<!tpu.dma_semaphore, #tpu.memory_space<semaphore_mem>>) src(%arg5 : memref<125x128xf32, #tpu.memory_space<vmem>>) dst(%dma_wait3A_48 : memref<125x128xf32, #tpu.memory_space<vmem_shared>>)
        tpu.yield
      }) : () -> ()
    }
    %scan3A_12 = arith.constant 5 : i32
    %iota3A = tpu.iota {dimensions = array<i32: 0>} : vector<16xi32>
    %eq3A = arith.constant 0 : i32
    %eq3A_13 = vector.broadcast %eq3A : i32 to vector<16xi32>
    %eq3A_14 = arith.cmpi eq, %iota3A, %eq3A_13 : vector<16xi32>
    %jit3A = arith.constant 1.000000e+00 : f32
    %jit3A_15 = arith.constant 0.000000e+00 : f32
    %broadcast_in_dim3A_16 = vector.broadcast %jit3A : f32 to vector<16xf32>
    %broadcast_in_dim3A_17 = vector.broadcast %jit3A_15 : f32 to vector<16xf32>
    %select_n3A = arith.select %eq3A_14, %broadcast_in_dim3A_16, %broadcast_in_dim3A_17 : vector<16xi1>, vector<16xf32>
    %scan3A_18 = arith.constant 0 : i32
    %scan3A_19 = arith.constant 0 : i32
    %scan3A_20 = arith.constant 125 : i32
    %scan3A_21 = arith.addi %scan3A_19, %scan3A_20 : i32
    %scan3A_22 = arith.constant 1 : i32
    scf.for %scan3A_37 = %scan3A_19 to %scan3A_21 step %scan3A_22  : i32 {
      %swap3A = arith.index_cast %scan3A_37 : i32 to index
      %swap3A_38 = arith.constant 0 : index
      %swap3A_39 = tpu.vector_load %arg5[%swap3A, %swap3A_38] {strides = array<i32>} : memref<125x128xf32, #tpu.memory_space<vmem>>, vector<1x16xf32>,
      %swap3A_40 = vector.shape_cast %swap3A_39 : vector<1x16xf32> to vector<16xf32>
      %swap3A_41 = vector.shape_cast %select_n3A : vector<16xf32> to vector<1x16xf32>
      tpu.vector_store %arg5[%swap3A, %swap3A_38], %swap3A_41 {strides = array<i32>} : memref<125x128xf32, #tpu.memory_space<vmem>>, vector<1x16xf32>,
    }
    %scan3A_23 = arith.constant 125 : i32
    %barrier3A = arith.constant 0 : index
    tpu.barrier barrier_id(%barrier3A)
    %scan3A_24 = arith.constant 0 : i32
    %scan3A_25 = arith.constant 0 : i32
    %scan3A_26 = arith.constant 80 : i32
    %scan3A_27 = arith.addi %scan3A_25, %scan3A_26 : i32
    %scan3A_28 = arith.constant 1 : i32
    scf.for %scan3A_37 = %scan3A_25 to %scan3A_27 step %scan3A_28  : i32 {
      "tpu.region"() ({
        %run_scoped3A = tpu.sem_alloc : memref<!tpu.dma_semaphore, #tpu.memory_space<semaphore_mem>>
        %dma_start3A = arith.constant 0 : i32
        %dma_start3A_38 = tpu.memref_slice %arg4[%scan3A_37, %dma_start3A] : memref<80x125xi32, #tpu.memory_space<vmem>> -> memref<1x125xi32, #tpu.memory_space<vmem>>
        %dma_start3A_39 = tpu.memref_squeeze %dma_start3A_38 : memref<1x125xi32, #tpu.memory_space<vmem>> -> memref<125xi32, #tpu.memory_space<vmem>>
        %dma_start3A_40 = arith.constant 0 : i32
        %dma_start3A_41 = arith.constant 0 : i32
        %dma_start3A_42 = tpu.memref_slice %arg7[%dma_start3A_40, %dma_start3A_41] : memref<10000x128xf32, #tpu.memory_space<vmem_shared>> -> memref<10000x128xf32, #tpu.memory_space<vmem_shared>>
        tpu.enqueue_indirect_dma source(%arg5 : memref<125x128xf32, #tpu.memory_space<vmem>>) target(%dma_start3A_42 : memref<10000x128xf32, #tpu.memory_space<vmem_shared>>) offsets(%dma_start3A_39 : memref<125xi32, #tpu.memory_space<vmem>>) semaphore(%run_scoped3A : memref<!tpu.dma_semaphore, #tpu.memory_space<semaphore_mem>>) {add = true}
        %dma_wait3A = arith.constant 0 : i32
        %dma_wait3A_43 = tpu.memref_slice %arg4[%scan3A_37, %dma_wait3A] : memref<80x125xi32, #tpu.memory_space<vmem>> -> memref<1x125xi32, #tpu.memory_space<vmem>>
        %dma_wait3A_44 = tpu.memref_squeeze %dma_wait3A_43 : memref<1x125xi32, #tpu.memory_space<vmem>> -> memref<125xi32, #tpu.memory_space<vmem>>
        %dma_wait3A_45 = arith.constant 0 : i32
        %dma_wait3A_46 = arith.constant 0 : i32
        %dma_wait3A_47 = tpu.memref_slice %arg7[%dma_wait3A_45, %dma_wait3A_46] : memref<10000x128xf32, #tpu.memory_space<vmem_shared>> -> memref<10000x128xf32, #tpu.memory_space<vmem_shared>>
        tpu.wait_indirect_dma semaphore(%run_scoped3A : memref<!tpu.dma_semaphore, #tpu.memory_space<semaphore_mem>>) src(%arg5 : memref<125x128xf32, #tpu.memory_space<vmem>>) dst(%dma_wait3A_47 : memref<10000x128xf32, #tpu.memory_space<vmem_shared>>)
        tpu.yield
      }) : () -> ()
    }
    %scan3A_29 = arith.constant 80 : i32
    %barrier3A_30 = arith.constant 0 : index
    tpu.barrier barrier_id(%barrier3A_30)
    %scan3A_31 = arith.constant 0 : i32
    %scan3A_32 = arith.constant 0 : i32
    %scan3A_33 = arith.constant 5 : i32
    %scan3A_34 = arith.addi %scan3A_32, %scan3A_33 : i32
    %scan3A_35 = arith.constant 1 : i32
    scf.for %scan3A_37 = %scan3A_32 to %scan3A_34 step %scan3A_35  : i32 {
      %mul3A_38 = arith.constant 625 : i32
      %mul3A_39 = arith.muli %arg1, %mul3A_38 : i32
      %mul3A_40 = arith.constant 125 : i32
      %mul3A_41 = arith.muli %scan3A_37, %mul3A_40 : i32
      %add3A_42 = arith.addi %mul3A_39, %mul3A_41 : i32
      "tpu.region"() ({
        %run_scoped3A = tpu.sem_alloc : memref<!tpu.dma_semaphore, #tpu.memory_space<semaphore_mem>>
        %dma_start3A = arith.constant 0 : i32
        %dma_start3A_49 = tpu.memref_slice %arg7[%add3A_42, %dma_start3A] : memref<10000x128xf32, #tpu.memory_space<vmem_shared>> -> memref<125x128xf32, #tpu.memory_space<vmem_shared>>
        %dma_start3A_50 = arith.constant 0 : i32
        %dma_start3A_51 = tpu.memref_slice %arg7[%add3A_42, %dma_start3A_50] : memref<10000x128xf32, #tpu.memory_space<vmem_shared>> -> memref<125x128xf32, #tpu.memory_space<vmem_shared>>
        tpu.enqueue_dma source(%dma_start3A_51 : memref<125x128xf32, #tpu.memory_space<vmem_shared>>) target(%arg5 : memref<125x128xf32, #tpu.memory_space<vmem>>) target_semaphore(%run_scoped3A : memref<!tpu.dma_semaphore, #tpu.memory_space<semaphore_mem>>)
        %dma_wait3A = arith.constant 0 : i32
        %dma_wait3A_52 = tpu.memref_slice %arg7[%add3A_42, %dma_wait3A] : memref<10000x128xf32, #tpu.memory_space<vmem_shared>> -> memref<125x128xf32, #tpu.memory_space<vmem_shared>>
        %dma_wait3A_53 = arith.constant 0 : i32
        %dma_wait3A_54 = tpu.memref_slice %arg7[%add3A_42, %dma_wait3A_53] : memref<10000x128xf32, #tpu.memory_space<vmem_shared>> -> memref<125x128xf32, #tpu.memory_space<vmem_shared>>
        tpu.wait_dma2 semaphore(%run_scoped3A : memref<!tpu.dma_semaphore, #tpu.memory_space<semaphore_mem>>) src(%dma_wait3A_54 : memref<125x128xf32, #tpu.memory_space<vmem_shared>>) dst(%arg5 : memref<125x128xf32, #tpu.memory_space<vmem>>)
        tpu.yield
      }) : () -> ()
      %scan3A_43 = arith.constant 0 : i32
      %scan3A_44 = arith.constant 0 : i32
      %scan3A_45 = arith.constant 125 : i32
      %scan3A_46 = arith.addi %scan3A_44, %scan3A_45 : i32
      %scan3A_47 = arith.constant 1 : i32
      scf.for %scan3A_49 = %scan3A_44 to %scan3A_46 step %scan3A_47  : i32 {
        %get3A = arith.index_cast %scan3A_49 : i32 to index
        %get3A_50 = arith.constant 0 : index
        %get3A_51 = tpu.vector_load %arg5[%get3A, %get3A_50] {strides = array<i32>} : memref<125x128xf32, #tpu.memory_space<vmem>>, vector<1x16xf32>,
        %get3A_52 = vector.shape_cast %get3A_51 : vector<1x16xf32> to vector<16xf32>
        %get3A_53 = arith.index_cast %scan3A_49 : i32 to index
        %get3A_54 = arith.constant 16 : index
        %get3A_55 = tpu.vector_load %arg5[%get3A_53, %get3A_54] {strides = array<i32>} : memref<125x128xf32, #tpu.memory_space<vmem>>, vector<1x16xf32>,
        %get3A_56 = vector.shape_cast %get3A_55 : vector<1x16xf32> to vector<16xf32>
        %add3A_57 = arith.addf %get3A_52, %get3A_56 : vector<16xf32>
        %get3A_58 = arith.index_cast %scan3A_49 : i32 to index
        %get3A_59 = arith.constant 32 : index
        %get3A_60 = tpu.vector_load %arg5[%get3A_58, %get3A_59] {strides = array<i32>} : memref<125x128xf32, #tpu.memory_space<vmem>>, vector<1x16xf32>,
        %get3A_61 = vector.shape_cast %get3A_60 : vector<1x16xf32> to vector<16xf32>
        %add3A_62 = arith.addf %add3A_57, %get3A_61 : vector<16xf32>
        %get3A_63 = arith.index_cast %scan3A_49 : i32 to index
        %get3A_64 = arith.constant 48 : index
        %get3A_65 = tpu.vector_load %arg5[%get3A_63, %get3A_64] {strides = array<i32>} : memref<125x128xf32, #tpu.memory_space<vmem>>, vector<1x16xf32>,
        %get3A_66 = vector.shape_cast %get3A_65 : vector<1x16xf32> to vector<16xf32>
        %add3A_67 = arith.addf %add3A_62, %get3A_66 : vector<16xf32>
        %get3A_68 = arith.index_cast %scan3A_49 : i32 to index
        %get3A_69 = arith.constant 64 : index
        %get3A_70 = tpu.vector_load %arg5[%get3A_68, %get3A_69] {strides = array<i32>} : memref<125x128xf32, #tpu.memory_space<vmem>>, vector<1x16xf32>,
        %get3A_71 = vector.shape_cast %get3A_70 : vector<1x16xf32> to vector<16xf32>
        %add3A_72 = arith.addf %add3A_67, %get3A_71 : vector<16xf32>
        %get3A_73 = arith.index_cast %scan3A_49 : i32 to index
        %get3A_74 = arith.constant 80 : index
        %get3A_75 = tpu.vector_load %arg5[%get3A_73, %get3A_74] {strides = array<i32>} : memref<125x128xf32, #tpu.memory_space<vmem>>, vector<1x16xf32>,
        %get3A_76 = vector.shape_cast %get3A_75 : vector<1x16xf32> to vector<16xf32>
        %add3A_77 = arith.addf %add3A_72, %get3A_76 : vector<16xf32>
        %get3A_78 = arith.index_cast %scan3A_49 : i32 to index
        %get3A_79 = arith.constant 96 : index
        %get3A_80 = tpu.vector_load %arg5[%get3A_78, %get3A_79] {strides = array<i32>} : memref<125x128xf32, #tpu.memory_space<vmem>>, vector<1x16xf32>,
        %get3A_81 = vector.shape_cast %get3A_80 : vector<1x16xf32> to vector<16xf32>
        %add3A_82 = arith.addf %add3A_77, %get3A_81 : vector<16xf32>
        %get3A_83 = arith.index_cast %scan3A_49 : i32 to index
        %get3A_84 = arith.constant 112 : index
        %get3A_85 = tpu.vector_load %arg5[%get3A_83, %get3A_84] {strides = array<i32>} : memref<125x128xf32, #tpu.memory_space<vmem>>, vector<1x16xf32>,
        %get3A_86 = vector.shape_cast %get3A_85 : vector<1x16xf32> to vector<16xf32>
        %add3A_87 = arith.addf %add3A_82, %get3A_86 : vector<16xf32>
        %mul3A_88 = arith.constant 125 : i32
        %mul3A_89 = arith.muli %scan3A_37, %mul3A_88 : i32
        %add3A_90 = arith.addi %mul3A_89, %scan3A_49 : i32
        %mul3A_91 = arith.constant 16 : i32
        %mul3A_92 = arith.muli %add3A_90, %mul3A_91 : i32
        %swap3A = arith.index_cast %mul3A_92 : i32 to index
        %swap3A_93 = tpu.vector_load %arg6[%swap3A] {strides = array<i32>} : memref<10000xf32, #tpu.memory_space<vmem>>, vector<16xf32>,
        %swap3A_94 = vector.shape_cast %swap3A_93 : vector<16xf32> to vector<16xf32>
        %swap3A_95 = vector.shape_cast %add3A_87 : vector<16xf32> to vector<16xf32>
        tpu.vector_store %arg6[%swap3A], %swap3A_95 {strides = array<i32>} : memref<10000xf32, #tpu.memory_space<vmem>>, vector<16xf32>,
      }
      %scan3A_48 = arith.constant 125 : i32
    }
    %scan3A_36 = arith.constant 5 : i32
    "tpu.region"() ({
      %run_scoped3A = tpu.sem_alloc : memref<!tpu.dma_semaphore, #tpu.memory_space<semaphore_mem>>
      %dma_start3A = arith.constant 0 : i32
      %dma_start3A_37 = tpu.memref_slice %arg3[%arg0, %arg1, %dma_start3A] : memref<2x16x10000xf32, #tpu.memory_space<hbm>> -> memref<1x1x10000xf32, #tpu.memory_space<hbm>>
      %dma_start3A_38 = tpu.memref_squeeze %dma_start3A_37 : memref<1x1x10000xf32, #tpu.memory_space<hbm>> -> memref<10000xf32, #tpu.memory_space<hbm>>
      %dma_start3A_39 = arith.constant 0 : i32
      %dma_start3A_40 = tpu.memref_slice %arg3[%arg0, %arg1, %dma_start3A_39] : memref<2x16x10000xf32, #tpu.memory_space<hbm>> -> memref<1x1x10000xf32, #tpu.memory_space<hbm>>
      %dma_start3A_41 = tpu.memref_squeeze %dma_start3A_40 : memref<1x1x10000xf32, #tpu.memory_space<hbm>> -> memref<10000xf32, #tpu.memory_space<hbm>>
      tpu.enqueue_dma source(%arg6 : memref<10000xf32, #tpu.memory_space<vmem>>) target(%dma_start3A_41 : memref<10000xf32, #tpu.memory_space<hbm>>) target_semaphore(%run_scoped3A : memref<!tpu.dma_semaphore, #tpu.memory_space<semaphore_mem>>)
      %dma_wait3A = arith.constant 0 : i32
      %dma_wait3A_42 = tpu.memref_slice %arg3[%arg0, %arg1, %dma_wait3A] : memref<2x16x10000xf32, #tpu.memory_space<hbm>> -> memref<1x1x10000xf32, #tpu.memory_space<hbm>>
      %dma_wait3A_43 = tpu.memref_squeeze %dma_wait3A_42 : memref<1x1x10000xf32, #tpu.memory_space<hbm>> -> memref<10000xf32, #tpu.memory_space<hbm>>
      %dma_wait3A_44 = arith.constant 0 : i32
      %dma_wait3A_45 = tpu.memref_slice %arg3[%arg0, %arg1, %dma_wait3A_44] : memref<2x16x10000xf32, #tpu.memory_space<hbm>> -> memref<1x1x10000xf32, #tpu.memory_space<hbm>>
      %dma_wait3A_46 = tpu.memref_squeeze %dma_wait3A_45 : memref<1x1x10000xf32, #tpu.memory_space<hbm>> -> memref<10000xf32, #tpu.memory_space<hbm>>
      tpu.wait_dma2 semaphore(%run_scoped3A : memref<!tpu.dma_semaphore, #tpu.memory_space<semaphore_mem>>) src(%arg6 : memref<10000xf32, #tpu.memory_space<vmem>>) dst(%dma_wait3A_46 : memref<10000xf32, #tpu.memory_space<hbm>>)
      tpu.yield
    }) : () -> ()
    return
  }
}

#map = affine_map<(d0, d1) -> (0, 0)>
#map1 = affine_map<(d0, d1) -> (0, 0, 0, 0)>
#map2 = affine_map<(d0, d1) -> (0, 0, 0)>
module attributes {stable_mosaic.version = 14 : i64} {
  func.func @body(%arg0: i32, %arg1: i32, %arg2: memref<20000x128xf32, #tpu.memory_space<hbm>>, %arg3: memref<2x16x160x125xi32, #tpu.memory_space<hbm>>, %arg4: memref<16x160x125xi32, #tpu.memory_space<hbm>>, %arg5: memref<2x16x625x128xf32, #tpu.memory_space<hbm>>, %arg6: memref<16x125xi32, #tpu.memory_space<vmem>>, %arg7: memref<16x125xi32, #tpu.memory_space<vmem>>, %arg8: memref<125x128xf32, #tpu.memory_space<vmem>>, %arg9: memref<125x128xf32, #tpu.memory_space<vmem>>, %arg10: memref<10000x128xf32, #tpu.memory_space<vmem_shared>>, %arg11: memref<!tpu.dma_semaphore, #tpu.memory_space<semaphore_mem>>, %arg12: memref<!tpu.dma_semaphore, #tpu.memory_space<semaphore_mem>>, %arg13: memref<!tpu.dma_semaphore, #tpu.memory_space<semaphore_mem>>, %arg14: memref<!tpu.dma_semaphore, #tpu.memory_space<semaphore_mem>>) attributes {dimension_semantics = [#tpu.dimension_semantics<core_parallel>, #tpu.dimension_semantics<subcore_parallel>], iteration_bounds = array<i64: 2, 16>, scalar_prefetch = 0 : i64, scratch_operands = 9 : i64, tpu.core_type = #tpu.core_type<sc_vector_subcore>, window_params = [{transform_indices = #map}, {transform_indices = #map1}, {transform_indices = #map2}, {transform_indices = #map1}]} {
    %mul3A = arith.constant 16 : i32
    %mul3A_0 = arith.muli %arg0, %mul3A : i32
    %add3A = arith.addi %mul3A_0, %arg1 : i32
    %broadcast_in_dim3A = arith.constant 0.000000e+00 : f32
    %broadcast_in_dim3A_1 = vector.broadcast %broadcast_in_dim3A : f32 to vector<16xf32>
    %scan3A = arith.constant 0 : i32
    %scan3A_2 = arith.constant 0 : i32
    %scan3A_3 = arith.constant 1000 : i32
    %scan3A_4 = arith.addi %scan3A_2, %scan3A_3 : i32
    %scan3A_5 = arith.constant 1 : i32
    scf.for %scan3A_22 = %scan3A_2 to %scan3A_4 step %scan3A_5  : i32 {
      %jit3A = arith.constant 8 : i32
      %div3A = arith.divsi %scan3A_22, %jit3A : i32
      %sign3A = arith.constant 0 : i32
      %sign3A_23 = arith.cmpi sgt, %scan3A_22, %sign3A : i32
      %sign3A_24 = arith.extui %sign3A_23 : i1 to i32
      %sign3A_25 = arith.constant 0 : i32
      %sign3A_26 = arith.cmpi slt, %scan3A_22, %sign3A_25 : i32
      %sign3A_27 = arith.extui %sign3A_26 : i1 to i32
      %sign3A_28 = arith.subi %sign3A_24, %sign3A_27 : i32
      %sign3A_29 = arith.constant 0 : i32
      %sign3A_30 = arith.cmpi sgt, %jit3A, %sign3A_29 : i32
      %sign3A_31 = arith.extui %sign3A_30 : i1 to i32
      %sign3A_32 = arith.constant 0 : i32
      %sign3A_33 = arith.cmpi slt, %jit3A, %sign3A_32 : i32
      %sign3A_34 = arith.extui %sign3A_33 : i1 to i32
      %sign3A_35 = arith.subi %sign3A_31, %sign3A_34 : i32
      %ne3A = arith.cmpi ne, %sign3A_28, %sign3A_35 : i32
      %rem3A = arith.remsi %scan3A_22, %jit3A : i32
      %ne3A_36 = arith.constant 0 : i32
      %ne3A_37 = arith.cmpi ne, %rem3A, %ne3A_36 : i32
      %and3A = arith.andi %ne3A, %ne3A_37 : i1
      %sub3A = arith.constant 1 : i32
      %sub3A_38 = arith.subi %div3A, %sub3A : i32
      %select_n3A = arith.select %and3A, %sub3A_38, %div3A : i32
      %jit3A_39 = arith.constant 8 : i32
      %eq3A = arith.constant 0 : i32
      %eq3A_40 = arith.cmpi eq, %jit3A_39, %eq3A : i32
      %jit3A_41 = arith.constant 1 : i32
      %select_n3A_42 = arith.select %eq3A_40, %jit3A_41, %jit3A_39 : i32
      %rem3A_43 = arith.remsi %scan3A_22, %select_n3A_42 : i32
      %ne3A_44 = arith.constant 0 : i32
      %ne3A_45 = arith.cmpi ne, %rem3A_43, %ne3A_44 : i32
      %lt3A = arith.constant 0 : i32
      %lt3A_46 = arith.cmpi slt, %rem3A_43, %lt3A : i32
      %lt3A_47 = arith.constant 0 : i32
      %lt3A_48 = arith.cmpi slt, %select_n3A_42, %lt3A_47 : i32
      %ne3A_49 = arith.xori %lt3A_46, %lt3A_48 : i1
      %and3A_50 = arith.andi %ne3A_49, %ne3A_45 : i1
      %add3A_51 = arith.addi %rem3A_43, %select_n3A_42 : i32
      %select_n3A_52 = arith.select %and3A_50, %add3A_51, %rem3A_43 : i32
      %mul3A_53 = arith.constant 16 : i32
      %mul3A_54 = arith.muli %select_n3A_52, %mul3A_53 : i32
      %swap3A = arith.index_cast %select_n3A : i32 to index
      %swap3A_55 = arith.index_cast %mul3A_54 : i32 to index
      %swap3A_56 = tpu.vector_load %arg8[%swap3A, %swap3A_55] {strides = array<i32>} : memref<125x128xf32, #tpu.memory_space<vmem>>, vector<1x16xf32>,
      %swap3A_57 = vector.shape_cast %swap3A_56 : vector<1x16xf32> to vector<16xf32>
      %swap3A_58 = vector.shape_cast %broadcast_in_dim3A_1 : vector<16xf32> to vector<1x16xf32>
      tpu.vector_store %arg8[%swap3A, %swap3A_55], %swap3A_58 {strides = array<i32>} : memref<125x128xf32, #tpu.memory_space<vmem>>, vector<1x16xf32>,
    }
    %scan3A_6 = arith.constant 1000 : i32
    %scan3A_7 = arith.constant 0 : i32
    %scan3A_8 = arith.constant 0 : i32
    %scan3A_9 = arith.constant 5 : i32
    %scan3A_10 = arith.addi %scan3A_8, %scan3A_9 : i32
    %scan3A_11 = arith.constant 1 : i32
    scf.for %scan3A_22 = %scan3A_8 to %scan3A_10 step %scan3A_11  : i32 {
      %mul3A_23 = arith.constant 625 : i32
      %mul3A_24 = arith.muli %arg1, %mul3A_23 : i32
      %mul3A_25 = arith.constant 125 : i32
      %mul3A_26 = arith.muli %scan3A_22, %mul3A_25 : i32
      %add3A_27 = arith.addi %mul3A_24, %mul3A_26 : i32
      "tpu.region"() ({
        %run_scoped3A = tpu.sem_alloc : memref<!tpu.dma_semaphore, #tpu.memory_space<semaphore_mem>>
        %dma_start3A = arith.constant 0 : i32
        %dma_start3A_28 = tpu.memref_slice %arg10[%add3A_27, %dma_start3A] : memref<10000x128xf32, #tpu.memory_space<vmem_shared>> -> memref<125x128xf32, #tpu.memory_space<vmem_shared>>
        %dma_start3A_29 = arith.constant 0 : i32
        %dma_start3A_30 = tpu.memref_slice %arg10[%add3A_27, %dma_start3A_29] : memref<10000x128xf32, #tpu.memory_space<vmem_shared>> -> memref<125x128xf32, #tpu.memory_space<vmem_shared>>
        tpu.enqueue_dma source(%arg8 : memref<125x128xf32, #tpu.memory_space<vmem>>) target(%dma_start3A_30 : memref<125x128xf32, #tpu.memory_space<vmem_shared>>) target_semaphore(%run_scoped3A : memref<!tpu.dma_semaphore, #tpu.memory_space<semaphore_mem>>)
        %dma_wait3A = arith.constant 0 : i32
        %dma_wait3A_31 = tpu.memref_slice %arg10[%add3A_27, %dma_wait3A] : memref<10000x128xf32, #tpu.memory_space<vmem_shared>> -> memref<125x128xf32, #tpu.memory_space<vmem_shared>>
        %dma_wait3A_32 = arith.constant 0 : i32
        %dma_wait3A_33 = tpu.memref_slice %arg10[%add3A_27, %dma_wait3A_32] : memref<10000x128xf32, #tpu.memory_space<vmem_shared>> -> memref<125x128xf32, #tpu.memory_space<vmem_shared>>
        tpu.wait_dma2 semaphore(%run_scoped3A : memref<!tpu.dma_semaphore, #tpu.memory_space<semaphore_mem>>) src(%arg8 : memref<125x128xf32, #tpu.memory_space<vmem>>) dst(%dma_wait3A_33 : memref<125x128xf32, #tpu.memory_space<vmem_shared>>)
        tpu.yield
      }) : () -> ()
    }
    %scan3A_12 = arith.constant 5 : i32
    %barrier3A = arith.constant 0 : index
    tpu.barrier barrier_id(%barrier3A)
    %scan3A_13 = arith.constant 0 : i32
    %scan3A_14 = arith.constant 0 : i32
    %scan3A_15 = arith.constant 10 : i32
    %scan3A_16 = arith.addi %scan3A_14, %scan3A_15 : i32
    %scan3A_17 = arith.constant 1 : i32
    scf.for %scan3A_22 = %scan3A_14 to %scan3A_16 step %scan3A_17  : i32 {
      %mul3A_23 = arith.constant 16 : i32
      %mul3A_24 = arith.muli %scan3A_22, %mul3A_23 : i32
      "tpu.region"() ({
        %run_scoped3A = tpu.sem_alloc : memref<!tpu.dma_semaphore, #tpu.memory_space<semaphore_mem>>
        %dma_start3A_39 = arith.constant 0 : i32
        %dma_start3A_40 = tpu.memref_slice %arg3[%arg0, %arg1, %mul3A_24, %dma_start3A_39] : memref<2x16x160x125xi32, #tpu.memory_space<hbm>> -> memref<1x1x16x125xi32, #tpu.memory_space<hbm>>
        %dma_start3A_41 = tpu.memref_squeeze %dma_start3A_40 : memref<1x1x16x125xi32, #tpu.memory_space<hbm>> -> memref<16x125xi32, #tpu.memory_space<hbm>>
        %dma_start3A_42 = arith.constant 0 : i32
        %dma_start3A_43 = tpu.memref_slice %arg3[%arg0, %arg1, %mul3A_24, %dma_start3A_42] : memref<2x16x160x125xi32, #tpu.memory_space<hbm>> -> memref<1x1x16x125xi32, #tpu.memory_space<hbm>>
        %dma_start3A_44 = tpu.memref_squeeze %dma_start3A_43 : memref<1x1x16x125xi32, #tpu.memory_space<hbm>> -> memref<16x125xi32, #tpu.memory_space<hbm>>
        tpu.enqueue_dma source(%dma_start3A_44 : memref<16x125xi32, #tpu.memory_space<hbm>>) target(%arg6 : memref<16x125xi32, #tpu.memory_space<vmem>>) target_semaphore(%run_scoped3A : memref<!tpu.dma_semaphore, #tpu.memory_space<semaphore_mem>>)
        %dma_wait3A = arith.constant 0 : i32
        %dma_wait3A_45 = tpu.memref_slice %arg3[%arg0, %arg1, %mul3A_24, %dma_wait3A] : memref<2x16x160x125xi32, #tpu.memory_space<hbm>> -> memref<1x1x16x125xi32, #tpu.memory_space<hbm>>
        %dma_wait3A_46 = tpu.memref_squeeze %dma_wait3A_45 : memref<1x1x16x125xi32, #tpu.memory_space<hbm>> -> memref<16x125xi32, #tpu.memory_space<hbm>>
        %dma_wait3A_47 = arith.constant 0 : i32
        %dma_wait3A_48 = tpu.memref_slice %arg3[%arg0, %arg1, %mul3A_24, %dma_wait3A_47] : memref<2x16x160x125xi32, #tpu.memory_space<hbm>> -> memref<1x1x16x125xi32, #tpu.memory_space<hbm>>
        %dma_wait3A_49 = tpu.memref_squeeze %dma_wait3A_48 : memref<1x1x16x125xi32, #tpu.memory_space<hbm>> -> memref<16x125xi32, #tpu.memory_space<hbm>>
        tpu.wait_dma2 semaphore(%run_scoped3A : memref<!tpu.dma_semaphore, #tpu.memory_space<semaphore_mem>>) src(%dma_wait3A_49 : memref<16x125xi32, #tpu.memory_space<hbm>>) dst(%arg6 : memref<16x125xi32, #tpu.memory_space<vmem>>)
        tpu.yield
      }) : () -> ()
      %mul3A_25 = arith.constant 16 : i32
      %mul3A_26 = arith.muli %scan3A_22, %mul3A_25 : i32
      "tpu.region"() ({
        %run_scoped3A = tpu.sem_alloc : memref<!tpu.dma_semaphore, #tpu.memory_space<semaphore_mem>>
        %dma_start3A_39 = arith.constant 0 : i32
        %dma_start3A_40 = tpu.memref_slice %arg4[%arg1, %mul3A_26, %dma_start3A_39] : memref<16x160x125xi32, #tpu.memory_space<hbm>> -> memref<1x16x125xi32, #tpu.memory_space<hbm>>
        %dma_start3A_41 = tpu.memref_squeeze %dma_start3A_40 : memref<1x16x125xi32, #tpu.memory_space<hbm>> -> memref<16x125xi32, #tpu.memory_space<hbm>>
        %dma_start3A_42 = arith.constant 0 : i32
        %dma_start3A_43 = tpu.memref_slice %arg4[%arg1, %mul3A_26, %dma_start3A_42] : memref<16x160x125xi32, #tpu.memory_space<hbm>> -> memref<1x16x125xi32, #tpu.memory_space<hbm>>
        %dma_start3A_44 = tpu.memref_squeeze %dma_start3A_43 : memref<1x16x125xi32, #tpu.memory_space<hbm>> -> memref<16x125xi32, #tpu.memory_space<hbm>>
        tpu.enqueue_dma source(%dma_start3A_44 : memref<16x125xi32, #tpu.memory_space<hbm>>) target(%arg7 : memref<16x125xi32, #tpu.memory_space<vmem>>) target_semaphore(%run_scoped3A : memref<!tpu.dma_semaphore, #tpu.memory_space<semaphore_mem>>)
        %dma_wait3A = arith.constant 0 : i32
        %dma_wait3A_45 = tpu.memref_slice %arg4[%arg1, %mul3A_26, %dma_wait3A] : memref<16x160x125xi32, #tpu.memory_space<hbm>> -> memref<1x16x125xi32, #tpu.memory_space<hbm>>
        %dma_wait3A_46 = tpu.memref_squeeze %dma_wait3A_45 : memref<1x16x125xi32, #tpu.memory_space<hbm>> -> memref<16x125xi32, #tpu.memory_space<hbm>>
        %dma_wait3A_47 = arith.constant 0 : i32
        %dma_wait3A_48 = tpu.memref_slice %arg4[%arg1, %mul3A_26, %dma_wait3A_47] : memref<16x160x125xi32, #tpu.memory_space<hbm>> -> memref<1x16x125xi32, #tpu.memory_space<hbm>>
        %dma_wait3A_49 = tpu.memref_squeeze %dma_wait3A_48 : memref<1x16x125xi32, #tpu.memory_space<hbm>> -> memref<16x125xi32, #tpu.memory_space<hbm>>
        tpu.wait_dma2 semaphore(%run_scoped3A : memref<!tpu.dma_semaphore, #tpu.memory_space<semaphore_mem>>) src(%dma_wait3A_49 : memref<16x125xi32, #tpu.memory_space<hbm>>) dst(%arg7 : memref<16x125xi32, #tpu.memory_space<vmem>>)
        tpu.yield
      }) : () -> ()
      %dma_start3A = arith.constant 0 : i32
      %dma_start3A_27 = arith.constant 0 : i32
      %dma_start3A_28 = tpu.memref_slice %arg6[%dma_start3A, %dma_start3A_27] : memref<16x125xi32, #tpu.memory_space<vmem>> -> memref<1x125xi32, #tpu.memory_space<vmem>>
      %dma_start3A_29 = tpu.memref_squeeze %dma_start3A_28 : memref<1x125xi32, #tpu.memory_space<vmem>> -> memref<125xi32, #tpu.memory_space<vmem>>
      %dma_start3A_30 = arith.constant 0 : i32
      %dma_start3A_31 = arith.constant 0 : i32
      %dma_start3A_32 = tpu.memref_slice %arg2[%dma_start3A_30, %dma_start3A_31] : memref<20000x128xf32, #tpu.memory_space<hbm>> -> memref<20000x128xf32, #tpu.memory_space<hbm>>
      tpu.enqueue_indirect_dma source(%dma_start3A_32 : memref<20000x128xf32, #tpu.memory_space<hbm>>) target(%arg8 : memref<125x128xf32, #tpu.memory_space<vmem>>) offsets(%dma_start3A_29 : memref<125xi32, #tpu.memory_space<vmem>>) semaphore(%arg11 : memref<!tpu.dma_semaphore, #tpu.memory_space<semaphore_mem>>)
      %scan3A_33 = arith.constant 0 : i32
      %scan3A_34 = arith.constant 0 : i32
      %scan3A_35 = arith.constant 8 : i32
      %scan3A_36 = arith.addi %scan3A_34, %scan3A_35 : i32
      %scan3A_37 = arith.constant 1 : i32
      scf.for %scan3A_39 = %scan3A_34 to %scan3A_36 step %scan3A_37  : i32 {
        %mul3A_40 = arith.constant 2 : i32
        %mul3A_41 = arith.muli %scan3A_39, %mul3A_40 : i32
        %add3A_42 = arith.constant 1 : i32
        %add3A_43 = arith.addi %mul3A_41, %add3A_42 : i32
        %dma_start3A_44 = arith.constant 0 : i32
        %dma_start3A_45 = tpu.memref_slice %arg6[%add3A_43, %dma_start3A_44] : memref<16x125xi32, #tpu.memory_space<vmem>> -> memref<1x125xi32, #tpu.memory_space<vmem>>
        %dma_start3A_46 = tpu.memref_squeeze %dma_start3A_45 : memref<1x125xi32, #tpu.memory_space<vmem>> -> memref<125xi32, #tpu.memory_space<vmem>>
        %dma_start3A_47 = arith.constant 0 : i32
        %dma_start3A_48 = arith.constant 0 : i32
        %dma_start3A_49 = tpu.memref_slice %arg2[%dma_start3A_47, %dma_start3A_48] : memref<20000x128xf32, #tpu.memory_space<hbm>> -> memref<20000x128xf32, #tpu.memory_space<hbm>>
        tpu.enqueue_indirect_dma source(%dma_start3A_49 : memref<20000x128xf32, #tpu.memory_space<hbm>>) target(%arg9 : memref<125x128xf32, #tpu.memory_space<vmem>>) offsets(%dma_start3A_46 : memref<125xi32, #tpu.memory_space<vmem>>) semaphore(%arg12 : memref<!tpu.dma_semaphore, #tpu.memory_space<semaphore_mem>>)
        %dma_wait3A = arith.constant 0 : i32
        %dma_wait3A_50 = tpu.memref_slice %arg6[%mul3A_41, %dma_wait3A] : memref<16x125xi32, #tpu.memory_space<vmem>> -> memref<1x125xi32, #tpu.memory_space<vmem>>
        %dma_wait3A_51 = tpu.memref_squeeze %dma_wait3A_50 : memref<1x125xi32, #tpu.memory_space<vmem>> -> memref<125xi32, #tpu.memory_space<vmem>>
        %dma_wait3A_52 = arith.constant 0 : i32
        %dma_wait3A_53 = arith.constant 0 : i32
        %dma_wait3A_54 = tpu.memref_slice %arg2[%dma_wait3A_52, %dma_wait3A_53] : memref<20000x128xf32, #tpu.memory_space<hbm>> -> memref<20000x128xf32, #tpu.memory_space<hbm>>
        tpu.wait_indirect_dma semaphore(%arg11 : memref<!tpu.dma_semaphore, #tpu.memory_space<semaphore_mem>>) src(%dma_wait3A_54 : memref<20000x128xf32, #tpu.memory_space<hbm>>) dst(%arg8 : memref<125x128xf32, #tpu.memory_space<vmem>>)
        "tpu.region"() ({
          %run_scoped3A = tpu.sem_alloc : memref<!tpu.dma_semaphore, #tpu.memory_space<semaphore_mem>>
          %dma_start3A_67 = arith.constant 0 : i32
          %dma_start3A_68 = tpu.memref_slice %arg7[%mul3A_41, %dma_start3A_67] : memref<16x125xi32, #tpu.memory_space<vmem>> -> memref<1x125xi32, #tpu.memory_space<vmem>>
          %dma_start3A_69 = tpu.memref_squeeze %dma_start3A_68 : memref<1x125xi32, #tpu.memory_space<vmem>> -> memref<125xi32, #tpu.memory_space<vmem>>
          %dma_start3A_70 = arith.constant 0 : i32
          %dma_start3A_71 = arith.constant 0 : i32
          %dma_start3A_72 = tpu.memref_slice %arg10[%dma_start3A_70, %dma_start3A_71] : memref<10000x128xf32, #tpu.memory_space<vmem_shared>> -> memref<10000x128xf32, #tpu.memory_space<vmem_shared>>
          tpu.enqueue_indirect_dma source(%arg8 : memref<125x128xf32, #tpu.memory_space<vmem>>) target(%dma_start3A_72 : memref<10000x128xf32, #tpu.memory_space<vmem_shared>>) offsets(%dma_start3A_69 : memref<125xi32, #tpu.memory_space<vmem>>) semaphore(%run_scoped3A : memref<!tpu.dma_semaphore, #tpu.memory_space<semaphore_mem>>) {add = true}
          %dma_wait3A_73 = arith.constant 0 : i32
          %dma_wait3A_74 = tpu.memref_slice %arg7[%mul3A_41, %dma_wait3A_73] : memref<16x125xi32, #tpu.memory_space<vmem>> -> memref<1x125xi32, #tpu.memory_space<vmem>>
          %dma_wait3A_75 = tpu.memref_squeeze %dma_wait3A_74 : memref<1x125xi32, #tpu.memory_space<vmem>> -> memref<125xi32, #tpu.memory_space<vmem>>
          %dma_wait3A_76 = arith.constant 0 : i32
          %dma_wait3A_77 = arith.constant 0 : i32
          %dma_wait3A_78 = tpu.memref_slice %arg10[%dma_wait3A_76, %dma_wait3A_77] : memref<10000x128xf32, #tpu.memory_space<vmem_shared>> -> memref<10000x128xf32, #tpu.memory_space<vmem_shared>>
          tpu.wait_indirect_dma semaphore(%run_scoped3A : memref<!tpu.dma_semaphore, #tpu.memory_space<semaphore_mem>>) src(%arg8 : memref<125x128xf32, #tpu.memory_space<vmem>>) dst(%dma_wait3A_78 : memref<10000x128xf32, #tpu.memory_space<vmem_shared>>)
          tpu.yield
        }) : () -> ()
        %add3A_55 = arith.constant 1 : i32
        %add3A_56 = arith.addi %scan3A_39, %add3A_55 : i32
        %lt3A = arith.constant 8 : i32
        %lt3A_57 = arith.cmpi slt, %add3A_56, %lt3A : i32
        %convert_element_type3A = arith.extui %lt3A_57 : i1 to i32
        %cond3A = arith.constant 0 : i32
        %cond3A_58 = arith.cmpi ne, %convert_element_type3A, %cond3A : i32
        scf.if %cond3A_58 {
          %add3A_67 = arith.constant 2 : i32
          %add3A_68 = arith.addi %mul3A_41, %add3A_67 : i32
          %dma_start3A_69 = arith.constant 0 : i32
          %dma_start3A_70 = tpu.memref_slice %arg6[%add3A_68, %dma_start3A_69] : memref<16x125xi32, #tpu.memory_space<vmem>> -> memref<1x125xi32, #tpu.memory_space<vmem>>
          %dma_start3A_71 = tpu.memref_squeeze %dma_start3A_70 : memref<1x125xi32, #tpu.memory_space<vmem>> -> memref<125xi32, #tpu.memory_space<vmem>>
          %dma_start3A_72 = arith.constant 0 : i32
          %dma_start3A_73 = arith.constant 0 : i32
          %dma_start3A_74 = tpu.memref_slice %arg2[%dma_start3A_72, %dma_start3A_73] : memref<20000x128xf32, #tpu.memory_space<hbm>> -> memref<20000x128xf32, #tpu.memory_space<hbm>>
          tpu.enqueue_indirect_dma source(%dma_start3A_74 : memref<20000x128xf32, #tpu.memory_space<hbm>>) target(%arg8 : memref<125x128xf32, #tpu.memory_space<vmem>>) offsets(%dma_start3A_71 : memref<125xi32, #tpu.memory_space<vmem>>) semaphore(%arg11 : memref<!tpu.dma_semaphore, #tpu.memory_space<semaphore_mem>>)
        } else {
        }
        %dma_wait3A_59 = arith.constant 0 : i32
        %dma_wait3A_60 = tpu.memref_slice %arg6[%add3A_43, %dma_wait3A_59] : memref<16x125xi32, #tpu.memory_space<vmem>> -> memref<1x125xi32, #tpu.memory_space<vmem>>
        %dma_wait3A_61 = tpu.memref_squeeze %dma_wait3A_60 : memref<1x125xi32, #tpu.memory_space<vmem>> -> memref<125xi32, #tpu.memory_space<vmem>>
        %dma_wait3A_62 = arith.constant 0 : i32
        %dma_wait3A_63 = arith.constant 0 : i32
        %dma_wait3A_64 = tpu.memref_slice %arg2[%dma_wait3A_62, %dma_wait3A_63] : memref<20000x128xf32, #tpu.memory_space<hbm>> -> memref<20000x128xf32, #tpu.memory_space<hbm>>
        tpu.wait_indirect_dma semaphore(%arg12 : memref<!tpu.dma_semaphore, #tpu.memory_space<semaphore_mem>>) src(%dma_wait3A_64 : memref<20000x128xf32, #tpu.memory_space<hbm>>) dst(%arg9 : memref<125x128xf32, #tpu.memory_space<vmem>>)
        %add3A_65 = arith.constant 1 : i32
        %add3A_66 = arith.addi %mul3A_41, %add3A_65 : i32
        "tpu.region"() ({
          %run_scoped3A = tpu.sem_alloc : memref<!tpu.dma_semaphore, #tpu.memory_space<semaphore_mem>>
          %dma_start3A_67 = arith.constant 0 : i32
          %dma_start3A_68 = tpu.memref_slice %arg7[%add3A_66, %dma_start3A_67] : memref<16x125xi32, #tpu.memory_space<vmem>> -> memref<1x125xi32, #tpu.memory_space<vmem>>
          %dma_start3A_69 = tpu.memref_squeeze %dma_start3A_68 : memref<1x125xi32, #tpu.memory_space<vmem>> -> memref<125xi32, #tpu.memory_space<vmem>>
          %dma_start3A_70 = arith.constant 0 : i32
          %dma_start3A_71 = arith.constant 0 : i32
          %dma_start3A_72 = tpu.memref_slice %arg10[%dma_start3A_70, %dma_start3A_71] : memref<10000x128xf32, #tpu.memory_space<vmem_shared>> -> memref<10000x128xf32, #tpu.memory_space<vmem_shared>>
          tpu.enqueue_indirect_dma source(%arg9 : memref<125x128xf32, #tpu.memory_space<vmem>>) target(%dma_start3A_72 : memref<10000x128xf32, #tpu.memory_space<vmem_shared>>) offsets(%dma_start3A_69 : memref<125xi32, #tpu.memory_space<vmem>>) semaphore(%run_scoped3A : memref<!tpu.dma_semaphore, #tpu.memory_space<semaphore_mem>>) {add = true}
          %dma_wait3A_73 = arith.constant 0 : i32
          %dma_wait3A_74 = tpu.memref_slice %arg7[%add3A_66, %dma_wait3A_73] : memref<16x125xi32, #tpu.memory_space<vmem>> -> memref<1x125xi32, #tpu.memory_space<vmem>>
          %dma_wait3A_75 = tpu.memref_squeeze %dma_wait3A_74 : memref<1x125xi32, #tpu.memory_space<vmem>> -> memref<125xi32, #tpu.memory_space<vmem>>
          %dma_wait3A_76 = arith.constant 0 : i32
          %dma_wait3A_77 = arith.constant 0 : i32
          %dma_wait3A_78 = tpu.memref_slice %arg10[%dma_wait3A_76, %dma_wait3A_77] : memref<10000x128xf32, #tpu.memory_space<vmem_shared>> -> memref<10000x128xf32, #tpu.memory_space<vmem_shared>>
          tpu.wait_indirect_dma semaphore(%run_scoped3A : memref<!tpu.dma_semaphore, #tpu.memory_space<semaphore_mem>>) src(%arg9 : memref<125x128xf32, #tpu.memory_space<vmem>>) dst(%dma_wait3A_78 : memref<10000x128xf32, #tpu.memory_space<vmem_shared>>)
          tpu.yield
        }) : () -> ()
      }
      %scan3A_38 = arith.constant 8 : i32
    }
    %scan3A_18 = arith.constant 10 : i32
    %barrier3A_19 = arith.constant 0 : index
    tpu.barrier barrier_id(%barrier3A_19)
    %mul3A_20 = arith.constant 625 : i32
    %mul3A_21 = arith.muli %arg1, %mul3A_20 : i32
    "tpu.region"() ({
      %run_scoped3A = tpu.sem_alloc : memref<!tpu.dma_semaphore, #tpu.memory_space<semaphore_mem>>
      %dma_start3A = arith.constant 0 : i32
      %dma_start3A_22 = arith.constant 0 : i32
      %dma_start3A_23 = tpu.memref_slice %arg5[%arg0, %arg1, %dma_start3A, %dma_start3A_22] : memref<2x16x625x128xf32, #tpu.memory_space<hbm>> -> memref<1x1x625x128xf32, #tpu.memory_space<hbm>>
      %dma_start3A_24 = tpu.memref_squeeze %dma_start3A_23 : memref<1x1x625x128xf32, #tpu.memory_space<hbm>> -> memref<625x128xf32, #tpu.memory_space<hbm>>
      %dma_start3A_25 = arith.constant 0 : i32
      %dma_start3A_26 = tpu.memref_slice %arg10[%mul3A_21, %dma_start3A_25] : memref<10000x128xf32, #tpu.memory_space<vmem_shared>> -> memref<625x128xf32, #tpu.memory_space<vmem_shared>>
      tpu.enqueue_dma source(%dma_start3A_26 : memref<625x128xf32, #tpu.memory_space<vmem_shared>>) target(%dma_start3A_24 : memref<625x128xf32, #tpu.memory_space<hbm>>) target_semaphore(%run_scoped3A : memref<!tpu.dma_semaphore, #tpu.memory_space<semaphore_mem>>)
      %dma_wait3A = arith.constant 0 : i32
      %dma_wait3A_27 = arith.constant 0 : i32
      %dma_wait3A_28 = tpu.memref_slice %arg5[%arg0, %arg1, %dma_wait3A, %dma_wait3A_27] : memref<2x16x625x128xf32, #tpu.memory_space<hbm>> -> memref<1x1x625x128xf32, #tpu.memory_space<hbm>>
      %dma_wait3A_29 = tpu.memref_squeeze %dma_wait3A_28 : memref<1x1x625x128xf32, #tpu.memory_space<hbm>> -> memref<625x128xf32, #tpu.memory_space<hbm>>
      %dma_wait3A_30 = arith.constant 0 : i32
      %dma_wait3A_31 = tpu.memref_slice %arg10[%mul3A_21, %dma_wait3A_30] : memref<10000x128xf32, #tpu.memory_space<vmem_shared>> -> memref<625x128xf32, #tpu.memory_space<vmem_shared>>
      tpu.wait_dma2 semaphore(%run_scoped3A : memref<!tpu.dma_semaphore, #tpu.memory_space<semaphore_mem>>) src(%dma_wait3A_31 : memref<625x128xf32, #tpu.memory_space<vmem_shared>>) dst(%dma_wait3A_29 : memref<625x128xf32, #tpu.memory_space<hbm>>)
      tpu.yield
    }) : () -> ()
    return
  }
}

#map = affine_map<(d0, d1) -> (0, 0)>
#map1 = affine_map<(d0, d1) -> (0, 0, 0)>
#map2 = affine_map<(d0, d1) -> (0, 0, 0, 0)>
module attributes {stable_mosaic.version = 14 : i64} {
  func.func @body(%arg0: i32, %arg1: i32, %arg2: memref<10000x128xf32, #tpu.memory_space<hbm>>, %arg3: memref<32x80x125xi32, #tpu.memory_space<hbm>>, %arg4: memref<32x80x125xi32, #tpu.memory_space<hbm>>, %arg5: memref<2x16x625x128xf32, #tpu.memory_space<hbm>>, %arg6: memref<16x125xi32, #tpu.memory_space<vmem>>, %arg7: memref<16x125xi32, #tpu.memory_space<vmem>>, %arg8: memref<125x128xf32, #tpu.memory_space<vmem>>, %arg9: memref<125x128xf32, #tpu.memory_space<vmem>>, %arg10: memref<10000x128xf32, #tpu.memory_space<vmem_shared>>, %arg11: memref<!tpu.dma_semaphore, #tpu.memory_space<semaphore_mem>>, %arg12: memref<!tpu.dma_semaphore, #tpu.memory_space<semaphore_mem>>, %arg13: memref<!tpu.dma_semaphore, #tpu.memory_space<semaphore_mem>>, %arg14: memref<!tpu.dma_semaphore, #tpu.memory_space<semaphore_mem>>) attributes {dimension_semantics = [#tpu.dimension_semantics<core_parallel>, #tpu.dimension_semantics<subcore_parallel>], iteration_bounds = array<i64: 2, 16>, scalar_prefetch = 0 : i64, scratch_operands = 9 : i64, tpu.core_type = #tpu.core_type<sc_vector_subcore>, window_params = [{transform_indices = #map}, {transform_indices = #map1}, {transform_indices = #map1}, {transform_indices = #map2}]} {
    %mul3A = arith.constant 16 : i32
    %mul3A_0 = arith.muli %arg0, %mul3A : i32
    %add3A = arith.addi %mul3A_0, %arg1 : i32
    %broadcast_in_dim3A = arith.constant 0.000000e+00 : f32
    %broadcast_in_dim3A_1 = vector.broadcast %broadcast_in_dim3A : f32 to vector<16xf32>
    %scan3A = arith.constant 0 : i32
    %scan3A_2 = arith.constant 0 : i32
    %scan3A_3 = arith.constant 1000 : i32
    %scan3A_4 = arith.addi %scan3A_2, %scan3A_3 : i32
    %scan3A_5 = arith.constant 1 : i32
    scf.for %scan3A_22 = %scan3A_2 to %scan3A_4 step %scan3A_5  : i32 {
      %jit3A = arith.constant 8 : i32
      %div3A = arith.divsi %scan3A_22, %jit3A : i32
      %sign3A = arith.constant 0 : i32
      %sign3A_23 = arith.cmpi sgt, %scan3A_22, %sign3A : i32
      %sign3A_24 = arith.extui %sign3A_23 : i1 to i32
      %sign3A_25 = arith.constant 0 : i32
      %sign3A_26 = arith.cmpi slt, %scan3A_22, %sign3A_25 : i32
      %sign3A_27 = arith.extui %sign3A_26 : i1 to i32
      %sign3A_28 = arith.subi %sign3A_24, %sign3A_27 : i32
      %sign3A_29 = arith.constant 0 : i32
      %sign3A_30 = arith.cmpi sgt, %jit3A, %sign3A_29 : i32
      %sign3A_31 = arith.extui %sign3A_30 : i1 to i32
      %sign3A_32 = arith.constant 0 : i32
      %sign3A_33 = arith.cmpi slt, %jit3A, %sign3A_32 : i32
      %sign3A_34 = arith.extui %sign3A_33 : i1 to i32
      %sign3A_35 = arith.subi %sign3A_31, %sign3A_34 : i32
      %ne3A = arith.cmpi ne, %sign3A_28, %sign3A_35 : i32
      %rem3A = arith.remsi %scan3A_22, %jit3A : i32
      %ne3A_36 = arith.constant 0 : i32
      %ne3A_37 = arith.cmpi ne, %rem3A, %ne3A_36 : i32
      %and3A = arith.andi %ne3A, %ne3A_37 : i1
      %sub3A = arith.constant 1 : i32
      %sub3A_38 = arith.subi %div3A, %sub3A : i32
      %select_n3A = arith.select %and3A, %sub3A_38, %div3A : i32
      %jit3A_39 = arith.constant 8 : i32
      %eq3A = arith.constant 0 : i32
      %eq3A_40 = arith.cmpi eq, %jit3A_39, %eq3A : i32
      %jit3A_41 = arith.constant 1 : i32
      %select_n3A_42 = arith.select %eq3A_40, %jit3A_41, %jit3A_39 : i32
      %rem3A_43 = arith.remsi %scan3A_22, %select_n3A_42 : i32
      %ne3A_44 = arith.constant 0 : i32
      %ne3A_45 = arith.cmpi ne, %rem3A_43, %ne3A_44 : i32
      %lt3A = arith.constant 0 : i32
      %lt3A_46 = arith.cmpi slt, %rem3A_43, %lt3A : i32
      %lt3A_47 = arith.constant 0 : i32
      %lt3A_48 = arith.cmpi slt, %select_n3A_42, %lt3A_47 : i32
      %ne3A_49 = arith.xori %lt3A_46, %lt3A_48 : i1
      %and3A_50 = arith.andi %ne3A_49, %ne3A_45 : i1
      %add3A_51 = arith.addi %rem3A_43, %select_n3A_42 : i32
      %select_n3A_52 = arith.select %and3A_50, %add3A_51, %rem3A_43 : i32
      %mul3A_53 = arith.constant 16 : i32
      %mul3A_54 = arith.muli %select_n3A_52, %mul3A_53 : i32
      %swap3A = arith.index_cast %select_n3A : i32 to index
      %swap3A_55 = arith.index_cast %mul3A_54 : i32 to index
      %swap3A_56 = tpu.vector_load %arg8[%swap3A, %swap3A_55] {strides = array<i32>} : memref<125x128xf32, #tpu.memory_space<vmem>>, vector<1x16xf32>,
      %swap3A_57 = vector.shape_cast %swap3A_56 : vector<1x16xf32> to vector<16xf32>
      %swap3A_58 = vector.shape_cast %broadcast_in_dim3A_1 : vector<16xf32> to vector<1x16xf32>
      tpu.vector_store %arg8[%swap3A, %swap3A_55], %swap3A_58 {strides = array<i32>} : memref<125x128xf32, #tpu.memory_space<vmem>>, vector<1x16xf32>,
    }
    %scan3A_6 = arith.constant 1000 : i32
    %scan3A_7 = arith.constant 0 : i32
    %scan3A_8 = arith.constant 0 : i32
    %scan3A_9 = arith.constant 5 : i32
    %scan3A_10 = arith.addi %scan3A_8, %scan3A_9 : i32
    %scan3A_11 = arith.constant 1 : i32
    scf.for %scan3A_22 = %scan3A_8 to %scan3A_10 step %scan3A_11  : i32 {
      %mul3A_23 = arith.constant 625 : i32
      %mul3A_24 = arith.muli %arg1, %mul3A_23 : i32
      %mul3A_25 = arith.constant 125 : i32
      %mul3A_26 = arith.muli %scan3A_22, %mul3A_25 : i32
      %add3A_27 = arith.addi %mul3A_24, %mul3A_26 : i32
      "tpu.region"() ({
        %run_scoped3A = tpu.sem_alloc : memref<!tpu.dma_semaphore, #tpu.memory_space<semaphore_mem>>
        %dma_start3A = arith.constant 0 : i32
        %dma_start3A_28 = tpu.memref_slice %arg10[%add3A_27, %dma_start3A] : memref<10000x128xf32, #tpu.memory_space<vmem_shared>> -> memref<125x128xf32, #tpu.memory_space<vmem_shared>>
        %dma_start3A_29 = arith.constant 0 : i32
        %dma_start3A_30 = tpu.memref_slice %arg10[%add3A_27, %dma_start3A_29] : memref<10000x128xf32, #tpu.memory_space<vmem_shared>> -> memref<125x128xf32, #tpu.memory_space<vmem_shared>>
        tpu.enqueue_dma source(%arg8 : memref<125x128xf32, #tpu.memory_space<vmem>>) target(%dma_start3A_30 : memref<125x128xf32, #tpu.memory_space<vmem_shared>>) target_semaphore(%run_scoped3A : memref<!tpu.dma_semaphore, #tpu.memory_space<semaphore_mem>>)
        %dma_wait3A = arith.constant 0 : i32
        %dma_wait3A_31 = tpu.memref_slice %arg10[%add3A_27, %dma_wait3A] : memref<10000x128xf32, #tpu.memory_space<vmem_shared>> -> memref<125x128xf32, #tpu.memory_space<vmem_shared>>
        %dma_wait3A_32 = arith.constant 0 : i32
        %dma_wait3A_33 = tpu.memref_slice %arg10[%add3A_27, %dma_wait3A_32] : memref<10000x128xf32, #tpu.memory_space<vmem_shared>> -> memref<125x128xf32, #tpu.memory_space<vmem_shared>>
        tpu.wait_dma2 semaphore(%run_scoped3A : memref<!tpu.dma_semaphore, #tpu.memory_space<semaphore_mem>>) src(%arg8 : memref<125x128xf32, #tpu.memory_space<vmem>>) dst(%dma_wait3A_33 : memref<125x128xf32, #tpu.memory_space<vmem_shared>>)
        tpu.yield
      }) : () -> ()
    }
    %scan3A_12 = arith.constant 5 : i32
    %barrier3A = arith.constant 0 : index
    tpu.barrier barrier_id(%barrier3A)
    %scan3A_13 = arith.constant 0 : i32
    %scan3A_14 = arith.constant 0 : i32
    %scan3A_15 = arith.constant 5 : i32
    %scan3A_16 = arith.addi %scan3A_14, %scan3A_15 : i32
    %scan3A_17 = arith.constant 1 : i32
    scf.for %scan3A_22 = %scan3A_14 to %scan3A_16 step %scan3A_17  : i32 {
      %mul3A_23 = arith.constant 16 : i32
      %mul3A_24 = arith.muli %scan3A_22, %mul3A_23 : i32
      "tpu.region"() ({
        %run_scoped3A = tpu.sem_alloc : memref<!tpu.dma_semaphore, #tpu.memory_space<semaphore_mem>>
        %dma_start3A_39 = arith.constant 0 : i32
        %dma_start3A_40 = tpu.memref_slice %arg3[%add3A, %mul3A_24, %dma_start3A_39] : memref<32x80x125xi32, #tpu.memory_space<hbm>> -> memref<1x16x125xi32, #tpu.memory_space<hbm>>
        %dma_start3A_41 = tpu.memref_squeeze %dma_start3A_40 : memref<1x16x125xi32, #tpu.memory_space<hbm>> -> memref<16x125xi32, #tpu.memory_space<hbm>>
        %dma_start3A_42 = arith.constant 0 : i32
        %dma_start3A_43 = tpu.memref_slice %arg3[%add3A, %mul3A_24, %dma_start3A_42] : memref<32x80x125xi32, #tpu.memory_space<hbm>> -> memref<1x16x125xi32, #tpu.memory_space<hbm>>
        %dma_start3A_44 = tpu.memref_squeeze %dma_start3A_43 : memref<1x16x125xi32, #tpu.memory_space<hbm>> -> memref<16x125xi32, #tpu.memory_space<hbm>>
        tpu.enqueue_dma source(%dma_start3A_44 : memref<16x125xi32, #tpu.memory_space<hbm>>) target(%arg6 : memref<16x125xi32, #tpu.memory_space<vmem>>) target_semaphore(%run_scoped3A : memref<!tpu.dma_semaphore, #tpu.memory_space<semaphore_mem>>)
        %dma_wait3A = arith.constant 0 : i32
        %dma_wait3A_45 = tpu.memref_slice %arg3[%add3A, %mul3A_24, %dma_wait3A] : memref<32x80x125xi32, #tpu.memory_space<hbm>> -> memref<1x16x125xi32, #tpu.memory_space<hbm>>
        %dma_wait3A_46 = tpu.memref_squeeze %dma_wait3A_45 : memref<1x16x125xi32, #tpu.memory_space<hbm>> -> memref<16x125xi32, #tpu.memory_space<hbm>>
        %dma_wait3A_47 = arith.constant 0 : i32
        %dma_wait3A_48 = tpu.memref_slice %arg3[%add3A, %mul3A_24, %dma_wait3A_47] : memref<32x80x125xi32, #tpu.memory_space<hbm>> -> memref<1x16x125xi32, #tpu.memory_space<hbm>>
        %dma_wait3A_49 = tpu.memref_squeeze %dma_wait3A_48 : memref<1x16x125xi32, #tpu.memory_space<hbm>> -> memref<16x125xi32, #tpu.memory_space<hbm>>
        tpu.wait_dma2 semaphore(%run_scoped3A : memref<!tpu.dma_semaphore, #tpu.memory_space<semaphore_mem>>) src(%dma_wait3A_49 : memref<16x125xi32, #tpu.memory_space<hbm>>) dst(%arg6 : memref<16x125xi32, #tpu.memory_space<vmem>>)
        tpu.yield
      }) : () -> ()
      %mul3A_25 = arith.constant 16 : i32
      %mul3A_26 = arith.muli %scan3A_22, %mul3A_25 : i32
      "tpu.region"() ({
        %run_scoped3A = tpu.sem_alloc : memref<!tpu.dma_semaphore, #tpu.memory_space<semaphore_mem>>
        %dma_start3A_39 = arith.constant 0 : i32
        %dma_start3A_40 = tpu.memref_slice %arg4[%add3A, %mul3A_26, %dma_start3A_39] : memref<32x80x125xi32, #tpu.memory_space<hbm>> -> memref<1x16x125xi32, #tpu.memory_space<hbm>>
        %dma_start3A_41 = tpu.memref_squeeze %dma_start3A_40 : memref<1x16x125xi32, #tpu.memory_space<hbm>> -> memref<16x125xi32, #tpu.memory_space<hbm>>
        %dma_start3A_42 = arith.constant 0 : i32
        %dma_start3A_43 = tpu.memref_slice %arg4[%add3A, %mul3A_26, %dma_start3A_42] : memref<32x80x125xi32, #tpu.memory_space<hbm>> -> memref<1x16x125xi32, #tpu.memory_space<hbm>>
        %dma_start3A_44 = tpu.memref_squeeze %dma_start3A_43 : memref<1x16x125xi32, #tpu.memory_space<hbm>> -> memref<16x125xi32, #tpu.memory_space<hbm>>
        tpu.enqueue_dma source(%dma_start3A_44 : memref<16x125xi32, #tpu.memory_space<hbm>>) target(%arg7 : memref<16x125xi32, #tpu.memory_space<vmem>>) target_semaphore(%run_scoped3A : memref<!tpu.dma_semaphore, #tpu.memory_space<semaphore_mem>>)
        %dma_wait3A = arith.constant 0 : i32
        %dma_wait3A_45 = tpu.memref_slice %arg4[%add3A, %mul3A_26, %dma_wait3A] : memref<32x80x125xi32, #tpu.memory_space<hbm>> -> memref<1x16x125xi32, #tpu.memory_space<hbm>>
        %dma_wait3A_46 = tpu.memref_squeeze %dma_wait3A_45 : memref<1x16x125xi32, #tpu.memory_space<hbm>> -> memref<16x125xi32, #tpu.memory_space<hbm>>
        %dma_wait3A_47 = arith.constant 0 : i32
        %dma_wait3A_48 = tpu.memref_slice %arg4[%add3A, %mul3A_26, %dma_wait3A_47] : memref<32x80x125xi32, #tpu.memory_space<hbm>> -> memref<1x16x125xi32, #tpu.memory_space<hbm>>
        %dma_wait3A_49 = tpu.memref_squeeze %dma_wait3A_48 : memref<1x16x125xi32, #tpu.memory_space<hbm>> -> memref<16x125xi32, #tpu.memory_space<hbm>>
        tpu.wait_dma2 semaphore(%run_scoped3A : memref<!tpu.dma_semaphore, #tpu.memory_space<semaphore_mem>>) src(%dma_wait3A_49 : memref<16x125xi32, #tpu.memory_space<hbm>>) dst(%arg7 : memref<16x125xi32, #tpu.memory_space<vmem>>)
        tpu.yield
      }) : () -> ()
      %dma_start3A = arith.constant 0 : i32
      %dma_start3A_27 = arith.constant 0 : i32
      %dma_start3A_28 = tpu.memref_slice %arg6[%dma_start3A, %dma_start3A_27] : memref<16x125xi32, #tpu.memory_space<vmem>> -> memref<1x125xi32, #tpu.memory_space<vmem>>
      %dma_start3A_29 = tpu.memref_squeeze %dma_start3A_28 : memref<1x125xi32, #tpu.memory_space<vmem>> -> memref<125xi32, #tpu.memory_space<vmem>>
      %dma_start3A_30 = arith.constant 0 : i32
      %dma_start3A_31 = arith.constant 0 : i32
      %dma_start3A_32 = tpu.memref_slice %arg2[%dma_start3A_30, %dma_start3A_31] : memref<10000x128xf32, #tpu.memory_space<hbm>> -> memref<10000x128xf32, #tpu.memory_space<hbm>>
      tpu.enqueue_indirect_dma source(%dma_start3A_32 : memref<10000x128xf32, #tpu.memory_space<hbm>>) target(%arg8 : memref<125x128xf32, #tpu.memory_space<vmem>>) offsets(%dma_start3A_29 : memref<125xi32, #tpu.memory_space<vmem>>) semaphore(%arg11 : memref<!tpu.dma_semaphore, #tpu.memory_space<semaphore_mem>>)
      %scan3A_33 = arith.constant 0 : i32
      %scan3A_34 = arith.constant 0 : i32
      %scan3A_35 = arith.constant 8 : i32
      %scan3A_36 = arith.addi %scan3A_34, %scan3A_35 : i32
      %scan3A_37 = arith.constant 1 : i32
      scf.for %scan3A_39 = %scan3A_34 to %scan3A_36 step %scan3A_37  : i32 {
        %mul3A_40 = arith.constant 2 : i32
        %mul3A_41 = arith.muli %scan3A_39, %mul3A_40 : i32
        %add3A_42 = arith.constant 1 : i32
        %add3A_43 = arith.addi %mul3A_41, %add3A_42 : i32
        %dma_start3A_44 = arith.constant 0 : i32
        %dma_start3A_45 = tpu.memref_slice %arg6[%add3A_43, %dma_start3A_44] : memref<16x125xi32, #tpu.memory_space<vmem>> -> memref<1x125xi32, #tpu.memory_space<vmem>>
        %dma_start3A_46 = tpu.memref_squeeze %dma_start3A_45 : memref<1x125xi32, #tpu.memory_space<vmem>> -> memref<125xi32, #tpu.memory_space<vmem>>
        %dma_start3A_47 = arith.constant 0 : i32
        %dma_start3A_48 = arith.constant 0 : i32
        %dma_start3A_49 = tpu.memref_slice %arg2[%dma_start3A_47, %dma_start3A_48] : memref<10000x128xf32, #tpu.memory_space<hbm>> -> memref<10000x128xf32, #tpu.memory_space<hbm>>
        tpu.enqueue_indirect_dma source(%dma_start3A_49 : memref<10000x128xf32, #tpu.memory_space<hbm>>) target(%arg9 : memref<125x128xf32, #tpu.memory_space<vmem>>) offsets(%dma_start3A_46 : memref<125xi32, #tpu.memory_space<vmem>>) semaphore(%arg12 : memref<!tpu.dma_semaphore, #tpu.memory_space<semaphore_mem>>)
        %dma_wait3A = arith.constant 0 : i32
        %dma_wait3A_50 = tpu.memref_slice %arg6[%mul3A_41, %dma_wait3A] : memref<16x125xi32, #tpu.memory_space<vmem>> -> memref<1x125xi32, #tpu.memory_space<vmem>>
        %dma_wait3A_51 = tpu.memref_squeeze %dma_wait3A_50 : memref<1x125xi32, #tpu.memory_space<vmem>> -> memref<125xi32, #tpu.memory_space<vmem>>
        %dma_wait3A_52 = arith.constant 0 : i32
        %dma_wait3A_53 = arith.constant 0 : i32
        %dma_wait3A_54 = tpu.memref_slice %arg2[%dma_wait3A_52, %dma_wait3A_53] : memref<10000x128xf32, #tpu.memory_space<hbm>> -> memref<10000x128xf32, #tpu.memory_space<hbm>>
        tpu.wait_indirect_dma semaphore(%arg11 : memref<!tpu.dma_semaphore, #tpu.memory_space<semaphore_mem>>) src(%dma_wait3A_54 : memref<10000x128xf32, #tpu.memory_space<hbm>>) dst(%arg8 : memref<125x128xf32, #tpu.memory_space<vmem>>)
        "tpu.region"() ({
          %run_scoped3A = tpu.sem_alloc : memref<!tpu.dma_semaphore, #tpu.memory_space<semaphore_mem>>
          %dma_start3A_67 = arith.constant 0 : i32
          %dma_start3A_68 = tpu.memref_slice %arg7[%mul3A_41, %dma_start3A_67] : memref<16x125xi32, #tpu.memory_space<vmem>> -> memref<1x125xi32, #tpu.memory_space<vmem>>
          %dma_start3A_69 = tpu.memref_squeeze %dma_start3A_68 : memref<1x125xi32, #tpu.memory_space<vmem>> -> memref<125xi32, #tpu.memory_space<vmem>>
          %dma_start3A_70 = arith.constant 0 : i32
          %dma_start3A_71 = arith.constant 0 : i32
          %dma_start3A_72 = tpu.memref_slice %arg10[%dma_start3A_70, %dma_start3A_71] : memref<10000x128xf32, #tpu.memory_space<vmem_shared>> -> memref<10000x128xf32, #tpu.memory_space<vmem_shared>>
          tpu.enqueue_indirect_dma source(%arg8 : memref<125x128xf32, #tpu.memory_space<vmem>>) target(%dma_start3A_72 : memref<10000x128xf32, #tpu.memory_space<vmem_shared>>) offsets(%dma_start3A_69 : memref<125xi32, #tpu.memory_space<vmem>>) semaphore(%run_scoped3A : memref<!tpu.dma_semaphore, #tpu.memory_space<semaphore_mem>>) {add = true}
          %dma_wait3A_73 = arith.constant 0 : i32
          %dma_wait3A_74 = tpu.memref_slice %arg7[%mul3A_41, %dma_wait3A_73] : memref<16x125xi32, #tpu.memory_space<vmem>> -> memref<1x125xi32, #tpu.memory_space<vmem>>
          %dma_wait3A_75 = tpu.memref_squeeze %dma_wait3A_74 : memref<1x125xi32, #tpu.memory_space<vmem>> -> memref<125xi32, #tpu.memory_space<vmem>>
          %dma_wait3A_76 = arith.constant 0 : i32
          %dma_wait3A_77 = arith.constant 0 : i32
          %dma_wait3A_78 = tpu.memref_slice %arg10[%dma_wait3A_76, %dma_wait3A_77] : memref<10000x128xf32, #tpu.memory_space<vmem_shared>> -> memref<10000x128xf32, #tpu.memory_space<vmem_shared>>
          tpu.wait_indirect_dma semaphore(%run_scoped3A : memref<!tpu.dma_semaphore, #tpu.memory_space<semaphore_mem>>) src(%arg8 : memref<125x128xf32, #tpu.memory_space<vmem>>) dst(%dma_wait3A_78 : memref<10000x128xf32, #tpu.memory_space<vmem_shared>>)
          tpu.yield
        }) : () -> ()
        %add3A_55 = arith.constant 1 : i32
        %add3A_56 = arith.addi %scan3A_39, %add3A_55 : i32
        %lt3A = arith.constant 8 : i32
        %lt3A_57 = arith.cmpi slt, %add3A_56, %lt3A : i32
        %convert_element_type3A = arith.extui %lt3A_57 : i1 to i32
        %cond3A = arith.constant 0 : i32
        %cond3A_58 = arith.cmpi ne, %convert_element_type3A, %cond3A : i32
        scf.if %cond3A_58 {
          %add3A_67 = arith.constant 2 : i32
          %add3A_68 = arith.addi %mul3A_41, %add3A_67 : i32
          %dma_start3A_69 = arith.constant 0 : i32
          %dma_start3A_70 = tpu.memref_slice %arg6[%add3A_68, %dma_start3A_69] : memref<16x125xi32, #tpu.memory_space<vmem>> -> memref<1x125xi32, #tpu.memory_space<vmem>>
          %dma_start3A_71 = tpu.memref_squeeze %dma_start3A_70 : memref<1x125xi32, #tpu.memory_space<vmem>> -> memref<125xi32, #tpu.memory_space<vmem>>
          %dma_start3A_72 = arith.constant 0 : i32
          %dma_start3A_73 = arith.constant 0 : i32
          %dma_start3A_74 = tpu.memref_slice %arg2[%dma_start3A_72, %dma_start3A_73] : memref<10000x128xf32, #tpu.memory_space<hbm>> -> memref<10000x128xf32, #tpu.memory_space<hbm>>
          tpu.enqueue_indirect_dma source(%dma_start3A_74 : memref<10000x128xf32, #tpu.memory_space<hbm>>) target(%arg8 : memref<125x128xf32, #tpu.memory_space<vmem>>) offsets(%dma_start3A_71 : memref<125xi32, #tpu.memory_space<vmem>>) semaphore(%arg11 : memref<!tpu.dma_semaphore, #tpu.memory_space<semaphore_mem>>)
        } else {
        }
        %dma_wait3A_59 = arith.constant 0 : i32
        %dma_wait3A_60 = tpu.memref_slice %arg6[%add3A_43, %dma_wait3A_59] : memref<16x125xi32, #tpu.memory_space<vmem>> -> memref<1x125xi32, #tpu.memory_space<vmem>>
        %dma_wait3A_61 = tpu.memref_squeeze %dma_wait3A_60 : memref<1x125xi32, #tpu.memory_space<vmem>> -> memref<125xi32, #tpu.memory_space<vmem>>
        %dma_wait3A_62 = arith.constant 0 : i32
        %dma_wait3A_63 = arith.constant 0 : i32
        %dma_wait3A_64 = tpu.memref_slice %arg2[%dma_wait3A_62, %dma_wait3A_63] : memref<10000x128xf32, #tpu.memory_space<hbm>> -> memref<10000x128xf32, #tpu.memory_space<hbm>>
        tpu.wait_indirect_dma semaphore(%arg12 : memref<!tpu.dma_semaphore, #tpu.memory_space<semaphore_mem>>) src(%dma_wait3A_64 : memref<10000x128xf32, #tpu.memory_space<hbm>>) dst(%arg9 : memref<125x128xf32, #tpu.memory_space<vmem>>)
        %add3A_65 = arith.constant 1 : i32
        %add3A_66 = arith.addi %mul3A_41, %add3A_65 : i32
        "tpu.region"() ({
          %run_scoped3A = tpu.sem_alloc : memref<!tpu.dma_semaphore, #tpu.memory_space<semaphore_mem>>
          %dma_start3A_67 = arith.constant 0 : i32
          %dma_start3A_68 = tpu.memref_slice %arg7[%add3A_66, %dma_start3A_67] : memref<16x125xi32, #tpu.memory_space<vmem>> -> memref<1x125xi32, #tpu.memory_space<vmem>>
          %dma_start3A_69 = tpu.memref_squeeze %dma_start3A_68 : memref<1x125xi32, #tpu.memory_space<vmem>> -> memref<125xi32, #tpu.memory_space<vmem>>
          %dma_start3A_70 = arith.constant 0 : i32
          %dma_start3A_71 = arith.constant 0 : i32
          %dma_start3A_72 = tpu.memref_slice %arg10[%dma_start3A_70, %dma_start3A_71] : memref<10000x128xf32, #tpu.memory_space<vmem_shared>> -> memref<10000x128xf32, #tpu.memory_space<vmem_shared>>
          tpu.enqueue_indirect_dma source(%arg9 : memref<125x128xf32, #tpu.memory_space<vmem>>) target(%dma_start3A_72 : memref<10000x128xf32, #tpu.memory_space<vmem_shared>>) offsets(%dma_start3A_69 : memref<125xi32, #tpu.memory_space<vmem>>) semaphore(%run_scoped3A : memref<!tpu.dma_semaphore, #tpu.memory_space<semaphore_mem>>) {add = true}
          %dma_wait3A_73 = arith.constant 0 : i32
          %dma_wait3A_74 = tpu.memref_slice %arg7[%add3A_66, %dma_wait3A_73] : memref<16x125xi32, #tpu.memory_space<vmem>> -> memref<1x125xi32, #tpu.memory_space<vmem>>
          %dma_wait3A_75 = tpu.memref_squeeze %dma_wait3A_74 : memref<1x125xi32, #tpu.memory_space<vmem>> -> memref<125xi32, #tpu.memory_space<vmem>>
          %dma_wait3A_76 = arith.constant 0 : i32
          %dma_wait3A_77 = arith.constant 0 : i32
          %dma_wait3A_78 = tpu.memref_slice %arg10[%dma_wait3A_76, %dma_wait3A_77] : memref<10000x128xf32, #tpu.memory_space<vmem_shared>> -> memref<10000x128xf32, #tpu.memory_space<vmem_shared>>
          tpu.wait_indirect_dma semaphore(%run_scoped3A : memref<!tpu.dma_semaphore, #tpu.memory_space<semaphore_mem>>) src(%arg9 : memref<125x128xf32, #tpu.memory_space<vmem>>) dst(%dma_wait3A_78 : memref<10000x128xf32, #tpu.memory_space<vmem_shared>>)
          tpu.yield
        }) : () -> ()
      }
      %scan3A_38 = arith.constant 8 : i32
    }
    %scan3A_18 = arith.constant 5 : i32
    %barrier3A_19 = arith.constant 0 : index
    tpu.barrier barrier_id(%barrier3A_19)
    %mul3A_20 = arith.constant 625 : i32
    %mul3A_21 = arith.muli %arg1, %mul3A_20 : i32
    "tpu.region"() ({
      %run_scoped3A = tpu.sem_alloc : memref<!tpu.dma_semaphore, #tpu.memory_space<semaphore_mem>>
      %dma_start3A = arith.constant 0 : i32
      %dma_start3A_22 = arith.constant 0 : i32
      %dma_start3A_23 = tpu.memref_slice %arg5[%arg0, %arg1, %dma_start3A, %dma_start3A_22] : memref<2x16x625x128xf32, #tpu.memory_space<hbm>> -> memref<1x1x625x128xf32, #tpu.memory_space<hbm>>
      %dma_start3A_24 = tpu.memref_squeeze %dma_start3A_23 : memref<1x1x625x128xf32, #tpu.memory_space<hbm>> -> memref<625x128xf32, #tpu.memory_space<hbm>>
      %dma_start3A_25 = arith.constant 0 : i32
      %dma_start3A_26 = tpu.memref_slice %arg10[%mul3A_21, %dma_start3A_25] : memref<10000x128xf32, #tpu.memory_space<vmem_shared>> -> memref<625x128xf32, #tpu.memory_space<vmem_shared>>
      tpu.enqueue_dma source(%dma_start3A_26 : memref<625x128xf32, #tpu.memory_space<vmem_shared>>) target(%dma_start3A_24 : memref<625x128xf32, #tpu.memory_space<hbm>>) target_semaphore(%run_scoped3A : memref<!tpu.dma_semaphore, #tpu.memory_space<semaphore_mem>>)
      %dma_wait3A = arith.constant 0 : i32
      %dma_wait3A_27 = arith.constant 0 : i32
      %dma_wait3A_28 = tpu.memref_slice %arg5[%arg0, %arg1, %dma_wait3A, %dma_wait3A_27] : memref<2x16x625x128xf32, #tpu.memory_space<hbm>> -> memref<1x1x625x128xf32, #tpu.memory_space<hbm>>
      %dma_wait3A_29 = tpu.memref_squeeze %dma_wait3A_28 : memref<1x1x625x128xf32, #tpu.memory_space<hbm>> -> memref<625x128xf32, #tpu.memory_space<hbm>>
      %dma_wait3A_30 = arith.constant 0 : i32
      %dma_wait3A_31 = tpu.memref_slice %arg10[%mul3A_21, %dma_wait3A_30] : memref<10000x128xf32, #tpu.memory_space<vmem_shared>> -> memref<625x128xf32, #tpu.memory_space<vmem_shared>>
      tpu.wait_dma2 semaphore(%run_scoped3A : memref<!tpu.dma_semaphore, #tpu.memory_space<semaphore_mem>>) src(%dma_wait3A_31 : memref<625x128xf32, #tpu.memory_space<vmem_shared>>) dst(%dma_wait3A_29 : memref<625x128xf32, #tpu.memory_space<hbm>>)
      tpu.yield
    }) : () -> ()
    return
  }
}

module attributes {stable_mosaic.version = 14 : i64} {
  func.func @_mm1a_body(%arg0: i32, %arg1: memref<1000x128xf32, #tpu.memory_space<vmem>>, %arg2: memref<128x256xf32, #tpu.memory_space<vmem>>, %arg3: memref<1000x256xf32, #tpu.memory_space<vmem>>) attributes {dimension_semantics = [#tpu.dimension_semantics<arbitrary>], iteration_bounds = array<i64: 10>, scalar_prefetch = 0 : i64, scratch_operands = 0 : i64, tpu.core_type = #tpu.core_type<tc>, window_params = [{transform_indices = @transform_0, window_bounds = array<i64: 1000, 128>}, {pipeline_mode = #tpu.pipeline_mode<synchronous>, transform_indices = @transform_1, window_bounds = array<i64: 128, 256>}, {transform_indices = @transform_2, window_bounds = array<i64: 1000, 256>}]} {
    %get3A = arith.constant 0 : index
    %get3A_0 = arith.constant 0 : index
    %get3A_1 = vector.load %arg1[%get3A, %get3A_0] : memref<1000x128xf32, #tpu.memory_space<vmem>>, vector<1000x128xf32>
    %get3A_2 = arith.constant 0 : index
    %get3A_3 = arith.constant 0 : index
    %get3A_4 = vector.load %arg2[%get3A_2, %get3A_3] : memref<128x256xf32, #tpu.memory_space<vmem>>, vector<128x256xf32>
    %dot_general3A = arith.constant dense<0.000000e+00> : vector<1000x256xf32>
    %dot_general3A_5 = tpu.matmul %get3A_1, %get3A_4, %dot_general3A {dimension_numbers = #tpu.dot_dimension_numbers<[1], [0], [0], [1], [0, 0, 1, 1], [], []>, transpose_lhs_hint = false} : vector<1000x128xf32>, vector<128x256xf32>, vector<1000x256xf32> -> vector<1000x256xf32>
    %swap3A = arith.constant 0 : index
    %swap3A_6 = arith.constant 0 : index
    %swap3A_7 = vector.load %arg3[%swap3A, %swap3A_6] : memref<1000x256xf32, #tpu.memory_space<vmem>>, vector<1000x256xf32>
    tpu.vector_store %arg3[%swap3A, %swap3A_6], %dot_general3A_5 {strides = array<i32>} : memref<1000x256xf32, #tpu.memory_space<vmem>>, vector<1000x256xf32>,
    return
  }
  func.func @transform_0(%arg0: i32) -> (i32, i32) {
    %c0_i32 = arith.constant 0 : i32
    %c0_i32_0 = arith.constant 0 : i32
    return %arg0, %c0_i32 : i32, i32
  }
  func.func @transform_1(%arg0: i32) -> (i32, i32) {
    %c0_i32 = arith.constant 0 : i32
    %c0_i32_0 = arith.constant 0 : i32
    %c0_i32_1 = arith.constant 0 : i32
    return %c0_i32, %c0_i32_0 : i32, i32
  }
  func.func @transform_2(%arg0: i32) -> (i32, i32) {
    %c0_i32 = arith.constant 0 : i32
    %c0_i32_0 = arith.constant 0 : i32
    return %arg0, %c0_i32 : i32, i32
  }
}

module attributes {stable_mosaic.version = 14 : i64} {
  func.func @_mm1b_body(%arg0: i32, %arg1: memref<2x10000x16xf32, #tpu.memory_space<vmem>>, %arg2: memref<1000x256xf32, #tpu.memory_space<vmem>>, %arg3: memref<1000x256xf32, #tpu.memory_space<vmem>>) attributes {dimension_semantics = [#tpu.dimension_semantics<arbitrary>], iteration_bounds = array<i64: 10>, scalar_prefetch = 0 : i64, scratch_operands = 0 : i64, tpu.core_type = #tpu.core_type<tc>, window_params = [{pipeline_mode = #tpu.pipeline_mode<synchronous>, transform_indices = @transform_0, window_bounds = array<i64: 2, 10000, 16>}, {transform_indices = @transform_1, window_bounds = array<i64: 1000, 256>}, {transform_indices = @transform_2, window_bounds = array<i64: 1000, 256>}]} {
    %mul3A = arith.constant 1000 : i32
    %mul3A_0 = arith.muli %arg0, %mul3A : i32
    %get3A = arith.constant 0 : index
    %get3A_1 = arith.index_cast %mul3A_0 : i32 to index
    %get3A_2 = arith.constant 0 : index
    %get3A_3 = vector.load %arg1[%get3A, %get3A_1, %get3A_2] : memref<2x10000x16xf32, #tpu.memory_space<vmem>>, vector<2x1000x16xf32>
    %reduce_sum3A = arith.constant dense<0.000000e+00> : vector<1000x16xf32>
    %reduce_sum3A_4 = vector.multi_reduction <add>, %get3A_3, %reduce_sum3A [0] : vector<2x1000x16xf32> to vector<1000x16xf32>
    %reduce_sum3A_5 = arith.constant dense<0.000000e+00> : vector<1000xf32>
    %reduce_sum3A_6 = vector.multi_reduction <add>, %reduce_sum3A_4, %reduce_sum3A_5 [1] : vector<1000x16xf32> to vector<1000xf32>
    %add3A = arith.constant 1.000000e+00 : f32
    %add3A_7 = vector.broadcast %add3A : f32 to vector<1000xf32>
    %add3A_8 = arith.addf %reduce_sum3A_6, %add3A_7 : vector<1000xf32>
    %rsqrt3A = math.rsqrt %add3A_8 : vector<1000xf32>
    %get3A_9 = arith.constant 0 : index
    %get3A_10 = arith.constant 0 : index
    %get3A_11 = vector.load %arg2[%get3A_9, %get3A_10] : memref<1000x256xf32, #tpu.memory_space<vmem>>, vector<1000x256xf32>
    %broadcast_in_dim3A = vector.shape_cast %rsqrt3A : vector<1000xf32> to vector<1000x1xf32>
    %mul3A_12 = vector.broadcast %broadcast_in_dim3A : vector<1000x1xf32> to vector<1000x256xf32>
    %mul3A_13 = arith.mulf %get3A_11, %mul3A_12 : vector<1000x256xf32>
    %swap3A = arith.constant 0 : index
    %swap3A_14 = arith.constant 0 : index
    %swap3A_15 = vector.load %arg3[%swap3A, %swap3A_14] : memref<1000x256xf32, #tpu.memory_space<vmem>>, vector<1000x256xf32>
    tpu.vector_store %arg3[%swap3A, %swap3A_14], %mul3A_13 {strides = array<i32>} : memref<1000x256xf32, #tpu.memory_space<vmem>>, vector<1000x256xf32>,
    return
  }
  func.func @transform_0(%arg0: i32) -> (i32, i32, i32) {
    %c0_i32 = arith.constant 0 : i32
    %c0_i32_0 = arith.constant 0 : i32
    %c0_i32_1 = arith.constant 0 : i32
    %c0_i32_2 = arith.constant 0 : i32
    return %c0_i32, %c0_i32_0, %c0_i32_1 : i32, i32, i32
  }
  func.func @transform_1(%arg0: i32) -> (i32, i32) {
    %c0_i32 = arith.constant 0 : i32
    %c0_i32_0 = arith.constant 0 : i32
    return %arg0, %c0_i32 : i32, i32
  }
  func.func @transform_2(%arg0: i32) -> (i32, i32) {
    %c0_i32 = arith.constant 0 : i32
    %c0_i32_0 = arith.constant 0 : i32
    return %arg0, %c0_i32 : i32, i32
  }
}

module attributes {stable_mosaic.version = 14 : i64} {
  func.func @_mm2_body(%arg0: i32, %arg1: memref<2x10000x16xf32, #tpu.memory_space<vmem>>, %arg2: memref<1000x128xf32, #tpu.memory_space<vmem>>, %arg3: memref<1000x128xf32, #tpu.memory_space<vmem>>, %arg4: memref<1000x256xf32, #tpu.memory_space<vmem>>, %arg5: memref<1x256xf32, #tpu.memory_space<vmem>>, %arg6: memref<256x128xf32, #tpu.memory_space<vmem>>, %arg7: memref<1000x128xf32, #tpu.memory_space<vmem>>) attributes {dimension_semantics = [#tpu.dimension_semantics<arbitrary>], iteration_bounds = array<i64: 10>, scalar_prefetch = 0 : i64, scratch_operands = 0 : i64, tpu.core_type = #tpu.core_type<tc>, window_params = [{pipeline_mode = #tpu.pipeline_mode<synchronous>, transform_indices = @transform_0, window_bounds = array<i64: 2, 10000, 16>}, {transform_indices = @transform_1, window_bounds = array<i64: 1000, 128>}, {transform_indices = @transform_2, window_bounds = array<i64: 1000, 128>}, {transform_indices = @transform_3, window_bounds = array<i64: 1000, 256>}, {pipeline_mode = #tpu.pipeline_mode<synchronous>, transform_indices = @transform_4, window_bounds = array<i64: 1, 256>}, {pipeline_mode = #tpu.pipeline_mode<synchronous>, transform_indices = @transform_5, window_bounds = array<i64: 256, 128>}, {transform_indices = @transform_6, window_bounds = array<i64: 1000, 128>}]} {
    %mul3A = arith.constant 1000 : i32
    %mul3A_0 = arith.muli %arg0, %mul3A : i32
    %get3A = arith.constant 0 : index
    %get3A_1 = arith.index_cast %mul3A_0 : i32 to index
    %get3A_2 = arith.constant 0 : index
    %get3A_3 = vector.load %arg1[%get3A, %get3A_1, %get3A_2] : memref<2x10000x16xf32, #tpu.memory_space<vmem>>, vector<2x1000x16xf32>
    %reduce_sum3A = arith.constant dense<0.000000e+00> : vector<1000x16xf32>
    %reduce_sum3A_4 = vector.multi_reduction <add>, %get3A_3, %reduce_sum3A [0] : vector<2x1000x16xf32> to vector<1000x16xf32>
    %reduce_sum3A_5 = arith.constant dense<0.000000e+00> : vector<1000xf32>
    %reduce_sum3A_6 = vector.multi_reduction <add>, %reduce_sum3A_4, %reduce_sum3A_5 [1] : vector<1000x16xf32> to vector<1000xf32>
    %add3A = arith.constant 1.000000e+00 : f32
    %add3A_7 = vector.broadcast %add3A : f32 to vector<1000xf32>
    %add3A_8 = arith.addf %reduce_sum3A_6, %add3A_7 : vector<1000xf32>
    %rsqrt3A = math.rsqrt %add3A_8 : vector<1000xf32>
    %broadcast_in_dim3A = vector.shape_cast %rsqrt3A : vector<1000xf32> to vector<1000x1xf32>
    %get3A_9 = arith.constant 0 : index
    %get3A_10 = arith.constant 0 : index
    %get3A_11 = vector.load %arg2[%get3A_9, %get3A_10] : memref<1000x128xf32, #tpu.memory_space<vmem>>, vector<1000x128xf32>
    %get3A_12 = arith.constant 0 : index
    %get3A_13 = arith.constant 0 : index
    %get3A_14 = vector.load %arg3[%get3A_12, %get3A_13] : memref<1000x128xf32, #tpu.memory_space<vmem>>, vector<1000x128xf32>
    %concatenate3A = tpu.concatenate %get3A_11, %get3A_14 in 1 : vector<1000x128xf32>, vector<1000x128xf32> -> vector<1000x256xf32>
    %get3A_15 = arith.constant 0 : index
    %get3A_16 = arith.constant 0 : index
    %get3A_17 = vector.load %arg4[%get3A_15, %get3A_16] : memref<1000x256xf32, #tpu.memory_space<vmem>>, vector<1000x256xf32>
    %add3A_18 = arith.addf %concatenate3A, %get3A_17 : vector<1000x256xf32>
    %mul3A_19 = vector.broadcast %broadcast_in_dim3A : vector<1000x1xf32> to vector<1000x256xf32>
    %mul3A_20 = arith.mulf %add3A_18, %mul3A_19 : vector<1000x256xf32>
    %get3A_21 = arith.constant 0 : index
    %get3A_22 = arith.constant 0 : index
    %get3A_23 = vector.load %arg5[%get3A_21, %get3A_22] : memref<1x256xf32, #tpu.memory_space<vmem>>, vector<1x256xf32>
    %add3A_24 = vector.broadcast %get3A_23 : vector<1x256xf32> to vector<1000x256xf32>
    %add3A_25 = arith.addf %mul3A_20, %add3A_24 : vector<1000x256xf32>
    %max3A = arith.constant 0.000000e+00 : f32
    %max3A_26 = vector.broadcast %max3A : f32 to vector<1000x256xf32>
    %max3A_27 = arith.maximumf %add3A_25, %max3A_26 : vector<1000x256xf32>
    %get3A_28 = arith.constant 0 : index
    %get3A_29 = arith.constant 0 : index
    %get3A_30 = vector.load %arg6[%get3A_28, %get3A_29] : memref<256x128xf32, #tpu.memory_space<vmem>>, vector<256x128xf32>
    %dot_general3A = arith.constant dense<0.000000e+00> : vector<1000x128xf32>
    %dot_general3A_31 = tpu.matmul %max3A_27, %get3A_30, %dot_general3A {dimension_numbers = #tpu.dot_dimension_numbers<[1], [0], [0], [1], [0, 0, 1, 1], [], []>, transpose_lhs_hint = false} : vector<1000x256xf32>, vector<256x128xf32>, vector<1000x128xf32> -> vector<1000x128xf32>
    %mul3A_32 = vector.broadcast %broadcast_in_dim3A : vector<1000x1xf32> to vector<1000x128xf32>
    %mul3A_33 = arith.mulf %dot_general3A_31, %mul3A_32 : vector<1000x128xf32>
    %swap3A = arith.constant 0 : index
    %swap3A_34 = arith.constant 0 : index
    %swap3A_35 = vector.load %arg7[%swap3A, %swap3A_34] : memref<1000x128xf32, #tpu.memory_space<vmem>>, vector<1000x128xf32>
    tpu.vector_store %arg7[%swap3A, %swap3A_34], %mul3A_33 {strides = array<i32>} : memref<1000x128xf32, #tpu.memory_space<vmem>>, vector<1000x128xf32>,
    return
  }
  func.func @transform_0(%arg0: i32) -> (i32, i32, i32) {
    %c0_i32 = arith.constant 0 : i32
    %c0_i32_0 = arith.constant 0 : i32
    %c0_i32_1 = arith.constant 0 : i32
    %c0_i32_2 = arith.constant 0 : i32
    return %c0_i32, %c0_i32_0, %c0_i32_1 : i32, i32, i32
  }
  func.func @transform_1(%arg0: i32) -> (i32, i32) {
    %c0_i32 = arith.constant 0 : i32
    %c0_i32_0 = arith.constant 0 : i32
    return %arg0, %c0_i32 : i32, i32
  }
  func.func @transform_2(%arg0: i32) -> (i32, i32) {
    %c0_i32 = arith.constant 0 : i32
    %c0_i32_0 = arith.constant 0 : i32
    return %arg0, %c0_i32 : i32, i32
  }
  func.func @transform_3(%arg0: i32) -> (i32, i32) {
    %c0_i32 = arith.constant 0 : i32
    %c0_i32_0 = arith.constant 0 : i32
    return %arg0, %c0_i32 : i32, i32
  }
  func.func @transform_4(%arg0: i32) -> (i32, i32) {
    %c0_i32 = arith.constant 0 : i32
    %c0_i32_0 = arith.constant 0 : i32
    %c0_i32_1 = arith.constant 0 : i32
    return %c0_i32, %c0_i32_0 : i32, i32
  }
  func.func @transform_5(%arg0: i32) -> (i32, i32) {
    %c0_i32 = arith.constant 0 : i32
    %c0_i32_0 = arith.constant 0 : i32
    %c0_i32_1 = arith.constant 0 : i32
    return %c0_i32, %c0_i32_0 : i32, i32
  }
  func.func @transform_6(%arg0: i32) -> (i32, i32) {
    %c0_i32 = arith.constant 0 : i32
    %c0_i32_0 = arith.constant 0 : i32
    return %arg0, %c0_i32 : i32, i32
  }
}

module attributes {stable_mosaic.version = 14 : i64} {
  func.func @_pool_body(%arg0: i32, %arg1: memref<2x10000x16xf32, #tpu.memory_space<vmem>>, %arg2: memref<1000x128xf32, #tpu.memory_space<vmem>>, %arg3: memref<1000x128xf32, #tpu.memory_space<vmem>>, %arg4: memref<1000x128xf32, #tpu.memory_space<vmem>>, %arg5: memref<1x128xf32, #tpu.memory_space<vmem>>, %arg6: memref<1x1x1000xi32, #tpu.memory_space<vmem>>, %arg7: memref<128x64xf32, #tpu.memory_space<vmem>>, %arg8: memref<1x64xf32, #tpu.memory_space<vmem>>, %arg9: memref<64x10xf32, #tpu.memory_space<vmem>>, %arg10: memref<1x10xf32, #tpu.memory_space<vmem>>, %arg11: memref<64x10xf32, #tpu.memory_space<vmem>>, %arg12: memref<64x129xf32, #tpu.memory_space<vmem>>) attributes {dimension_semantics = [#tpu.dimension_semantics<arbitrary>], iteration_bounds = array<i64: 10>, scalar_prefetch = 0 : i64, scratch_operands = 1 : i64, tpu.core_type = #tpu.core_type<tc>, window_params = [{pipeline_mode = #tpu.pipeline_mode<synchronous>, transform_indices = @transform_0, window_bounds = array<i64: 2, 10000, 16>}, {transform_indices = @transform_1, window_bounds = array<i64: 1000, 128>}, {transform_indices = @transform_2, window_bounds = array<i64: 1000, 128>}, {transform_indices = @transform_3, window_bounds = array<i64: 1000, 128>}, {pipeline_mode = #tpu.pipeline_mode<synchronous>, transform_indices = @transform_4, window_bounds = array<i64: 1, 128>}, {transform_indices = @transform_5, window_bounds = array<i64: 1, 1, 1000>}, {pipeline_mode = #tpu.pipeline_mode<synchronous>, transform_indices = @transform_6, window_bounds = array<i64: 128, 64>}, {pipeline_mode = #tpu.pipeline_mode<synchronous>, transform_indices = @transform_7, window_bounds = array<i64: 1, 64>}, {pipeline_mode = #tpu.pipeline_mode<synchronous>, transform_indices = @transform_8, window_bounds = array<i64: 64, 10>}, {pipeline_mode = #tpu.pipeline_mode<synchronous>, transform_indices = @transform_9, window_bounds = array<i64: 1, 10>}, {pipeline_mode = #tpu.pipeline_mode<synchronous>, transform_indices = @transform_10, window_bounds = array<i64: 64, 10>}]} {
    %mul3A = arith.constant 1000 : i32
    %mul3A_0 = arith.muli %arg0, %mul3A : i32
    %get3A = arith.constant 0 : index
    %get3A_1 = arith.index_cast %mul3A_0 : i32 to index
    %get3A_2 = arith.constant 0 : index
    %get3A_3 = vector.load %arg1[%get3A, %get3A_1, %get3A_2] : memref<2x10000x16xf32, #tpu.memory_space<vmem>>, vector<2x1000x16xf32>
    %reduce_sum3A = arith.constant dense<0.000000e+00> : vector<1000x16xf32>
    %reduce_sum3A_4 = vector.multi_reduction <add>, %get3A_3, %reduce_sum3A [0] : vector<2x1000x16xf32> to vector<1000x16xf32>
    %reduce_sum3A_5 = arith.constant dense<0.000000e+00> : vector<1000xf32>
    %reduce_sum3A_6 = vector.multi_reduction <add>, %reduce_sum3A_4, %reduce_sum3A_5 [1] : vector<1000x16xf32> to vector<1000xf32>
    %add3A = arith.constant 1.000000e+00 : f32
    %add3A_7 = vector.broadcast %add3A : f32 to vector<1000xf32>
    %add3A_8 = arith.addf %reduce_sum3A_6, %add3A_7 : vector<1000xf32>
    %rsqrt3A = math.rsqrt %add3A_8 : vector<1000xf32>
    %broadcast_in_dim3A = vector.shape_cast %rsqrt3A : vector<1000xf32> to vector<1000x1xf32>
    %get3A_9 = arith.constant 0 : index
    %get3A_10 = arith.constant 0 : index
    %get3A_11 = vector.load %arg2[%get3A_9, %get3A_10] : memref<1000x128xf32, #tpu.memory_space<vmem>>, vector<1000x128xf32>
    %get3A_12 = arith.constant 0 : index
    %get3A_13 = arith.constant 0 : index
    %get3A_14 = vector.load %arg3[%get3A_12, %get3A_13] : memref<1000x128xf32, #tpu.memory_space<vmem>>, vector<1000x128xf32>
    %add3A_15 = arith.addf %get3A_11, %get3A_14 : vector<1000x128xf32>
    %get3A_16 = arith.constant 0 : index
    %get3A_17 = arith.constant 0 : index
    %get3A_18 = vector.load %arg4[%get3A_16, %get3A_17] : memref<1000x128xf32, #tpu.memory_space<vmem>>, vector<1000x128xf32>
    %add3A_19 = arith.addf %add3A_15, %get3A_18 : vector<1000x128xf32>
    %mul3A_20 = vector.broadcast %broadcast_in_dim3A : vector<1000x1xf32> to vector<1000x128xf32>
    %mul3A_21 = arith.mulf %add3A_19, %mul3A_20 : vector<1000x128xf32>
    %get3A_22 = arith.constant 0 : index
    %get3A_23 = arith.constant 0 : index
    %get3A_24 = vector.load %arg5[%get3A_22, %get3A_23] : memref<1x128xf32, #tpu.memory_space<vmem>>, vector<1x128xf32>
    %add3A_25 = vector.broadcast %get3A_24 : vector<1x128xf32> to vector<1000x128xf32>
    %add3A_26 = arith.addf %mul3A_21, %add3A_25 : vector<1000x128xf32>
    %get3A_27 = arith.constant 0 : index
    %get3A_28 = arith.constant 0 : index
    %get3A_29 = arith.constant 0 : index
    %get3A_30 = vector.load %arg6[%get3A_27, %get3A_28, %get3A_29] : memref<1x1x1000xi32, #tpu.memory_space<vmem>>, vector<1x1x1000xi32>
    %get3A_31 = vector.shape_cast %get3A_30 : vector<1x1x1000xi32> to vector<1000xi32>
    %broadcast_in_dim3A_32 = vector.shape_cast %get3A_31 : vector<1000xi32> to vector<1000x1xi32>
    %iota3A = tpu.iota {dimensions = array<i32: 1>} : vector<1000x64xi32>
    %eq3A = vector.broadcast %broadcast_in_dim3A_32 : vector<1000x1xi32> to vector<1000x64xi32>
    %eq3A_33 = arith.cmpi eq, %eq3A, %iota3A : vector<1000x64xi32>
    %convert_element_type3A = arith.extui %eq3A_33 : vector<1000x64xi1> to vector<1000x64xi32>
    %convert_element_type3A_34 = arith.sitofp %convert_element_type3A : vector<1000x64xi32> to vector<1000x64xf32>
    %broadcast_in_dim3A_35 = arith.constant 1.000000e+00 : f32
    %broadcast_in_dim3A_36 = vector.broadcast %broadcast_in_dim3A_35 : f32 to vector<1000x1xf32>
    %concatenate3A = tpu.concatenate %add3A_26, %broadcast_in_dim3A_36 in 1 : vector<1000x128xf32>, vector<1000x1xf32> -> vector<1000x129xf32>
    %dot_general3A = arith.constant dense<0.000000e+00> : vector<64x129xf32>
    %dot_general3A_37 = tpu.matmul %convert_element_type3A_34, %concatenate3A, %dot_general3A {dimension_numbers = #tpu.dot_dimension_numbers<[0], [0], [1], [1], [0, 1, 1, 1], [], []>, transpose_lhs_hint = false} : vector<1000x64xf32>, vector<1000x129xf32>, vector<64x129xf32> -> vector<64x129xf32>
    %eq3A_38 = arith.constant 0 : i32
    %eq3A_39 = arith.cmpi eq, %arg0, %eq3A_38 : i32
    %convert_element_type3A_40 = arith.extui %eq3A_39 : i1 to i32
    %cond3A = arith.constant 0 : i32
    %cond3A_41 = arith.cmpi ne, %convert_element_type3A_40, %cond3A : i32
    scf.if %cond3A_41 {
      %swap3A = arith.constant 0 : index
      %swap3A_51 = arith.constant 0 : index
      %swap3A_52 = vector.load %arg12[%swap3A, %swap3A_51] : memref<64x129xf32, #tpu.memory_space<vmem>>, vector<64x129xf32>
      tpu.vector_store %arg12[%swap3A, %swap3A_51], %dot_general3A_37 {strides = array<i32>} : memref<64x129xf32, #tpu.memory_space<vmem>>, vector<64x129xf32>,
    } else {
    }
    %gt3A = arith.constant 0 : i32
    %gt3A_42 = arith.cmpi sgt, %arg0, %gt3A : i32
    %convert_element_type3A_43 = arith.extui %gt3A_42 : i1 to i32
    %cond3A_44 = arith.constant 0 : i32
    %cond3A_45 = arith.cmpi ne, %convert_element_type3A_43, %cond3A_44 : i32
    scf.if %cond3A_45 {
      %get3A_51 = arith.constant 0 : index
      %get3A_52 = arith.constant 0 : index
      %get3A_53 = vector.load %arg12[%get3A_51, %get3A_52] : memref<64x129xf32, #tpu.memory_space<vmem>>, vector<64x129xf32>
      %add3A_54 = arith.addf %get3A_53, %dot_general3A_37 : vector<64x129xf32>
      %swap3A = arith.constant 0 : index
      %swap3A_55 = arith.constant 0 : index
      %swap3A_56 = vector.load %arg12[%swap3A, %swap3A_55] : memref<64x129xf32, #tpu.memory_space<vmem>>, vector<64x129xf32>
      tpu.vector_store %arg12[%swap3A, %swap3A_55], %add3A_54 {strides = array<i32>} : memref<64x129xf32, #tpu.memory_space<vmem>>, vector<64x129xf32>,
    } else {
    }
    %eq3A_46 = arith.constant 9 : i32
    %eq3A_47 = arith.cmpi eq, %arg0, %eq3A_46 : i32
    %convert_element_type3A_48 = arith.extui %eq3A_47 : i1 to i32
    %cond3A_49 = arith.constant 0 : i32
    %cond3A_50 = arith.cmpi ne, %convert_element_type3A_48, %cond3A_49 : i32
    scf.if %cond3A_50 {
      %get3A_51 = arith.constant 0 : index
      %get3A_52 = arith.constant 0 : index
      %get3A_53 = vector.load %arg12[%get3A_51, %get3A_52] : memref<64x129xf32, #tpu.memory_space<vmem>>, vector<64x128xf32>
      %get3A_54 = arith.constant 0 : index
      %get3A_55 = arith.constant 128 : index
      %get3A_56 = vector.load %arg12[%get3A_54, %get3A_55] : memref<64x129xf32, #tpu.memory_space<vmem>>, vector<64x1xf32>
      %max3A = arith.constant 1.000000e+00 : f32
      %max3A_57 = vector.broadcast %max3A : f32 to vector<64x1xf32>
      %max3A_58 = arith.maximumf %get3A_56, %max3A_57 : vector<64x1xf32>
      %div3A = vector.broadcast %max3A_58 : vector<64x1xf32> to vector<64x128xf32>
      %div3A_59 = arith.divf %get3A_53, %div3A : vector<64x128xf32>
      %max3A_60 = arith.constant 0.000000e+00 : f32
      %max3A_61 = vector.broadcast %max3A_60 : f32 to vector<64x128xf32>
      %max3A_62 = arith.maximumf %div3A_59, %max3A_61 : vector<64x128xf32>
      %get3A_63 = arith.constant 0 : index
      %get3A_64 = arith.constant 0 : index
      %get3A_65 = vector.load %arg7[%get3A_63, %get3A_64] : memref<128x64xf32, #tpu.memory_space<vmem>>, vector<128x64xf32>
      %dot_general3A_66 = arith.constant dense<0.000000e+00> : vector<64x64xf32>
      %dot_general3A_67 = tpu.matmul %max3A_62, %get3A_65, %dot_general3A_66 {dimension_numbers = #tpu.dot_dimension_numbers<[1], [0], [0], [1], [0, 0, 1, 1], [], []>, transpose_lhs_hint = false} : vector<64x128xf32>, vector<128x64xf32>, vector<64x64xf32> -> vector<64x64xf32>
      %get3A_68 = arith.constant 0 : index
      %get3A_69 = arith.constant 0 : index
      %get3A_70 = vector.load %arg8[%get3A_68, %get3A_69] : memref<1x64xf32, #tpu.memory_space<vmem>>, vector<1x64xf32>
      %add3A_71 = vector.broadcast %get3A_70 : vector<1x64xf32> to vector<64x64xf32>
      %add3A_72 = arith.addf %dot_general3A_67, %add3A_71 : vector<64x64xf32>
      %max3A_73 = arith.constant 0.000000e+00 : f32
      %max3A_74 = vector.broadcast %max3A_73 : f32 to vector<64x64xf32>
      %max3A_75 = arith.maximumf %add3A_72, %max3A_74 : vector<64x64xf32>
      %get3A_76 = arith.constant 0 : index
      %get3A_77 = arith.constant 0 : index
      %get3A_78 = vector.load %arg9[%get3A_76, %get3A_77] : memref<64x10xf32, #tpu.memory_space<vmem>>, vector<64x10xf32>
      %dot_general3A_79 = arith.constant dense<0.000000e+00> : vector<64x10xf32>
      %dot_general3A_80 = tpu.matmul %max3A_75, %get3A_78, %dot_general3A_79 {dimension_numbers = #tpu.dot_dimension_numbers<[1], [0], [0], [1], [0, 0, 1, 1], [], []>, transpose_lhs_hint = false} : vector<64x64xf32>, vector<64x10xf32>, vector<64x10xf32> -> vector<64x10xf32>
      %get3A_81 = arith.constant 0 : index
      %get3A_82 = arith.constant 0 : index
      %get3A_83 = vector.load %arg10[%get3A_81, %get3A_82] : memref<1x10xf32, #tpu.memory_space<vmem>>, vector<1x10xf32>
      %add3A_84 = vector.broadcast %get3A_83 : vector<1x10xf32> to vector<64x10xf32>
      %add3A_85 = arith.addf %dot_general3A_80, %add3A_84 : vector<64x10xf32>
      %max3A_86 = arith.constant 0.000000e+00 : f32
      %max3A_87 = vector.broadcast %max3A_86 : f32 to vector<64x10xf32>
      %max3A_88 = arith.maximumf %add3A_85, %max3A_87 : vector<64x10xf32>
      %swap3A = arith.constant 0 : index
      %swap3A_89 = arith.constant 0 : index
      %swap3A_90 = vector.load %arg11[%swap3A, %swap3A_89] : memref<64x10xf32, #tpu.memory_space<vmem>>, vector<64x10xf32>
      tpu.vector_store %arg11[%swap3A, %swap3A_89], %max3A_88 {strides = array<i32>} : memref<64x10xf32, #tpu.memory_space<vmem>>, vector<64x10xf32>,
    } else {
    }
    return
  }
  func.func @transform_0(%arg0: i32) -> (i32, i32, i32) {
    %c0_i32 = arith.constant 0 : i32
    %c0_i32_0 = arith.constant 0 : i32
    %c0_i32_1 = arith.constant 0 : i32
    %c0_i32_2 = arith.constant 0 : i32
    return %c0_i32, %c0_i32_0, %c0_i32_1 : i32, i32, i32
  }
  func.func @transform_1(%arg0: i32) -> (i32, i32) {
    %c0_i32 = arith.constant 0 : i32
    %c0_i32_0 = arith.constant 0 : i32
    return %arg0, %c0_i32 : i32, i32
  }
  func.func @transform_2(%arg0: i32) -> (i32, i32) {
    %c0_i32 = arith.constant 0 : i32
    %c0_i32_0 = arith.constant 0 : i32
    return %arg0, %c0_i32 : i32, i32
  }
  func.func @transform_3(%arg0: i32) -> (i32, i32) {
    %c0_i32 = arith.constant 0 : i32
    %c0_i32_0 = arith.constant 0 : i32
    return %arg0, %c0_i32 : i32, i32
  }
  func.func @transform_4(%arg0: i32) -> (i32, i32) {
    %c0_i32 = arith.constant 0 : i32
    %c0_i32_0 = arith.constant 0 : i32
    %c0_i32_1 = arith.constant 0 : i32
    return %c0_i32, %c0_i32_0 : i32, i32
  }
  func.func @transform_5(%arg0: i32) -> (i32, i32, i32) {
    %c0_i32 = arith.constant 0 : i32
    %c0_i32_0 = arith.constant 0 : i32
    %c0_i32_1 = arith.constant 0 : i32
    return %arg0, %c0_i32, %c0_i32_0 : i32, i32, i32
  }
  func.func @transform_6(%arg0: i32) -> (i32, i32) {
    %c0_i32 = arith.constant 0 : i32
    %c0_i32_0 = arith.constant 0 : i32
    %c0_i32_1 = arith.constant 0 : i32
    return %c0_i32, %c0_i32_0 : i32, i32
  }
  func.func @transform_7(%arg0: i32) -> (i32, i32) {
    %c0_i32 = arith.constant 0 : i32
    %c0_i32_0 = arith.constant 0 : i32
    %c0_i32_1 = arith.constant 0 : i32
    return %c0_i32, %c0_i32_0 : i32, i32
  }
  func.func @transform_8(%arg0: i32) -> (i32, i32) {
    %c0_i32 = arith.constant 0 : i32
    %c0_i32_0 = arith.constant 0 : i32
    %c0_i32_1 = arith.constant 0 : i32
    return %c0_i32, %c0_i32_0 : i32, i32
  }
  func.func @transform_9(%arg0: i32) -> (i32, i32) {
    %c0_i32 = arith.constant 0 : i32
    %c0_i32_0 = arith.constant 0 : i32
    %c0_i32_1 = arith.constant 0 : i32
    return %c0_i32, %c0_i32_0 : i32, i32
  }
  func.func @transform_10(%arg0: i32) -> (i32, i32) {
    %c0_i32 = arith.constant 0 : i32
    %c0_i32_0 = arith.constant 0 : i32
    %c0_i32_1 = arith.constant 0 : i32
    return %c0_i32, %c0_i32_0 : i32, i32
  }
}

</mosaic_0001>

<sc_bundles>
// kernel: kernel.12.cloned.1.call-start
scs
__scs_entry_jumppad:
0x0: {  	(pc) =	sbr.rel $0x88, $3  }
0x1: {  	(tag) =	ssettag $0x0;
	lr =	simm.s32 $0x1  }
0x2: {  	[smem:$0x3F96] =	sst lr;
	_ =	strace $0xD0000000  }
0x3: {  	_ = 	snop  }
0x4: {  	_ = 	snop  }
0x5: {  	_ = 	snop  }
0x6: {  	_ = 	snop  }
0x7: {  	_ = 	snop  }
__scs_overlays_trampoline_lowered:
0x8: {  	[smem:$0x3FA5] =	sst s0  }
0x9: {  	[smem:$0x3FA6] =	sst s1  }
0xa: {  	[smem:$0x3FA7] =	sst s2  }
0xb: {  	[smem:$0x3FA8] =	sst s3  }
0xc: {  	[smem:$0x3FA9] =	sst s4  }
0xd: {  	[smem:$0x3FAA] =	sst s5  }
0xe: {  	[smem:$0x3FAB] =	sst s6  }
0xf: {  	[smem:$0x3FAC] =	sst s7  }
0x10: {  	[smem:$0x3FAD] =	sst s8  }
0x11: {  	[smem:$0x3FAE] =	sst s9;
	s0 =	simm.s32 @!p0 $0x0  }
0x12: {  	s1 =	sld [smem:$0x3F94];
	s0 =	simm.s32 @p0 $0x1  }
0x13: {  	[smem:$0x3FAF] =	sst s0;
	s0 =	simm.s32 @!p1 $0x0  }
0x14: {  	s2 =	sld [smem:$0x3F93];
	s0 =	simm.s32 @p1 $0x1  }
0x15: {  	[smem:$0x3FB0] =	sst s0;
	s0 =	simm.s32 @!p2 $0x0  }
0x16: {  	s3 =	sld [smem:$0x3FDB];
	s0 =	simm.s32 @p2 $0x1  }
0x17: {  	s4 =	simm.s32 $0x1BF5;
	[smem:$0x3FB2] =	sst s0  }
0x18: {  	s0 =	sld [smem:$0x3F95];
	_ =	swait.ge [sflag:s4], $0x0  }
0x19: {  	s7 =	sld [smem:$0x3F96]  }
0x1a: {  	s8 =	sadd.s32 $0xFFFFE003, lr  }
0x1b: {  	s9 =	sadd.s32 $0xFFFFFEF7, lr;
	s5 =	simm.s32 $0xFFFFFFFF;
	p2 =	slt.u32 s8, $0xFFFFF086  }
0x1c: {  	p1 =	slt.u32 s9, $0xF7A;
	s5 =	simm.s32 @!p2 $0x0  }
0x1d: {  	s5 =	simm.s32 @p1 $0x1;
	p0 =	seq.s32 s7, s2  }
0x1e: {  	s7 =	smul.u32 @!p0 $0xF7A, s2;
	p2 =	seq.s32 @!p0 s5, $0x0  }
0x1f: {  	s9 =	smul.u32 $0xF7A, s1;
	s8 =	simm.s32 @!p0 $0x1BF5;
	p2 =	por !p2, p0  }
0x20: {  	[sflag:s8] =	ssyncset.s32 @!p0 $0xFFFFF086;
	s6 =	sadd.s32 @!p0 s3, s7;
	s7 =	simm.s32 @!p0 $0x108  }
0x21: {  	s3 =	sadd.s32 s3, s9;
	s6 =	sadd.s32 @!p0 $0x88, s6;
	s7 =	simm.s32 @p2 $0x1082  }
0x22: {  	[simem:s7], [sflag:s8] =	dma.local @!p0 [hbm:s6], $0xF7A  }
0x23: {  	s9 =	sor.u32 $0xD0000000, s2;
	s6 =	simm.s32 $0x108;
	_ =	swait.ge @!p0 [sflag:s8], $0x0  }
0x24: {  	s3 =	sadd.s32 $0x88, s3;
	s6 =	simm.s32 @!p1 $0x1082;
	[sflag:s4] =	ssyncset.s32 $0xFFFFF086  }
0x25: {  	[simem:s6], [sflag:s4] =	dma.local [hbm:s3], $0xF7A  }
0x26: {  	[smem:$0x3F96] =	sst s1;
	(tag) =	ssettag s2;
	_ =	strace s9  }
0x27: {  	s1 =	sld [smem:$0x3FA6]  }
0x28: {  	s2 =	sld [smem:$0x3FA7]  }
0x29: {  	s4 =	sld [smem:$0x3FA9]  }
0x2a: {  	p0 =	seq.s32 s5, $0x0;
	s5 =	sld [smem:$0x3FAA]  }
0x2b: {  	s6 =	sld [smem:$0x3FAB]  }
0x2c: {  	s7 =	sld [smem:$0x3FAC]  }
0x2d: {  	s3 =	simm.s32 $0x108;
	s8 =	sld [smem:$0x3FAD]  }
0x2e: {  	s3 =	simm.s32 @!p0 $0x1082;
	s9 =	sld [smem:$0x3FAE]  }
0x2f: {  	lr =	sadd.s32 s0, s3;
	s0 =	sld [smem:$0x3FA5]  }
0x30: {  	s3 =	sld [smem:$0x3FA8]  }
0x31: {  	[smem:$0x3FB1] =	sst s10  }
0x32: {  	s10 =	sld [smem:$0x3FAF];
	_ =	sdelay $0x3  }
0x33: {  	p0 =	seq.s32 s10, $0x1;
	s10 =	sld [smem:$0x3FB1];
	_ =	sdelay $0x3  }
0x34: {  	[smem:$0x3FB1] =	sst s10  }
0x35: {  	s10 =	sld [smem:$0x3FB0];
	_ =	sdelay $0x3  }
0x36: {  	p1 =	seq.s32 s10, $0x1;
	s10 =	sld [smem:$0x3FB1];
	_ =	sdelay $0x3  }
0x37: {  	[smem:$0x3FB1] =	sst s10  }
0x38: {  	s10 =	sld [smem:$0x3FB2]  }
0x39: {  	_ = 	snop;
	(pc) =	sbr.ind lr, $3  }
0x3a: {  	_ = 	snop  }
0x3b: {  	_ = 	snop  }
0x3c: {  	p2 =	seq.s32 s10, $0x1;
	s10 =	sld [smem:$0x3FB1]  }
0x3d: {  	_ =	shalt  }
0x3e: {  	_ =	shalt  }
0x3f: {  	_ =	shalt  }
0x40: {  	_ =	shalt  }
0x41: {  	_ =	shalt  }
0x42: {  	_ =	shalt  }
0x43: {  	_ =	shalt  }
0x44: {  	_ =	shalt  }
0x45: {  	_ =	shalt  }
0x46: {  	_ =	shalt  }
0x47: {  	_ =	shalt  }
0x48: {  	_ =	shalt  }
0x49: {  	_ =	shalt  }
0x4a: {  	_ =	shalt  }
0x4b: {  	_ =	shalt  }
0x4c: {  	_ =	shalt  }
0x4d: {  	_ =	shalt  }
0x4e: {  	_ =	shalt  }
0x4f: {  	_ =	shalt  }
0x50: {  	_ =	shalt  }
0x51: {  	_ =	shalt  }
0x52: {  	_ =	shalt  }
0x53: {  	_ =	shalt  }
0x54: {  	_ =	shalt  }
0x55: {  	_ =	shalt  }
0x56: {  	_ =	shalt  }
0x57: {  	_ =	shalt  }
0x58: {  	_ =	shalt  }
0x59: {  	_ =	shalt  }
0x5a: {  	_ =	shalt  }
0x5b: {  	_ =	shalt  }
0x5c: {  	_ =	shalt  }
0x5d: {  	_ =	shalt  }
0x5e: {  	_ =	shalt  }
0x5f: {  	_ =	shalt  }
0x60: {  	_ =	shalt  }
0x61: {  	_ =	shalt  }
0x62: {  	_ =	shalt  }
0x63: {  	_ =	shalt  }
0x64: {  	_ =	shalt  }
0x65: {  	_ =	shalt  }
0x66: {  	_ =	shalt  }
0x67: {  	_ =	shalt  }
0x68: {  	_ =	shalt  }
0x69: {  	_ =	shalt  }
0x6a: {  	_ =	shalt  }
0x6b: {  	_ =	shalt  }
0x6c: {  	_ =	shalt  }
0x6d: {  	_ =	shalt  }
0x6e: {  	_ =	shalt  }
0x6f: {  	_ =	shalt  }
0x70: {  	_ =	shalt  }
0x71: {  	_ =	shalt  }
0x72: {  	_ =	shalt  }
0x73: {  	_ =	shalt  }
0x74: {  	_ =	shalt  }
0x75: {  	_ =	shalt  }
0x76: {  	_ =	shalt  }
0x77: {  	_ =	shalt  }
0x78: {  	_ =	shalt  }
0x79: {  	_ =	shalt  }
0x7a: {  	_ =	shalt  }
0x7b: {  	_ =	shalt  }
0x7c: {  	_ =	shalt  }
0x7d: {  	_ =	shalt  }
0x7e: {  	_ =	shalt  }
0x7f: {  	_ =	shalt  }
0x80: {  	_ =	shalt  }
0x81: {  	_ =	shalt  }
0x82: {  	_ =	shalt  }
0x83: {  	_ =	shalt  }
0x84: {  	_ =	shalt  }
0x85: {  	_ =	shalt  }
0x86: {  	_ =	shalt  }
0x87: {  	_ =	shalt  }
.Lfunc_end0:
.L_simem_size_0:
called_computation.1_lowered:
.L_overlay_start_0:
0x88: {  	s2 =	sld [smem:$0x3FD9]  }
0x89: {  	s3 =	sld [smem:$0x3FFE];
	_ =	sdelay $0x1  }
0x8a: {  	s1 =	srdreg.scid  }
0x8b: {  	s0 =	sand.u32 $0x1, s1  }
0x8c: {  	s16 =	sshll.u32 s0, $0xA;
	s2 =	sadd.s32 s3, s2  }
0x8d: {  	s2 =	sadd.s32 s2, s16  }
0x8e: {  	[smem:$0x3FBD] =	sst s2  }
0x8f: {  	_ = 	snop  }
0x90: {  	(tm) =	ssettm $0x1  }
0x91: {  	s17 =	sld [smem:$0x3FFB];
	_ =	sdelay $0x3  }
0x92: {  	_ =	strace s17  }
0x93: {  	s2 =	sld [smem:$0x3FFC];
	_ =	sdelay $0x3  }
0x94: {  	_ =	strace s2  }
0x95: {  	s2 =	sld [smem:$0x3FFD];
	_ =	sdelay $0x3  }
0x96: {  	_ =	strace s2  }
0x97: {  	_ =	strace $0x8FFFFFFF  }
0x98: {  	s18 =	sld [smem:$0x3FDB];
	_ =	sdelay $0x1  }
0x99: {  	s19 =	simm.s32 $_scs_section_size  }
0x9a: {  	s4 =	simm.s32 $_size__tile_overlayer_lowered;
	s5 =	simm.s32 $_tile_overlayer_lowered  }
0x9b: {  	s22 =	simm.s32 $0x1BFF;
	s21 =	sshll.u32 s5, $0x1;
	s2 =	sadd.s32 s19, s18  }
0x9c: {  	s6 =	simm.s32 $0x0;
	s20 =	sshll.u32 s4, $0x1;
	s4 =	sadd.s32 s21, s2  }
0x9d: {  	[timem:s6], [sflag:s22] =	dma.local [hbm:s4], s20  }
0x9e: {  	_ =	swait.ge [sflag:s22], s20  }
0x9f: {  	s3 =	ssub.s32 $0x0, s20;
	[sflag:s22] =	ssyncset.done $0x0  }
0xa0: {  	[sflag:s22] =	ssyncadd.s32 s3;
	_ =	sdelay $0x1  }
0xa1: {  	s23 =	simm.s32 $0x1B8B  }
0xa2: {  	_ =	swait.ge [sflag:s23], $0x1  }
0xa3: {  	[sflag:s23] =	ssyncset.done $0x0  }
0xa4: {  	s25 =	simm.s32 $0x1B8E;
	s24 =	sld [smem:$0x3FFE];
	[sflag:s23] =	ssyncadd.s32 $0xFFFFFFFF  }
0xa5: {  	s26 =	simm.s32 $execute0_lowered;
	[smem:$0x3FD2] =	sst s25  }
0xa6: {  	s4 =	sshll.u32 s26, $0x1;
	_ =	strace $0x80000049;
	[dreg:$0x1] =	wrdreg $0xFFFFFFFF  }
0xa7: {  	s28 =	simm.s32 $_size_execute0_lowered;
	s2 =	sadd.s32 s2, s4;
	[dreg:$0x0] =	wrdreg $0x0  }
0xa8: {  	s4 =	sshll.u32 s28, $0x1;
	[dreg:$0x2] =	wrdreg s2  }
0xa9: {  	[dreg:$0x3] =	wrdreg s4  }
0xaa: {  	[dreg:$0x4] =	wrdreg $0xC0  }
0xab: {  	_ =	task [dreg:s6], $0x5FFFF  }
0xac: {  	[dreg:$0x1] =	wrdreg $0xFFFFFFFF  }
0xad: {  	[dreg:$0x0] =	wrdreg $0x60  }
0xae: {  	[dreg:$0x2] =	wrdreg s24  }
0xaf: {  	[dreg:$0x3] =	wrdreg $0x90000  }
0xb0: {  	[dreg:$0x4] =	wrdreg $0x9  }
0xb1: {  	_ =	task.clear_ibuf [dreg:s6], $0x5FFFF;
	_ =	strace $0x90000049  }
0xb2: {  	s29 =	simm.s32 $0x9;
	_ =	strace $0x8000004B  }
0xb3: {  	_ =	swait.ge [sflag:s29], $0x1  }
0xb4: {  	[sflag:s29] =	ssyncadd.s32 $0xFFFFFFFF  }
0xb5: {  	_ =	strace $0x9000004B  }
0xb6: {  	_ =	sfence  }
0xb7: {  	s30 =	sld [smem:$0x0];
	_ =	sdelay $0x2  }
0xb8: {  	s31 =	sshll.u32 s1, $0xD;
	s1 =	sshrl.u32 s1, $0x2  }
0xb9: {  	s3 =	sand.u32 $0x4000, s31;
	s1 =	sadd.s32 s1, s30  }
0xba: {  	s0 =	sor.u32 s3, s0;
	s1 =	sshll.u32 s1, $0x11  }
0xbb: {  	s0 =	sor.u32 s1, s0  }
0xbc: {  	s0 =	sadd.s32 $0x8F2B, s0  }
0xbd: {  	[sflag:s0] =	ssyncadd.remote.s32 $0x1  }
0xbe: {  	_ =	sfence.sel $0xFFFF  }
0xbf: {  	[dreg:$0x0] =	wrdreg $0xFFFFFFFF;
	(pc) =	sbr.abs _section_cstart, $3  }
0xc0: {  	[dreg:$0x1] =	wrdreg $0xFFFFFFFF  }
0xc1: {  	_ =	task.clear_ibuf [dreg:s6], $0x2FFFF;
	_ =	strace $0x9FFFFFFF  }
0xc2: {  	(tm) =	ssettm $0x7FFFFFFF  }
0xc3: {  	_ =	shalt  }
tec
execute0_lowered:
.L_overlay_start_1:
0x0: {  	(tag) =	ssettag $0x1  }
0x1: {  	s9 =	stileid.u32  }
0x2: {  	s0 =	rddreg [dreg:$0x0];
	s5 =	smul.u32 $0x5000, s9  }
0x3: {  	s1 =	srdreg.scid;
	s7 =	smul.u32 $0x13C00, s9  }
0x4: {  	s2 =	rddreg [dreg:$0x1];
	s3 =	simm.s32 $0x0;
	s8 =	smul.u32 $0xA00, s9  }
0x5: {  	[smem:$0x7FF] =	sst s3;
	s26 =	smul.u32 $0x4E200, s9;
	s9 =	simm.s32 $0x80  }
0x6: {  	s11 =	simm.s32 $0x100;
	_ =	strace $0x8000004A;
	[dreg:$0x5] =	wrdreg s9  }
0x7: {  	s12 =	simm.s32 $0x880;
	s13 =	simm.s32 $0x180;
	[dreg:$0x6] =	wrdreg s11  }
0x8: {  	s15 =	simm.s32 $0x900;
	s17 =	simm.s32 $0x200;
	[dreg:$0x7] =	wrdreg s12  }
0x9: {  	s19 =	simm.s32 $0x980;
	s21 =	simm.s32 $0x280;
	[dreg:$0x8] =	wrdreg s13  }
0xa: {  	s22 =	simm.s32 $0xA00;
	s23 =	simm.s32 $0x300;
	[dreg:$0x9] =	wrdreg s15  }
0xb: {  	s28 =	simm.s32 $0x600;
	s29 =	simm.s32 $0xD80;
	[dreg:$0xa] =	wrdreg s17  }
0xc: {  	s30 =	simm.s32 $0x680;
	s1 =	sand.u32 $0x1, s1;
	[dreg:$0xb] =	wrdreg s19  }
0xd: {  	s31 =	simm.s32 $0xE00;
	s4 =	smul.u32 $0x50000, s1;
	[dreg:$0xc] =	wrdreg s21  }
0xe: {  	s6 =	smul.u32 $0x13C000, s1;
	s1 =	ssub.s32 $0x2, s1;
	[dreg:$0xd] =	wrdreg s22  }
0xf: {  	s12 =	simm.s32 $0x1000;
	s13 =	simm.s32 $0x3;
	[dreg:$0xe] =	wrdreg s23  }
0x10: {  	s15 =	simm.s32 $0x7D;
	s17 =	simm.s32 $0x1;
	s19 =	simm.s32 $0x400  }
0x11: {  	s21 =	simm.s32 $0x480;
	s22 =	simm.s32 $0xC00;
	s23 =	simm.s32 $0x500  }
0x12: {  	s9 =	simm.s32 $0x0;
	s24 =	sadd.s32 s8, s0;
	s25 =	sshrl.u32 s1, $0x1  }
0x13: {  	s10 =	sshrl.u32 s26, $0x2;
	s26 =	simm.s32 $0xB00;
	s5 =	sadd.s32 s4, s5  }
0x14: {  	s4 =	sadd.s32 $0xD1200, s0;
	s6 =	sadd.s32 s7, s6;
	s1 =	ssub.s32 s1, s25  }
0x15: {  	s8 =	sadd.s32 $0x16E00, s24;
	s24 =	simm.s32 $0xA80;
	[dreg:$0x11] =	wrdreg s26  }
0x16: {  	s25 =	simm.s32 $0x380;
	s26 =	simm.s32 $0xD00;
	[dreg:$0x4] =	wrdreg s8  }
0x17: {  	s5 =	sshrl.u32 s5, $0x3;
	s6 =	sshrl.u32 s6, $0x3;
	[dreg:$0xf] =	wrdreg s24  }
0x18: {  	s1 =	smax.u32 s1, $0x1;
	[dreg:$0x10] =	wrdreg s25;
	s5 =	sadd.s32 s5, s0  }
0x19: {  	s0 =	sadd.s32 s6, s0;
	[dreg:$0x14] =	wrdreg s1;
	s5 =	sadd.s32 $0x6F000, s5  }
0x1a: {  	s7 =	simm.s32 $0xF00;
	s0 =	sadd.s32 $0x11F400, s0;
	[dreg:$0x3] =	wrdreg s5  }
0x1b: {  	s24 =	simm.s32 $0xC80;
	[dreg:$0x12] =	wrdreg s0;
	s5 =	sadd.s32 s10, s2  }
0x1c: {  	s25 =	simm.s32 $0x580;
	s14 =	sadd.s32 $0x3E80, s5;
	[dreg:$0x13] =	wrdreg s5  }
0x1d: {  	s8 =	simm.s32 $0xF80;
	s16 =	sadd.s32 $0x7D00, s5;
	[dreg:$0x15] =	wrdreg s14  }
0x1e: {  	s1 =	simm.s32 $0xE80;
	s18 =	sadd.s32 $0xBB80, s5;
	[dreg:$0x16] =	wrdreg s16  }
0x1f: {  	s0 =	simm.s32 $0x700;
	s20 =	sadd.s32 $0xFA00, s5;
	[dreg:$0x17] =	wrdreg s18  }
0x20: {  	s5 =	simm.s32 $0x780;
	[dreg:$0x18] =	wrdreg s20;
	s14 =	simm.s32 $0x800  }
0x21: {  	v0 =	vimm.f32 $0.0e+00;
	s16 =	simm.s32 $0x5000;
	s18 =	simm.s32 $0x2;
	s20 =	simm.s32 $0xB80  }
.LBB2_1:
0x22: {  	s6 =	sand.u32 $0xFE00, s3  }
0x23: {  	[dreg:$0x19] =	wrdreg s9;
	s11 =	sand.u32 $0x70, s3;
	s6 =	sshrl.u32 s6, $0x2  }
0x24: {  	s10 =	simm.s32 $0x40;
	s6 =	sor.u32 s11, s6;
	s11 =	simm.s32 $0x0  }
.LBB2_2:
0x25: {  	p0 =	sne.s32 s10, $0xF9C0  }
0x26: {  	[tilespmem:s6+$0x1000] =	vst v0;
	s11 =	sadd.s32 $0x10, s11;
	s6 =	smov.u32 s10;
	s10 =	sadd.s32 $0x40, s10  }
.Ltmp0:
0x27: {  	(pc) =	sbr.rel @p0 .LBB2_2-.Ltmp0, $4  }
0x28: {  	_ = 	snop  }
0x29: {  	s6 =	sand.u32 $0xFE00, s6  }
0x2a: {  	s9 =	sand.u32 $0x70, s11;
	s6 =	sshrl.u32 s6, $0x2  }
0x2b: {  	s6 =	sor.u32 s9, s6  }
0x2c: {  	[tilespmem:s6+$0x1000] =	vst v0;
	s10 =	rddreg [dreg:$0x13]  }
0x2d: {  	[spmem:s10] =	stream.linear.scatter [tilespmem:s12], [sflag:$0x3], $0x3E80, $0x38;
	[tilespmem:$0x1C880] =	vst v63  }
0x2e: {  	_ =	swait.ge [sflag:s13], $0x3E80  }
0x2f: {  	[sflag:s13] =	ssyncset.done $0x0  }
0x30: {  	s11 =	rddreg [dreg:$0x15];
	[sflag:s13] =	ssyncadd.s32 $0xFFFFC180  }
0x31: {  	[spmem:s11] =	stream.linear.scatter [tilespmem:s12], [sflag:$0x3], $0x3E80, $0x38;
	[tilespmem:$0x1C880] =	vst v63  }
0x32: {  	_ =	swait.ge [sflag:s13], $0x3E80  }
0x33: {  	[sflag:s13] =	ssyncset.done $0x0  }
0x34: {  	s9 =	rddreg [dreg:$0x16];
	[sflag:s13] =	ssyncadd.s32 $0xFFFFC180  }
0x35: {  	[spmem:s9] =	stream.linear.scatter [tilespmem:s12], [sflag:$0x3], $0x3E80, $0x38;
	[tilespmem:$0x1C880] =	vst v63  }
0x36: {  	_ =	swait.ge [sflag:s13], $0x3E80  }
0x37: {  	[sflag:s13] =	ssyncset.done $0x0  }
0x38: {  	s10 =	rddreg [dreg:$0x17];
	[sflag:s13] =	ssyncadd.s32 $0xFFFFC180  }
0x39: {  	[spmem:s10] =	stream.linear.scatter [tilespmem:s12], [sflag:$0x3], $0x3E80, $0x38;
	[tilespmem:$0x1C880] =	vst v63  }
0x3a: {  	_ =	swait.ge [sflag:s13], $0x3E80  }
0x3b: {  	[sflag:s13] =	ssyncset.done $0x0  }
0x3c: {  	s11 =	rddreg [dreg:$0x18];
	[sflag:s13] =	ssyncadd.s32 $0xFFFFC180  }
0x3d: {  	[spmem:s11] =	stream.linear.scatter [tilespmem:s12], [sflag:$0x3], $0x3E80, $0x38;
	[tilespmem:$0x1C880] =	vst v63  }
0x3e: {  	_ =	swait.ge [sflag:s13], $0x3E80  }
0x3f: {  	[sflag:s13] =	ssyncset.done $0x0  }
0x40: {  	[sflag:s13] =	ssyncadd.s32 $0xFFFFC180  }
0x41: {  	[bflag:$0x0] =	sbarrier.arrive $0xFFFF  }
0x42: {  	s9 =	rddreg [dreg:$0x3]  }
0x43: {  	s6 =	sadd.s32 $0x0, s9  }
0x44: {  	[tilespmem:s3], [sflag:$0x3] =	stream.linear.gather [hbm4b:s6+s3], $0x800, $0x38;
	[tilespmem:$0x1C880] =	vst v63  }
0x45: {  	_ =	swait.ge [sflag:s13], $0x800  }
0x46: {  	s10 =	rddreg [dreg:$0x4];
	[sflag:s13] =	ssyncset.done $0x0  }
0x47: {  	[sflag:s13] =	ssyncadd.s32 $0xFFFFF800;
	s6 =	sadd.s32 $0x0, s10  }
0x48: {  	[tilespmem:s14], [sflag:$0x3] =	stream.linear.gather [hbm4b:s6+s3], $0x800, $0x38;
	[tilespmem:$0x1C880] =	vst v63  }
0x49: {  	_ =	swait.ge [sflag:s13], $0x800  }
0x4a: {  	[sflag:s13] =	ssyncset.done $0x0  }
0x4b: {  	[sflag:s13] =	ssyncadd.s32 $0xFFFFF800  }
0x4c: {  	[tilespmem:s12], [sflag:$0x1] =	stream.indirect.gather [hbm4b:s4+s15], $0x80, s3, s15, $0xb8;
	[tilespmem:$0x1C880] =	vst v63  }
0x4d: {  	s11 =	rddreg [dreg:$0x5]  }
0x4e: {  	[tilespmem:s16], [sflag:$0x2] =	stream.indirect.gather [hbm4b:s4+s15], $0x80, s11, s15, $0xb8;
	[tilespmem:$0x1C880] =	vst v63  }
0x4f: {  	_ =	swait.ge [sflag:s17], $0x3E80  }
0x50: {  	[sflag:s17] =	ssyncset.done $0x0  }
0x51: {  	[sflag:s17] =	ssyncadd.s32 $0xFFFFC180  }
0x52: {  	[spmem:s2] =	stream.indirect.scatter.add.f32 [tilespmem:s12], [sflag:$0x3], $0x80, s14, s15, $0xb8;
	[tilespmem:$0x1C880] =	vst v63  }
0x53: {  	_ =	swait.ge [sflag:s13], $0x3E80  }
0x54: {  	[sflag:s13] =	ssyncset.done $0x0  }
0x55: {  	s9 =	rddreg [dreg:$0x6];
	[sflag:s13] =	ssyncadd.s32 $0xFFFFC180  }
0x56: {  	[tilespmem:s12], [sflag:$0x1] =	stream.indirect.gather [hbm4b:s4+s15], $0x80, s9, s15, $0xb8;
	[tilespmem:$0x1C880] =	vst v63  }
0x57: {  	_ =	swait.ge [sflag:s18], $0x3E80  }
0x58: {  	[sflag:s18] =	ssyncset.done $0x0  }
0x59: {  	s10 =	rddreg [dreg:$0x7];
	[sflag:s18] =	ssyncadd.s32 $0xFFFFC180  }
0x5a: {  	[spmem:s2] =	stream.indirect.scatter.add.f32 [tilespmem:s16], [sflag:$0x3], $0x80, s10, s15, $0xb8;
	[tilespmem:$0x1C880] =	vst v63  }
0x5b: {  	_ =	swait.ge [sflag:s13], $0x3E80  }
0x5c: {  	[sflag:s13] =	ssyncset.done $0x0  }
0x5d: {  	s11 =	rddreg [dreg:$0x8];
	[sflag:s13] =	ssyncadd.s32 $0xFFFFC180  }
0x5e: {  	[tilespmem:s16], [sflag:$0x2] =	stream.indirect.gather [hbm4b:s4+s15], $0x80, s11, s15, $0xb8;
	[tilespmem:$0x1C880] =	vst v63  }
0x5f: {  	_ =	swait.ge [sflag:s17], $0x3E80  }
0x60: {  	[sflag:s17] =	ssyncset.done $0x0  }
0x61: {  	s9 =	rddreg [dreg:$0x9];
	[sflag:s17] =	ssyncadd.s32 $0xFFFFC180  }
0x62: {  	[spmem:s2] =	stream.indirect.scatter.add.f32 [tilespmem:s12], [sflag:$0x3], $0x80, s9, s15, $0xb8;
	[tilespmem:$0x1C880] =	vst v63  }
0x63: {  	_ =	swait.ge [sflag:s13], $0x3E80  }
0x64: {  	[sflag:s13] =	ssyncset.done $0x0  }
0x65: {  	s10 =	rddreg [dreg:$0xa];
	[sflag:s13] =	ssyncadd.s32 $0xFFFFC180  }
0x66: {  	[tilespmem:s12], [sflag:$0x1] =	stream.indirect.gather [hbm4b:s4+s15], $0x80, s10, s15, $0xb8;
	[tilespmem:$0x1C880] =	vst v63  }
0x67: {  	_ =	swait.ge [sflag:s18], $0x3E80  }
0x68: {  	[sflag:s18] =	ssyncset.done $0x0  }
0x69: {  	s11 =	rddreg [dreg:$0xb];
	[sflag:s18] =	ssyncadd.s32 $0xFFFFC180  }
0x6a: {  	[spmem:s2] =	stream.indirect.scatter.add.f32 [tilespmem:s16], [sflag:$0x3], $0x80, s11, s15, $0xb8;
	[tilespmem:$0x1C880] =	vst v63  }
0x6b: {  	_ =	swait.ge [sflag:s13], $0x3E80  }
0x6c: {  	[sflag:s13] =	ssyncset.done $0x0  }
0x6d: {  	s9 =	rddreg [dreg:$0xc];
	[sflag:s13] =	ssyncadd.s32 $0xFFFFC180  }
0x6e: {  	[tilespmem:s16], [sflag:$0x2] =	stream.indirect.gather [hbm4b:s4+s15], $0x80, s9, s15, $0xb8;
	[tilespmem:$0x1C880] =	vst v63  }
0x6f: {  	_ =	swait.ge [sflag:s17], $0x3E80  }
0x70: {  	[sflag:s17] =	ssyncset.done $0x0  }
0x71: {  	s10 =	rddreg [dreg:$0xd];
	[sflag:s17] =	ssyncadd.s32 $0xFFFFC180  }
0x72: {  	[spmem:s2] =	stream.indirect.scatter.add.f32 [tilespmem:s12], [sflag:$0x3], $0x80, s10, s15, $0xb8;
	[tilespmem:$0x1C880] =	vst v63  }
0x73: {  	_ =	swait.ge [sflag:s13], $0x3E80  }
0x74: {  	[sflag:s13] =	ssyncset.done $0x0  }
0x75: {  	s11 =	rddreg [dreg:$0xe];
	[sflag:s13] =	ssyncadd.s32 $0xFFFFC180  }
0x76: {  	[tilespmem:s12], [sflag:$0x1] =	stream.indirect.gather [hbm4b:s4+s15], $0x80, s11, s15, $0xb8;
	[tilespmem:$0x1C880] =	vst v63  }
0x77: {  	_ =	swait.ge [sflag:s18], $0x3E80  }
0x78: {  	[sflag:s18] =	ssyncset.done $0x0  }
0x79: {  	s9 =	rddreg [dreg:$0xf];
	[sflag:s18] =	ssyncadd.s32 $0xFFFFC180  }
0x7a: {  	[spmem:s2] =	stream.indirect.scatter.add.f32 [tilespmem:s16], [sflag:$0x3], $0x80, s9, s15, $0xb8;
	[tilespmem:$0x1C880] =	vst v63  }
0x7b: {  	_ =	swait.ge [sflag:s13], $0x3E80  }
0x7c: {  	[sflag:s13] =	ssyncset.done $0x0  }
0x7d: {  	s10 =	rddreg [dreg:$0x10];
	[sflag:s13] =	ssyncadd.s32 $0xFFFFC180  }
0x7e: {  	[tilespmem:s16], [sflag:$0x2] =	stream.indirect.gather [hbm4b:s4+s15], $0x80, s10, s15, $0xb8;
	[tilespmem:$0x1C880] =	vst v63  }
0x7f: {  	_ =	swait.ge [sflag:s17], $0x3E80  }
0x80: {  	[sflag:s17] =	ssyncset.done $0x0  }
0x81: {  	s11 =	rddreg [dreg:$0x11];
	[sflag:s17] =	ssyncadd.s32 $0xFFFFC180  }
0x82: {  	[spmem:s2] =	stream.indirect.scatter.add.f32 [tilespmem:s12], [sflag:$0x3], $0x80, s11, s15, $0xb8;
	[tilespmem:$0x1C880] =	vst v63  }
0x83: {  	_ =	swait.ge [sflag:s13], $0x3E80  }
0x84: {  	[sflag:s13] =	ssyncset.done $0x0  }
0x85: {  	[sflag:s13] =	ssyncadd.s32 $0xFFFFC180  }
0x86: {  	[tilespmem:s12], [sflag:$0x1] =	stream.indirect.gather [hbm4b:s4+s15], $0x80, s19, s15, $0xb8;
	[tilespmem:$0x1C880] =	vst v63  }
0x87: {  	_ =	swait.ge [sflag:s18], $0x3E80  }
0x88: {  	[sflag:s18] =	ssyncset.done $0x0  }
0x89: {  	[sflag:s18] =	ssyncadd.s32 $0xFFFFC180  }
0x8a: {  	[spmem:s2] =	stream.indirect.scatter.add.f32 [tilespmem:s16], [sflag:$0x3], $0x80, s20, s15, $0xb8;
	[tilespmem:$0x1C880] =	vst v63  }
0x8b: {  	_ =	swait.ge [sflag:s13], $0x3E80  }
0x8c: {  	[sflag:s13] =	ssyncset.done $0x0  }
0x8d: {  	[sflag:s13] =	ssyncadd.s32 $0xFFFFC180  }
0x8e: {  	[tilespmem:s16], [sflag:$0x2] =	stream.indirect.gather [hbm4b:s4+s15], $0x80, s21, s15, $0xb8;
	[tilespmem:$0x1C880] =	vst v63  }
0x8f: {  	_ =	swait.ge [sflag:s17], $0x3E80  }
0x90: {  	[sflag:s17] =	ssyncset.done $0x0  }
0x91: {  	[sflag:s17] =	ssyncadd.s32 $0xFFFFC180  }
0x92: {  	[spmem:s2] =	stream.indirect.scatter.add.f32 [tilespmem:s12], [sflag:$0x3], $0x80, s22, s15, $0xb8;
	[tilespmem:$0x1C880] =	vst v63  }
0x93: {  	_ =	swait.ge [sflag:s13], $0x3E80  }
0x94: {  	[sflag:s13] =	ssyncset.done $0x0  }
0x95: {  	[sflag:s13] =	ssyncadd.s32 $0xFFFFC180  }
0x96: {  	[tilespmem:s12], [sflag:$0x1] =	stream.indirect.gather [hbm4b:s4+s15], $0x80, s23, s15, $0xb8;
	[tilespmem:$0x1C880] =	vst v63  }
0x97: {  	_ =	swait.ge [sflag:s18], $0x3E80  }
0x98: {  	[sflag:s18] =	ssyncset.done $0x0  }
0x99: {  	[sflag:s18] =	ssyncadd.s32 $0xFFFFC180  }
0x9a: {  	[spmem:s2] =	stream.indirect.scatter.add.f32 [tilespmem:s16], [sflag:$0x3], $0x80, s24, s15, $0xb8;
	[tilespmem:$0x1C880] =	vst v63  }
0x9b: {  	_ =	swait.ge [sflag:s13], $0x3E80  }
0x9c: {  	[sflag:s13] =	ssyncset.done $0x0  }
0x9d: {  	[sflag:s13] =	ssyncadd.s32 $0xFFFFC180  }
0x9e: {  	[tilespmem:s16], [sflag:$0x2] =	stream.indirect.gather [hbm4b:s4+s15], $0x80, s25, s15, $0xb8;
	[tilespmem:$0x1C880] =	vst v63  }
0x9f: {  	_ =	swait.ge [sflag:s17], $0x3E80  }
0xa0: {  	[sflag:s17] =	ssyncset.done $0x0  }
0xa1: {  	[sflag:s17] =	ssyncadd.s32 $0xFFFFC180  }
0xa2: {  	[spmem:s2] =	stream.indirect.scatter.add.f32 [tilespmem:s12], [sflag:$0x3], $0x80, s26, s15, $0xb8;
	[tilespmem:$0x1C880] =	vst v63  }
0xa3: {  	_ =	swait.ge [sflag:s13], $0x3E80  }
0xa4: {  	[sflag:s13] =	ssyncset.done $0x0  }
0xa5: {  	[sflag:s13] =	ssyncadd.s32 $0xFFFFC180  }
0xa6: {  	[tilespmem:s12], [sflag:$0x1] =	stream.indirect.gather [hbm4b:s4+s15], $0x80, s28, s15, $0xb8;
	[tilespmem:$0x1C880] =	vst v63  }
0xa7: {  	_ =	swait.ge [sflag:s18], $0x3E80  }
0xa8: {  	[sflag:s18] =	ssyncset.done $0x0  }
0xa9: {  	[sflag:s18] =	ssyncadd.s32 $0xFFFFC180  }
0xaa: {  	[spmem:s2] =	stream.indirect.scatter.add.f32 [tilespmem:s16], [sflag:$0x3], $0x80, s29, s15, $0xb8;
	[tilespmem:$0x1C880] =	vst v63  }
0xab: {  	_ =	swait.ge [sflag:s13], $0x3E80  }
0xac: {  	[sflag:s13] =	ssyncset.done $0x0  }
0xad: {  	[sflag:s13] =	ssyncadd.s32 $0xFFFFC180  }
0xae: {  	[tilespmem:s16], [sflag:$0x2] =	stream.indirect.gather [hbm4b:s4+s15], $0x80, s30, s15, $0xb8;
	[tilespmem:$0x1C880] =	vst v63  }
0xaf: {  	_ =	swait.ge [sflag:s17], $0x3E80  }
0xb0: {  	[sflag:s17] =	ssyncset.done $0x0  }
0xb1: {  	[sflag:s17] =	ssyncadd.s32 $0xFFFFC180  }
0xb2: {  	[spmem:s2] =	stream.indirect.scatter.add.f32 [tilespmem:s12], [sflag:$0x3], $0x80, s31, s15, $0xb8;
	[tilespmem:$0x1C880] =	vst v63  }
0xb3: {  	_ =	swait.ge [sflag:s13], $0x3E80  }
0xb4: {  	[sflag:s13] =	ssyncset.done $0x0  }
0xb5: {  	[sflag:s13] =	ssyncadd.s32 $0xFFFFC180  }
0xb6: {  	[tilespmem:s12], [sflag:$0x1] =	stream.indirect.gather [hbm4b:s4+s15], $0x80, s0, s15, $0xb8;
	[tilespmem:$0x1C880] =	vst v63  }
0xb7: {  	_ =	swait.ge [sflag:s18], $0x3E80  }
0xb8: {  	[sflag:s18] =	ssyncset.done $0x0  }
0xb9: {  	[sflag:s18] =	ssyncadd.s32 $0xFFFFC180  }
0xba: {  	[spmem:s2] =	stream.indirect.scatter.add.f32 [tilespmem:s16], [sflag:$0x3], $0x80, s1, s15, $0xb8;
	[tilespmem:$0x1C880] =	vst v63  }
0xbb: {  	_ =	swait.ge [sflag:s13], $0x3E80  }
0xbc: {  	[sflag:s13] =	ssyncset.done $0x0  }
0xbd: {  	[sflag:s13] =	ssyncadd.s32 $0xFFFFC180  }
0xbe: {  	[tilespmem:s16], [sflag:$0x2] =	stream.indirect.gather [hbm4b:s4+s15], $0x80, s5, s15, $0xb8;
	[tilespmem:$0x1C880] =	vst v63  }
0xbf: {  	_ =	swait.ge [sflag:s17], $0x3E80  }
0xc0: {  	[sflag:s17] =	ssyncset.done $0x0  }
0xc1: {  	[sflag:s17] =	ssyncadd.s32 $0xFFFFC180  }
0xc2: {  	[spmem:s2] =	stream.indirect.scatter.add.f32 [tilespmem:s12], [sflag:$0x3], $0x80, s7, s15, $0xb8;
	[tilespmem:$0x1C880] =	vst v63  }
0xc3: {  	_ =	swait.ge [sflag:s13], $0x3E80  }
0xc4: {  	[sflag:s13] =	ssyncset.done $0x0  }
0xc5: {  	[sflag:s13] =	ssyncadd.s32 $0xFFFFC180  }
0xc6: {  	_ =	swait.ge [sflag:s18], $0x3E80  }
0xc7: {  	[sflag:s18] =	ssyncset.done $0x0  }
0xc8: {  	[sflag:s18] =	ssyncadd.s32 $0xFFFFC180  }
0xc9: {  	[spmem:s2] =	stream.indirect.scatter.add.f32 [tilespmem:s16], [sflag:$0x3], $0x80, s8, s15, $0xb8;
	[tilespmem:$0x1C880] =	vst v63  }
0xca: {  	s10 =	simm.s32 $0x100;
	_ =	swait.ge [sflag:s13], $0x3E80  }
0xcb: {  	s11 =	simm.s32 $0x200;
	s6 =	rddreg [dreg:$0x3];
	[sflag:s13] =	ssyncset.done $0x0  }
.LBB2_4:
0xcc: {  	[sflag:s13] =	ssyncadd.s32 $0xFFFFC180;
	s6 =	sadd.s32 s10, s6  }
0xcd: {  	[tilespmem:s3], [sflag:$0x3] =	stream.linear.gather [hbm4b:s6+s3], $0x800, $0x38;
	[tilespmem:$0x1C880] =	vst v63  }
0xce: {  	_ =	swait.ge [sflag:s13], $0x800  }
0xcf: {  	s6 =	rddreg [dreg:$0x4];
	[sflag:s13] =	ssyncset.done $0x0  }
0xd0: {  	[sflag:s13] =	ssyncadd.s32 $0xFFFFF800;
	s6 =	sadd.s32 s10, s6  }
0xd1: {  	[tilespmem:s14], [sflag:$0x3] =	stream.linear.gather [hbm4b:s6+s3], $0x800, $0x38;
	[tilespmem:$0x1C880] =	vst v63  }
0xd2: {  	_ =	swait.ge [sflag:s13], $0x800  }
0xd3: {  	[sflag:s13] =	ssyncset.done $0x0  }
0xd4: {  	s9 =	smov.u32 s11;
	[sflag:s13] =	ssyncadd.s32 $0xFFFFF800  }
0xd5: {  	[tilespmem:s12], [sflag:$0x1] =	stream.indirect.gather [hbm4b:s4+s15], $0x80, s3, s15, $0xb8;
	[tilespmem:$0x1C880] =	vst v63  }
0xd6: {  	s10 =	smov.u32 s9;
	s9 =	rddreg [dreg:$0x5]  }
0xd7: {  	[tilespmem:s16], [sflag:$0x2] =	stream.indirect.gather [hbm4b:s4+s15], $0x80, s9, s15, $0xb8;
	[tilespmem:$0x1C880] =	vst v63  }
0xd8: {  	_ =	swait.ge [sflag:s17], $0x3E80  }
0xd9: {  	[sflag:s17] =	ssyncset.done $0x0  }
0xda: {  	[sflag:s17] =	ssyncadd.s32 $0xFFFFC180  }
0xdb: {  	[spmem:s2] =	stream.indirect.scatter.add.f32 [tilespmem:s12], [sflag:$0x3], $0x80, s14, s15, $0xb8;
	[tilespmem:$0x1C880] =	vst v63  }
0xdc: {  	_ =	swait.ge [sflag:s13], $0x3E80  }
0xdd: {  	[sflag:s13] =	ssyncset.done $0x0  }
0xde: {  	s9 =	rddreg [dreg:$0x6];
	[sflag:s13] =	ssyncadd.s32 $0xFFFFC180  }
0xdf: {  	[tilespmem:s12], [sflag:$0x1] =	stream.indirect.gather [hbm4b:s4+s15], $0x80, s9, s15, $0xb8;
	[tilespmem:$0x1C880] =	vst v63  }
0xe0: {  	_ =	swait.ge [sflag:s18], $0x3E80  }
0xe1: {  	[sflag:s18] =	ssyncset.done $0x0  }
0xe2: {  	s9 =	rddreg [dreg:$0x7];
	[sflag:s18] =	ssyncadd.s32 $0xFFFFC180  }
0xe3: {  	[spmem:s2] =	stream.indirect.scatter.add.f32 [tilespmem:s16], [sflag:$0x3], $0x80, s9, s15, $0xb8;
	[tilespmem:$0x1C880] =	vst v63  }
0xe4: {  	_ =	swait.ge [sflag:s13], $0x3E80  }
0xe5: {  	[sflag:s13] =	ssyncset.done $0x0  }
0xe6: {  	s9 =	rddreg [dreg:$0x8];
	[sflag:s13] =	ssyncadd.s32 $0xFFFFC180  }
0xe7: {  	[tilespmem:s16], [sflag:$0x2] =	stream.indirect.gather [hbm4b:s4+s15], $0x80, s9, s15, $0xb8;
	[tilespmem:$0x1C880] =	vst v63  }
0xe8: {  	_ =	swait.ge [sflag:s17], $0x3E80  }
0xe9: {  	[sflag:s17] =	ssyncset.done $0x0  }
0xea: {  	s9 =	rddreg [dreg:$0x9];
	[sflag:s17] =	ssyncadd.s32 $0xFFFFC180  }
0xeb: {  	[spmem:s2] =	stream.indirect.scatter.add.f32 [tilespmem:s12], [sflag:$0x3], $0x80, s9, s15, $0xb8;
	[tilespmem:$0x1C880] =	vst v63  }
0xec: {  	_ =	swait.ge [sflag:s13], $0x3E80  }
0xed: {  	[sflag:s13] =	ssyncset.done $0x0  }
0xee: {  	s9 =	rddreg [dreg:$0xa];
	[sflag:s13] =	ssyncadd.s32 $0xFFFFC180  }
0xef: {  	[tilespmem:s12], [sflag:$0x1] =	stream.indirect.gather [hbm4b:s4+s15], $0x80, s9, s15, $0xb8;
	[tilespmem:$0x1C880] =	vst v63  }
0xf0: {  	_ =	swait.ge [sflag:s18], $0x3E80  }
0xf1: {  	[sflag:s18] =	ssyncset.done $0x0  }
0xf2: {  	s9 =	rddreg [dreg:$0xb];
	[sflag:s18] =	ssyncadd.s32 $0xFFFFC180  }
0xf3: {  	[spmem:s2] =	stream.indirect.scatter.add.f32 [tilespmem:s16], [sflag:$0x3], $0x80, s9, s15, $0xb8;
	[tilespmem:$0x1C880] =	vst v63  }
0xf4: {  	_ =	swait.ge [sflag:s13], $0x3E80  }
0xf5: {  	[sflag:s13] =	ssyncset.done $0x0  }
0xf6: {  	s9 =	rddreg [dreg:$0xc];
	[sflag:s13] =	ssyncadd.s32 $0xFFFFC180  }
0xf7: {  	[tilespmem:s16], [sflag:$0x2] =	stream.indirect.gather [hbm4b:s4+s15], $0x80, s9, s15, $0xb8;
	[tilespmem:$0x1C880] =	vst v63  }
0xf8: {  	_ =	swait.ge [sflag:s17], $0x3E80  }
0xf9: {  	[sflag:s17] =	ssyncset.done $0x0  }
0xfa: {  	s9 =	rddreg [dreg:$0xd];
	[sflag:s17] =	ssyncadd.s32 $0xFFFFC180  }
0xfb: {  	[spmem:s2] =	stream.indirect.scatter.add.f32 [tilespmem:s12], [sflag:$0x3], $0x80, s9, s15, $0xb8;
	[tilespmem:$0x1C880] =	vst v63  }
0xfc: {  	_ =	swait.ge [sflag:s13], $0x3E80  }
0xfd: {  	[sflag:s13] =	ssyncset.done $0x0  }
0xfe: {  	s9 =	rddreg [dreg:$0xe];
	[sflag:s13] =	ssyncadd.s32 $0xFFFFC180  }
0xff: {  	[tilespmem:s12], [sflag:$0x1] =	stream.indirect.gather [hbm4b:s4+s15], $0x80, s9, s15, $0xb8;
	[tilespmem:$0x1C880] =	vst v63  }
0x100: {  	_ =	swait.ge [sflag:s18], $0x3E80  }
0x101: {  	[sflag:s18] =	ssyncset.done $0x0  }
0x102: {  	s9 =	rddreg [dreg:$0xf];
	[sflag:s18] =	ssyncadd.s32 $0xFFFFC180  }
0x103: {  	[spmem:s2] =	stream.indirect.scatter.add.f32 [tilespmem:s16], [sflag:$0x3], $0x80, s9, s15, $0xb8;
	[tilespmem:$0x1C880] =	vst v63  }
0x104: {  	_ =	swait.ge [sflag:s13], $0x3E80  }
0x105: {  	[sflag:s13] =	ssyncset.done $0x0  }
0x106: {  	s9 =	rddreg [dreg:$0x10];
	[sflag:s13] =	ssyncadd.s32 $0xFFFFC180  }
0x107: {  	[tilespmem:s16], [sflag:$0x2] =	stream.indirect.gather [hbm4b:s4+s15], $0x80, s9, s15, $0xb8;
	[tilespmem:$0x1C880] =	vst v63  }
0x108: {  	_ =	swait.ge [sflag:s17], $0x3E80  }
0x109: {  	[sflag:s17] =	ssyncset.done $0x0  }
0x10a: {  	s9 =	rddreg [dreg:$0x11];
	[sflag:s17] =	ssyncadd.s32 $0xFFFFC180  }
0x10b: {  	[spmem:s2] =	stream.indirect.scatter.add.f32 [tilespmem:s12], [sflag:$0x3], $0x80, s9, s15, $0xb8;
	[tilespmem:$0x1C880] =	vst v63  }
0x10c: {  	_ =	swait.ge [sflag:s13], $0x3E80  }
0x10d: {  	[sflag:s13] =	ssyncset.done $0x0  }
0x10e: {  	[sflag:s13] =	ssyncadd.s32 $0xFFFFC180  }
0x10f: {  	[tilespmem:s12], [sflag:$0x1] =	stream.indirect.gather [hbm4b:s4+s15], $0x80, s19, s15, $0xb8;
	[tilespmem:$0x1C880] =	vst v63  }
0x110: {  	_ =	swait.ge [sflag:s18], $0x3E80  }
0x111: {  	[sflag:s18] =	ssyncset.done $0x0  }
0x112: {  	[sflag:s18] =	ssyncadd.s32 $0xFFFFC180  }
0x113: {  	[spmem:s2] =	stream.indirect.scatter.add.f32 [tilespmem:s16], [sflag:$0x3], $0x80, s20, s15, $0xb8;
	[tilespmem:$0x1C880] =	vst v63  }
0x114: {  	_ =	swait.ge [sflag:s13], $0x3E80  }
0x115: {  	[sflag:s13] =	ssyncset.done $0x0  }
0x116: {  	[sflag:s13] =	ssyncadd.s32 $0xFFFFC180  }
0x117: {  	[tilespmem:s16], [sflag:$0x2] =	stream.indirect.gather [hbm4b:s4+s15], $0x80, s21, s15, $0xb8;
	[tilespmem:$0x1C880] =	vst v63  }
0x118: {  	_ =	swait.ge [sflag:s17], $0x3E80  }
0x119: {  	[sflag:s17] =	ssyncset.done $0x0  }
0x11a: {  	[sflag:s17] =	ssyncadd.s32 $0xFFFFC180  }
0x11b: {  	[spmem:s2] =	stream.indirect.scatter.add.f32 [tilespmem:s12], [sflag:$0x3], $0x80, s22, s15, $0xb8;
	[tilespmem:$0x1C880] =	vst v63  }
0x11c: {  	_ =	swait.ge [sflag:s13], $0x3E80  }
0x11d: {  	[sflag:s13] =	ssyncset.done $0x0  }
0x11e: {  	[sflag:s13] =	ssyncadd.s32 $0xFFFFC180  }
0x11f: {  	[tilespmem:s12], [sflag:$0x1] =	stream.indirect.gather [hbm4b:s4+s15], $0x80, s23, s15, $0xb8;
	[tilespmem:$0x1C880] =	vst v63  }
0x120: {  	_ =	swait.ge [sflag:s18], $0x3E80  }
0x121: {  	[sflag:s18] =	ssyncset.done $0x0  }
0x122: {  	[sflag:s18] =	ssyncadd.s32 $0xFFFFC180  }
0x123: {  	[spmem:s2] =	stream.indirect.scatter.add.f32 [tilespmem:s16], [sflag:$0x3], $0x80, s24, s15, $0xb8;
	[tilespmem:$0x1C880] =	vst v63  }
0x124: {  	_ =	swait.ge [sflag:s13], $0x3E80  }
0x125: {  	[sflag:s13] =	ssyncset.done $0x0  }
0x126: {  	[sflag:s13] =	ssyncadd.s32 $0xFFFFC180  }
0x127: {  	[tilespmem:s16], [sflag:$0x2] =	stream.indirect.gather [hbm4b:s4+s15], $0x80, s25, s15, $0xb8;
	[tilespmem:$0x1C880] =	vst v63  }
0x128: {  	_ =	swait.ge [sflag:s17], $0x3E80  }
0x129: {  	[sflag:s17] =	ssyncset.done $0x0  }
0x12a: {  	[sflag:s17] =	ssyncadd.s32 $0xFFFFC180  }
0x12b: {  	[spmem:s2] =	stream.indirect.scatter.add.f32 [tilespmem:s12], [sflag:$0x3], $0x80, s26, s15, $0xb8;
	[tilespmem:$0x1C880] =	vst v63  }
0x12c: {  	_ =	swait.ge [sflag:s13], $0x3E80  }
0x12d: {  	[sflag:s13] =	ssyncset.done $0x0  }
0x12e: {  	[sflag:s13] =	ssyncadd.s32 $0xFFFFC180  }
0x12f: {  	[tilespmem:s12], [sflag:$0x1] =	stream.indirect.gather [hbm4b:s4+s15], $0x80, s28, s15, $0xb8;
	[tilespmem:$0x1C880] =	vst v63  }
0x130: {  	_ =	swait.ge [sflag:s18], $0x3E80  }
0x131: {  	[sflag:s18] =	ssyncset.done $0x0  }
0x132: {  	[sflag:s18] =	ssyncadd.s32 $0xFFFFC180  }
0x133: {  	[spmem:s2] =	stream.indirect.scatter.add.f32 [tilespmem:s16], [sflag:$0x3], $0x80, s29, s15, $0xb8;
	[tilespmem:$0x1C880] =	vst v63  }
0x134: {  	_ =	swait.ge [sflag:s13], $0x3E80  }
0x135: {  	[sflag:s13] =	ssyncset.done $0x0  }
0x136: {  	[sflag:s13] =	ssyncadd.s32 $0xFFFFC180  }
0x137: {  	[tilespmem:s16], [sflag:$0x2] =	stream.indirect.gather [hbm4b:s4+s15], $0x80, s30, s15, $0xb8;
	[tilespmem:$0x1C880] =	vst v63  }
0x138: {  	_ =	swait.ge [sflag:s17], $0x3E80  }
0x139: {  	[sflag:s17] =	ssyncset.done $0x0  }
0x13a: {  	[sflag:s17] =	ssyncadd.s32 $0xFFFFC180  }
0x13b: {  	[spmem:s2] =	stream.indirect.scatter.add.f32 [tilespmem:s12], [sflag:$0x3], $0x80, s31, s15, $0xb8;
	[tilespmem:$0x1C880] =	vst v63  }
0x13c: {  	_ =	swait.ge [sflag:s13], $0x3E80  }
0x13d: {  	[sflag:s13] =	ssyncset.done $0x0  }
0x13e: {  	[sflag:s13] =	ssyncadd.s32 $0xFFFFC180  }
0x13f: {  	[tilespmem:s12], [sflag:$0x1] =	stream.indirect.gather [hbm4b:s4+s15], $0x80, s0, s15, $0xb8;
	[tilespmem:$0x1C880] =	vst v63  }
0x140: {  	_ =	swait.ge [sflag:s18], $0x3E80  }
0x141: {  	[sflag:s18] =	ssyncset.done $0x0  }
0x142: {  	[sflag:s18] =	ssyncadd.s32 $0xFFFFC180  }
0x143: {  	[spmem:s2] =	stream.indirect.scatter.add.f32 [tilespmem:s16], [sflag:$0x3], $0x80, s1, s15, $0xb8;
	[tilespmem:$0x1C880] =	vst v63  }
0x144: {  	_ =	swait.ge [sflag:s13], $0x3E80  }
0x145: {  	[sflag:s13] =	ssyncset.done $0x0  }
0x146: {  	[sflag:s13] =	ssyncadd.s32 $0xFFFFC180  }
0x147: {  	[tilespmem:s16], [sflag:$0x2] =	stream.indirect.gather [hbm4b:s4+s15], $0x80, s5, s15, $0xb8;
	[tilespmem:$0x1C880] =	vst v63  }
0x148: {  	_ =	swait.ge [sflag:s17], $0x3E80  }
0x149: {  	[sflag:s17] =	ssyncset.done $0x0  }
0x14a: {  	[sflag:s17] =	ssyncadd.s32 $0xFFFFC180  }
0x14b: {  	[spmem:s2] =	stream.indirect.scatter.add.f32 [tilespmem:s12], [sflag:$0x3], $0x80, s7, s15, $0xb8;
	[tilespmem:$0x1C880] =	vst v63  }
0x14c: {  	_ =	swait.ge [sflag:s13], $0x3E80  }
0x14d: {  	[sflag:s13] =	ssyncset.done $0x0  }
0x14e: {  	[sflag:s13] =	ssyncadd.s32 $0xFFFFC180  }
0x14f: {  	p0 =	sne.s32 s11, $0x900;
	_ =	swait.ge [sflag:s18], $0x3E80  }
.Ltmp1:
0x150: {  	[sflag:s18] =	ssyncset.done $0x0;
	(pc) =	sbr.rel @p0 .LBB2_4-.Ltmp1, $4  }
0x151: {  	[sflag:s18] =	ssyncadd.s32 $0xFFFFC180  }
0x152: {  	[spmem:s2] =	stream.indirect.scatter.add.f32 [tilespmem:s16], [sflag:$0x3], $0x80, s8, s15, $0xb8;
	[tilespmem:$0x1C880] =	vst v63  }
0x153: {  	_ =	swait.ge [sflag:s13], $0x3E80  }
0x154: {  	s11 =	sadd.s32 $0x100, s11;
	s6 =	rddreg [dreg:$0x3];
	[sflag:s13] =	ssyncset.done $0x0  }
0x155: {  	[sflag:s13] =	ssyncadd.s32 $0xFFFFC180;
	s6 =	sadd.s32 s10, s6  }
0x156: {  	[tilespmem:s3], [sflag:$0x3] =	stream.linear.gather [hbm4b:s6+s3], $0x800, $0x38;
	[tilespmem:$0x1C880] =	vst v63  }
0x157: {  	_ =	swait.ge [sflag:s13], $0x800  }
0x158: {  	s11 =	rddreg [dreg:$0x4];
	[sflag:s13] =	ssyncset.done $0x0  }
0x159: {  	[sflag:s13] =	ssyncadd.s32 $0xFFFFF800;
	s6 =	sadd.s32 s10, s11  }
0x15a: {  	[tilespmem:s14], [sflag:$0x3] =	stream.linear.gather [hbm4b:s6+s3], $0x800, $0x38;
	[tilespmem:$0x1C880] =	vst v63  }
0x15b: {  	_ =	swait.ge [sflag:s13], $0x800  }
0x15c: {  	[sflag:s13] =	ssyncset.done $0x0  }
0x15d: {  	[sflag:s13] =	ssyncadd.s32 $0xFFFFF800  }
0x15e: {  	[tilespmem:s12], [sflag:$0x1] =	stream.indirect.gather [hbm4b:s4+s15], $0x80, s3, s15, $0xb8;
	[tilespmem:$0x1C880] =	vst v63  }
0x15f: {  	s9 =	rddreg [dreg:$0x5]  }
0x160: {  	[tilespmem:s16], [sflag:$0x2] =	stream.indirect.gather [hbm4b:s4+s15], $0x80, s9, s15, $0xb8;
	[tilespmem:$0x1C880] =	vst v63  }
0x161: {  	_ =	swait.ge [sflag:s17], $0x3E80  }
0x162: {  	[sflag:s17] =	ssyncset.done $0x0  }
0x163: {  	[sflag:s17] =	ssyncadd.s32 $0xFFFFC180  }
0x164: {  	[spmem:s2] =	stream.indirect.scatter.add.f32 [tilespmem:s12], [sflag:$0x3], $0x80, s14, s15, $0xb8;
	[tilespmem:$0x1C880] =	vst v63  }
0x165: {  	_ =	swait.ge [sflag:s13], $0x3E80  }
0x166: {  	[sflag:s13] =	ssyncset.done $0x0  }
0x167: {  	s10 =	rddreg [dreg:$0x6];
	[sflag:s13] =	ssyncadd.s32 $0xFFFFC180  }
0x168: {  	[tilespmem:s12], [sflag:$0x1] =	stream.indirect.gather [hbm4b:s4+s15], $0x80, s10, s15, $0xb8;
	[tilespmem:$0x1C880] =	vst v63  }
0x169: {  	_ =	swait.ge [sflag:s18], $0x3E80  }
0x16a: {  	[sflag:s18] =	ssyncset.done $0x0  }
0x16b: {  	s11 =	rddreg [dreg:$0x7];
	[sflag:s18] =	ssyncadd.s32 $0xFFFFC180  }
0x16c: {  	[spmem:s2] =	stream.indirect.scatter.add.f32 [tilespmem:s16], [sflag:$0x3], $0x80, s11, s15, $0xb8;
	[tilespmem:$0x1C880] =	vst v63  }
0x16d: {  	_ =	swait.ge [sflag:s13], $0x3E80  }
0x16e: {  	[sflag:s13] =	ssyncset.done $0x0  }
0x16f: {  	s9 =	rddreg [dreg:$0x8];
	[sflag:s13] =	ssyncadd.s32 $0xFFFFC180  }
0x170: {  	[tilespmem:s16], [sflag:$0x2] =	stream.indirect.gather [hbm4b:s4+s15], $0x80, s9, s15, $0xb8;
	[tilespmem:$0x1C880] =	vst v63  }
0x171: {  	_ =	swait.ge [sflag:s17], $0x3E80  }
0x172: {  	[sflag:s17] =	ssyncset.done $0x0  }
0x173: {  	s10 =	rddreg [dreg:$0x9];
	[sflag:s17] =	ssyncadd.s32 $0xFFFFC180  }
0x174: {  	[spmem:s2] =	stream.indirect.scatter.add.f32 [tilespmem:s12], [sflag:$0x3], $0x80, s10, s15, $0xb8;
	[tilespmem:$0x1C880] =	vst v63  }
0x175: {  	_ =	swait.ge [sflag:s13], $0x3E80  }
0x176: {  	[sflag:s13] =	ssyncset.done $0x0  }
0x177: {  	s11 =	rddreg [dreg:$0xa];
	[sflag:s13] =	ssyncadd.s32 $0xFFFFC180  }
0x178: {  	[tilespmem:s12], [sflag:$0x1] =	stream.indirect.gather [hbm4b:s4+s15], $0x80, s11, s15, $0xb8;
	[tilespmem:$0x1C880] =	vst v63  }
0x179: {  	_ =	swait.ge [sflag:s18], $0x3E80  }
0x17a: {  	[sflag:s18] =	ssyncset.done $0x0  }
0x17b: {  	s9 =	rddreg [dreg:$0xb];
	[sflag:s18] =	ssyncadd.s32 $0xFFFFC180  }
0x17c: {  	[spmem:s2] =	stream.indirect.scatter.add.f32 [tilespmem:s16], [sflag:$0x3], $0x80, s9, s15, $0xb8;
	[tilespmem:$0x1C880] =	vst v63  }
0x17d: {  	_ =	swait.ge [sflag:s13], $0x3E80  }
0x17e: {  	[sflag:s13] =	ssyncset.done $0x0  }
0x17f: {  	s10 =	rddreg [dreg:$0xc];
	[sflag:s13] =	ssyncadd.s32 $0xFFFFC180  }
0x180: {  	[tilespmem:s16], [sflag:$0x2] =	stream.indirect.gather [hbm4b:s4+s15], $0x80, s10, s15, $0xb8;
	[tilespmem:$0x1C880] =	vst v63  }
0x181: {  	_ =	swait.ge [sflag:s17], $0x3E80  }
0x182: {  	[sflag:s17] =	ssyncset.done $0x0  }
0x183: {  	s11 =	rddreg [dreg:$0xd];
	[sflag:s17] =	ssyncadd.s32 $0xFFFFC180  }
0x184: {  	[spmem:s2] =	stream.indirect.scatter.add.f32 [tilespmem:s12], [sflag:$0x3], $0x80, s11, s15, $0xb8;
	[tilespmem:$0x1C880] =	vst v63  }
0x185: {  	_ =	swait.ge [sflag:s13], $0x3E80  }
0x186: {  	[sflag:s13] =	ssyncset.done $0x0  }
0x187: {  	s9 =	rddreg [dreg:$0xe];
	[sflag:s13] =	ssyncadd.s32 $0xFFFFC180  }
0x188: {  	[tilespmem:s12], [sflag:$0x1] =	stream.indirect.gather [hbm4b:s4+s15], $0x80, s9, s15, $0xb8;
	[tilespmem:$0x1C880] =	vst v63  }
0x189: {  	_ =	swait.ge [sflag:s18], $0x3E80  }
0x18a: {  	[sflag:s18] =	ssyncset.done $0x0  }
0x18b: {  	s10 =	rddreg [dreg:$0xf];
	[sflag:s18] =	ssyncadd.s32 $0xFFFFC180  }
0x18c: {  	[spmem:s2] =	stream.indirect.scatter.add.f32 [tilespmem:s16], [sflag:$0x3], $0x80, s10, s15, $0xb8;
	[tilespmem:$0x1C880] =	vst v63  }
0x18d: {  	_ =	swait.ge [sflag:s13], $0x3E80  }
0x18e: {  	[sflag:s13] =	ssyncset.done $0x0  }
0x18f: {  	s11 =	rddreg [dreg:$0x10];
	[sflag:s13] =	ssyncadd.s32 $0xFFFFC180  }
0x190: {  	[tilespmem:s16], [sflag:$0x2] =	stream.indirect.gather [hbm4b:s4+s15], $0x80, s11, s15, $0xb8;
	[tilespmem:$0x1C880] =	vst v63  }
0x191: {  	_ =	swait.ge [sflag:s17], $0x3E80  }
0x192: {  	[sflag:s17] =	ssyncset.done $0x0  }
0x193: {  	s9 =	rddreg [dreg:$0x11];
	[sflag:s17] =	ssyncadd.s32 $0xFFFFC180  }
0x194: {  	[spmem:s2] =	stream.indirect.scatter.add.f32 [tilespmem:s12], [sflag:$0x3], $0x80, s9, s15, $0xb8;
	[tilespmem:$0x1C880] =	vst v63  }
0x195: {  	_ =	swait.ge [sflag:s13], $0x3E80  }
0x196: {  	[sflag:s13] =	ssyncset.done $0x0  }
0x197: {  	[sflag:s13] =	ssyncadd.s32 $0xFFFFC180  }
0x198: {  	[tilespmem:s12], [sflag:$0x1] =	stream.indirect.gather [hbm4b:s4+s15], $0x80, s19, s15, $0xb8;
	[tilespmem:$0x1C880] =	vst v63  }
0x199: {  	_ =	swait.ge [sflag:s18], $0x3E80  }
0x19a: {  	[sflag:s18] =	ssyncset.done $0x0  }
0x19b: {  	[sflag:s18] =	ssyncadd.s32 $0xFFFFC180  }
0x19c: {  	[spmem:s2] =	stream.indirect.scatter.add.f32 [tilespmem:s16], [sflag:$0x3], $0x80, s20, s15, $0xb8;
	[tilespmem:$0x1C880] =	vst v63  }
0x19d: {  	_ =	swait.ge [sflag:s13], $0x3E80  }
0x19e: {  	[sflag:s13] =	ssyncset.done $0x0  }
0x19f: {  	[sflag:s13] =	ssyncadd.s32 $0xFFFFC180  }
0x1a0: {  	[tilespmem:s16], [sflag:$0x2] =	stream.indirect.gather [hbm4b:s4+s15], $0x80, s21, s15, $0xb8;
	[tilespmem:$0x1C880] =	vst v63  }
0x1a1: {  	_ =	swait.ge [sflag:s17], $0x3E80  }
0x1a2: {  	[sflag:s17] =	ssyncset.done $0x0  }
0x1a3: {  	[sflag:s17] =	ssyncadd.s32 $0xFFFFC180  }
0x1a4: {  	[spmem:s2] =	stream.indirect.scatter.add.f32 [tilespmem:s12], [sflag:$0x3], $0x80, s22, s15, $0xb8;
	[tilespmem:$0x1C880] =	vst v63  }
0x1a5: {  	_ =	swait.ge [sflag:s13], $0x3E80  }
0x1a6: {  	[sflag:s13] =	ssyncset.done $0x0  }
0x1a7: {  	[sflag:s13] =	ssyncadd.s32 $0xFFFFC180  }
0x1a8: {  	[tilespmem:s12], [sflag:$0x1] =	stream.indirect.gather [hbm4b:s4+s15], $0x80, s23, s15, $0xb8;
	[tilespmem:$0x1C880] =	vst v63  }
0x1a9: {  	_ =	swait.ge [sflag:s18], $0x3E80  }
0x1aa: {  	[sflag:s18] =	ssyncset.done $0x0  }
0x1ab: {  	[sflag:s18] =	ssyncadd.s32 $0xFFFFC180  }
0x1ac: {  	[spmem:s2] =	stream.indirect.scatter.add.f32 [tilespmem:s16], [sflag:$0x3], $0x80, s24, s15, $0xb8;
	[tilespmem:$0x1C880] =	vst v63  }
0x1ad: {  	_ =	swait.ge [sflag:s13], $0x3E80  }
0x1ae: {  	[sflag:s13] =	ssyncset.done $0x0  }
0x1af: {  	[sflag:s13] =	ssyncadd.s32 $0xFFFFC180  }
0x1b0: {  	[tilespmem:s16], [sflag:$0x2] =	stream.indirect.gather [hbm4b:s4+s15], $0x80, s25, s15, $0xb8;
	[tilespmem:$0x1C880] =	vst v63  }
0x1b1: {  	_ =	swait.ge [sflag:s17], $0x3E80  }
0x1b2: {  	[sflag:s17] =	ssyncset.done $0x0  }
0x1b3: {  	[sflag:s17] =	ssyncadd.s32 $0xFFFFC180  }
0x1b4: {  	[spmem:s2] =	stream.indirect.scatter.add.f32 [tilespmem:s12], [sflag:$0x3], $0x80, s26, s15, $0xb8;
	[tilespmem:$0x1C880] =	vst v63  }
0x1b5: {  	_ =	swait.ge [sflag:s13], $0x3E80  }
0x1b6: {  	[sflag:s13] =	ssyncset.done $0x0  }
0x1b7: {  	[sflag:s13] =	ssyncadd.s32 $0xFFFFC180  }
0x1b8: {  	[tilespmem:s12], [sflag:$0x1] =	stream.indirect.gather [hbm4b:s4+s15], $0x80, s28, s15, $0xb8;
	[tilespmem:$0x1C880] =	vst v63  }
0x1b9: {  	_ =	swait.ge [sflag:s18], $0x3E80  }
0x1ba: {  	[sflag:s18] =	ssyncset.done $0x0  }
0x1bb: {  	[sflag:s18] =	ssyncadd.s32 $0xFFFFC180  }
0x1bc: {  	[spmem:s2] =	stream.indirect.scatter.add.f32 [tilespmem:s16], [sflag:$0x3], $0x80, s29, s15, $0xb8;
	[tilespmem:$0x1C880] =	vst v63  }
0x1bd: {  	_ =	swait.ge [sflag:s13], $0x3E80  }
0x1be: {  	[sflag:s13] =	ssyncset.done $0x0  }
0x1bf: {  	[sflag:s13] =	ssyncadd.s32 $0xFFFFC180  }
0x1c0: {  	[tilespmem:s16], [sflag:$0x2] =	stream.indirect.gather [hbm4b:s4+s15], $0x80, s30, s15, $0xb8;
	[tilespmem:$0x1C880] =	vst v63  }
0x1c1: {  	_ =	swait.ge [sflag:s17], $0x3E80  }
0x1c2: {  	[sflag:s17] =	ssyncset.done $0x0  }
0x1c3: {  	[sflag:s17] =	ssyncadd.s32 $0xFFFFC180  }
0x1c4: {  	[spmem:s2] =	stream.indirect.scatter.add.f32 [tilespmem:s12], [sflag:$0x3], $0x80, s31, s15, $0xb8;
	[tilespmem:$0x1C880] =	vst v63  }
0x1c5: {  	_ =	swait.ge [sflag:s13], $0x3E80  }
0x1c6: {  	[sflag:s13] =	ssyncset.done $0x0  }
0x1c7: {  	[sflag:s13] =	ssyncadd.s32 $0xFFFFC180  }
0x1c8: {  	[tilespmem:s12], [sflag:$0x1] =	stream.indirect.gather [hbm4b:s4+s15], $0x80, s0, s15, $0xb8;
	[tilespmem:$0x1C880] =	vst v63  }
0x1c9: {  	_ =	swait.ge [sflag:s18], $0x3E80  }
0x1ca: {  	[sflag:s18] =	ssyncset.done $0x0  }
0x1cb: {  	[sflag:s18] =	ssyncadd.s32 $0xFFFFC180  }
0x1cc: {  	[spmem:s2] =	stream.indirect.scatter.add.f32 [tilespmem:s16], [sflag:$0x3], $0x80, s1, s15, $0xb8;
	[tilespmem:$0x1C880] =	vst v63  }
0x1cd: {  	_ =	swait.ge [sflag:s13], $0x3E80  }
0x1ce: {  	[sflag:s13] =	ssyncset.done $0x0  }
0x1cf: {  	[sflag:s13] =	ssyncadd.s32 $0xFFFFC180  }
0x1d0: {  	[tilespmem:s16], [sflag:$0x2] =	stream.indirect.gather [hbm4b:s4+s15], $0x80, s5, s15, $0xb8;
	[tilespmem:$0x1C880] =	vst v63  }
0x1d1: {  	_ =	swait.ge [sflag:s17], $0x3E80  }
0x1d2: {  	[sflag:s17] =	ssyncset.done $0x0  }
0x1d3: {  	[sflag:s17] =	ssyncadd.s32 $0xFFFFC180  }
0x1d4: {  	[spmem:s2] =	stream.indirect.scatter.add.f32 [tilespmem:s12], [sflag:$0x3], $0x80, s7, s15, $0xb8;
	[tilespmem:$0x1C880] =	vst v63  }
0x1d5: {  	_ =	swait.ge [sflag:s13], $0x3E80  }
0x1d6: {  	[sflag:s13] =	ssyncset.done $0x0  }
0x1d7: {  	[sflag:s13] =	ssyncadd.s32 $0xFFFFC180  }
0x1d8: {  	_ =	swait.ge [sflag:s18], $0x3E80  }
0x1d9: {  	[sflag:s18] =	ssyncset.done $0x0  }
0x1da: {  	[sflag:s18] =	ssyncadd.s32 $0xFFFFC180  }
0x1db: {  	[spmem:s2] =	stream.indirect.scatter.add.f32 [tilespmem:s16], [sflag:$0x3], $0x80, s8, s15, $0xb8;
	[tilespmem:$0x1C880] =	vst v63  }
0x1dc: {  	_ =	swait.ge [sflag:s13], $0x3E80  }
0x1dd: {  	[sflag:s13] =	ssyncset.done $0x0  }
0x1de: {  	[sflag:s13] =	ssyncadd.s32 $0xFFFFC180  }
0x1df: {  	s10 =	stileid.u32;
	[bflag:$0x0] =	sbarrier.arrive $0xFFFF  }
0x1e0: {  	s6 =	sshll.u32 s10, $0x6;
	s9 =	rddreg [dreg:$0x13]  }
0x1e1: {  	s6 =	sor.u32 $0x1C03, s6;
	s11 =	rddreg [dreg:$0x12];
	s9 =	sshrl.u32 s9, $0x3  }
0x1e2: {  	[hbm:s11], [sflag:s6] =	dma.local [spmem:s9], $0x2710  }
0x1e3: {  	_ =	swait.ge [sflag:s13], $0x2710  }
0x1e4: {  	s10 =	rddreg [dreg:$0x19]  }
0x1e5: {  	s11 =	rddreg [dreg:$0x14];
	s9 =	sadd.s32 $0x1, s10  }
0x1e6: {  	p0 =	sne.s32 s9, s11  }
.Ltmp2:
0x1e7: {  	_ = 	snop;
	(pc) =	sbr.rel @p0 .LBB2_1-.Ltmp2, $3  }
0x1e8: {  	_ =	sdelay $0x1  }
0x1e9: {  	[sflag:s13] =	ssyncset.done $0x0  }
0x1ea: {  	[sflag:s13] =	ssyncadd.s32 $0xFFFFD8F0  }
0x1eb: {  	_ =	sfence.sel $0x180000  }
0x1ec: {  	[bflag:$0x0] =	sbarrier.arrive $0xFFFF  }
0x1ed: {  	_ =	strace $0x9000004A  }
0x1ee: {  	s0 =	stileid.u32;
	[bflag:$0x2] =	sbarrier.arrive $0xFFFF  }
0x1ef: {  	p0 =	sne.s32 s0, $0x0;
	s0 =	rddreg [dreg:$0x2]  }
0x1f0: {  	s0 =	sadd.s32 @!p0 $0x100000, s0  }
0x1f1: {  	[sflag:s0] =	ssyncadd.tile.s32 @!p0 $0x1;
	_ =	shalt  }
.Lfunc_end2:
_tile_overlayer_lowered:
.L_overlay_start_2:
0x1f2: {  	(tag) =	ssettag $0x2  }
0x1f3: {  	s0 =	rddreg [dreg:$0x0];
	s2 =	stileid.u32  }
0x1f4: {  	s1 =	rddreg [dreg:$0x1];
	p0 =	sne.s32 s2, $0x0  }
0x1f5: {  	s3 =	rddreg [dreg:$0x2];
	[bflag:$0x3] =	sbarrier.arrive $0xFFFF;
	s2 =	simm.s32 @!p0 $0x1C03  }
0x1f6: {  	[timem:s3], [sflag:s2] =	dma.local @!p0 [hbm:s0], s1  }
0x1f7: {  	s0 =	simm.s32 @!p0 $0x3  }
0x1f8: {  	_ =	swait.ge @!p0 [sflag:s0], s1  }
0x1f9: {  	s1 =	ssub.s32 @!p0 $0x0, s1;
	[sflag:s0] =	ssyncset.done @!p0 $0x0  }
0x1fa: {  	[sflag:s0] =	ssyncadd.s32 @!p0 s1  }
0x1fb: {  	[bflag:$0x3] =	sbarrier.arrive $0xFFFF  }
0x1fc: {  	_ =	shalt  }

// kernel: kernel.15.cloned.1.call-start
scs
__scs_entry_jumppad:
0x0: {  	(pc) =	sbr.rel $0x88, $3  }
0x1: {  	(tag) =	ssettag $0x0;
	lr =	simm.s32 $0x1  }
0x2: {  	[smem:$0x3F96] =	sst lr;
	_ =	strace $0xD0000000  }
0x3: {  	_ = 	snop  }
0x4: {  	_ = 	snop  }
0x5: {  	_ = 	snop  }
0x6: {  	_ = 	snop  }
0x7: {  	_ = 	snop  }
__scs_overlays_trampoline_lowered:
0x8: {  	[smem:$0x3FA5] =	sst s0  }
0x9: {  	[smem:$0x3FA6] =	sst s1  }
0xa: {  	[smem:$0x3FA7] =	sst s2  }
0xb: {  	[smem:$0x3FA8] =	sst s3  }
0xc: {  	[smem:$0x3FA9] =	sst s4  }
0xd: {  	[smem:$0x3FAA] =	sst s5  }
0xe: {  	[smem:$0x3FAB] =	sst s6  }
0xf: {  	[smem:$0x3FAC] =	sst s7  }
0x10: {  	[smem:$0x3FAD] =	sst s8  }
0x11: {  	[smem:$0x3FAE] =	sst s9;
	s0 =	simm.s32 @!p0 $0x0  }
0x12: {  	s1 =	sld [smem:$0x3F94];
	s0 =	simm.s32 @p0 $0x1  }
0x13: {  	[smem:$0x3FAF] =	sst s0;
	s0 =	simm.s32 @!p1 $0x0  }
0x14: {  	s2 =	sld [smem:$0x3F93];
	s0 =	simm.s32 @p1 $0x1  }
0x15: {  	[smem:$0x3FB0] =	sst s0;
	s0 =	simm.s32 @!p2 $0x0  }
0x16: {  	s3 =	sld [smem:$0x3FDB];
	s0 =	simm.s32 @p2 $0x1  }
0x17: {  	s4 =	simm.s32 $0x1BF5;
	[smem:$0x3FB2] =	sst s0  }
0x18: {  	s0 =	sld [smem:$0x3F95];
	_ =	swait.ge [sflag:s4], $0x0  }
0x19: {  	s7 =	sld [smem:$0x3F96]  }
0x1a: {  	s8 =	sadd.s32 $0xFFFFE003, lr  }
0x1b: {  	s9 =	sadd.s32 $0xFFFFFEF7, lr;
	s5 =	simm.s32 $0xFFFFFFFF;
	p2 =	slt.u32 s8, $0xFFFFF086  }
0x1c: {  	p1 =	slt.u32 s9, $0xF7A;
	s5 =	simm.s32 @!p2 $0x0  }
0x1d: {  	s5 =	simm.s32 @p1 $0x1;
	p0 =	seq.s32 s7, s2  }
0x1e: {  	s7 =	smul.u32 @!p0 $0xF7A, s2;
	p2 =	seq.s32 @!p0 s5, $0x0  }
0x1f: {  	s9 =	smul.u32 $0xF7A, s1;
	s8 =	simm.s32 @!p0 $0x1BF5;
	p2 =	por !p2, p0  }
0x20: {  	[sflag:s8] =	ssyncset.s32 @!p0 $0xFFFFF086;
	s6 =	sadd.s32 @!p0 s3, s7;
	s7 =	simm.s32 @!p0 $0x108  }
0x21: {  	s3 =	sadd.s32 s3, s9;
	s6 =	sadd.s32 @!p0 $0x88, s6;
	s7 =	simm.s32 @p2 $0x1082  }
0x22: {  	[simem:s7], [sflag:s8] =	dma.local @!p0 [hbm:s6], $0xF7A  }
0x23: {  	s9 =	sor.u32 $0xD0000000, s2;
	s6 =	simm.s32 $0x108;
	_ =	swait.ge @!p0 [sflag:s8], $0x0  }
0x24: {  	s3 =	sadd.s32 $0x88, s3;
	s6 =	simm.s32 @!p1 $0x1082;
	[sflag:s4] =	ssyncset.s32 $0xFFFFF086  }
0x25: {  	[simem:s6], [sflag:s4] =	dma.local [hbm:s3], $0xF7A  }
0x26: {  	[smem:$0x3F96] =	sst s1;
	(tag) =	ssettag s2;
	_ =	strace s9  }
0x27: {  	s1 =	sld [smem:$0x3FA6]  }
0x28: {  	s2 =	sld [smem:$0x3FA7]  }
0x29: {  	s4 =	sld [smem:$0x3FA9]  }
0x2a: {  	p0 =	seq.s32 s5, $0x0;
	s5 =	sld [smem:$0x3FAA]  }
0x2b: {  	s6 =	sld [smem:$0x3FAB]  }
0x2c: {  	s7 =	sld [smem:$0x3FAC]  }
0x2d: {  	s3 =	simm.s32 $0x108;
	s8 =	sld [smem:$0x3FAD]  }
0x2e: {  	s3 =	simm.s32 @!p0 $0x1082;
	s9 =	sld [smem:$0x3FAE]  }
0x2f: {  	lr =	sadd.s32 s0, s3;
	s0 =	sld [smem:$0x3FA5]  }
0x30: {  	s3 =	sld [smem:$0x3FA8]  }
0x31: {  	[smem:$0x3FB1] =	sst s10  }
0x32: {  	s10 =	sld [smem:$0x3FAF];
	_ =	sdelay $0x3  }
0x33: {  	p0 =	seq.s32 s10, $0x1;
	s10 =	sld [smem:$0x3FB1];
	_ =	sdelay $0x3  }
0x34: {  	[smem:$0x3FB1] =	sst s10  }
0x35: {  	s10 =	sld [smem:$0x3FB0];
	_ =	sdelay $0x3  }
0x36: {  	p1 =	seq.s32 s10, $0x1;
	s10 =	sld [smem:$0x3FB1];
	_ =	sdelay $0x3  }
0x37: {  	[smem:$0x3FB1] =	sst s10  }
0x38: {  	s10 =	sld [smem:$0x3FB2]  }
0x39: {  	_ = 	snop;
	(pc) =	sbr.ind lr, $3  }
0x3a: {  	_ = 	snop  }
0x3b: {  	_ = 	snop  }
0x3c: {  	p2 =	seq.s32 s10, $0x1;
	s10 =	sld [smem:$0x3FB1]  }
0x3d: {  	_ =	shalt  }
0x3e: {  	_ =	shalt  }
0x3f: {  	_ =	shalt  }
0x40: {  	_ =	shalt  }
0x41: {  	_ =	shalt  }
0x42: {  	_ =	shalt  }
0x43: {  	_ =	shalt  }
0x44: {  	_ =	shalt  }
0x45: {  	_ =	shalt  }
0x46: {  	_ =	shalt  }
0x47: {  	_ =	shalt  }
0x48: {  	_ =	shalt  }
0x49: {  	_ =	shalt  }
0x4a: {  	_ =	shalt  }
0x4b: {  	_ =	shalt  }
0x4c: {  	_ =	shalt  }
0x4d: {  	_ =	shalt  }
0x4e: {  	_ =	shalt  }
0x4f: {  	_ =	shalt  }
0x50: {  	_ =	shalt  }
0x51: {  	_ =	shalt  }
0x52: {  	_ =	shalt  }
0x53: {  	_ =	shalt  }
0x54: {  	_ =	shalt  }
0x55: {  	_ =	shalt  }
0x56: {  	_ =	shalt  }
0x57: {  	_ =	shalt  }
0x58: {  	_ =	shalt  }
0x59: {  	_ =	shalt  }
0x5a: {  	_ =	shalt  }
0x5b: {  	_ =	shalt  }
0x5c: {  	_ =	shalt  }
0x5d: {  	_ =	shalt  }
0x5e: {  	_ =	shalt  }
0x5f: {  	_ =	shalt  }
0x60: {  	_ =	shalt  }
0x61: {  	_ =	shalt  }
0x62: {  	_ =	shalt  }
0x63: {  	_ =	shalt  }
0x64: {  	_ =	shalt  }
0x65: {  	_ =	shalt  }
0x66: {  	_ =	shalt  }
0x67: {  	_ =	shalt  }
0x68: {  	_ =	shalt  }
0x69: {  	_ =	shalt  }
0x6a: {  	_ =	shalt  }
0x6b: {  	_ =	shalt  }
0x6c: {  	_ =	shalt  }
0x6d: {  	_ =	shalt  }
0x6e: {  	_ =	shalt  }
0x6f: {  	_ =	shalt  }
0x70: {  	_ =	shalt  }
0x71: {  	_ =	shalt  }
0x72: {  	_ =	shalt  }
0x73: {  	_ =	shalt  }
0x74: {  	_ =	shalt  }
0x75: {  	_ =	shalt  }
0x76: {  	_ =	shalt  }
0x77: {  	_ =	shalt  }
0x78: {  	_ =	shalt  }
0x79: {  	_ =	shalt  }
0x7a: {  	_ =	shalt  }
0x7b: {  	_ =	shalt  }
0x7c: {  	_ =	shalt  }
0x7d: {  	_ =	shalt  }
0x7e: {  	_ =	shalt  }
0x7f: {  	_ =	shalt  }
0x80: {  	_ =	shalt  }
0x81: {  	_ =	shalt  }
0x82: {  	_ =	shalt  }
0x83: {  	_ =	shalt  }
0x84: {  	_ =	shalt  }
0x85: {  	_ =	shalt  }
0x86: {  	_ =	shalt  }
0x87: {  	_ =	shalt  }
.Lfunc_end0:
.L_simem_size_0:
called_computation.2_lowered:
.L_overlay_start_0:
0x88: {  	s2 =	sld [smem:$0x3FD9]  }
0x89: {  	s3 =	sld [smem:$0x3FFE];
	_ =	sdelay $0x1  }
0x8a: {  	s1 =	srdreg.scid  }
0x8b: {  	s0 =	sand.u32 $0x1, s1  }
0x8c: {  	s16 =	sshll.u32 s0, $0xA;
	s2 =	sadd.s32 s3, s2  }
0x8d: {  	s2 =	sadd.s32 s2, s16  }
0x8e: {  	[smem:$0x3FBD] =	sst s2  }
0x8f: {  	_ = 	snop  }
0x90: {  	(tm) =	ssettm $0x1  }
0x91: {  	s17 =	sld [smem:$0x3FFB];
	_ =	sdelay $0x3  }
0x92: {  	_ =	strace s17  }
0x93: {  	s2 =	sld [smem:$0x3FFC];
	_ =	sdelay $0x3  }
0x94: {  	_ =	strace s2  }
0x95: {  	s2 =	sld [smem:$0x3FFD];
	_ =	sdelay $0x3  }
0x96: {  	_ =	strace s2  }
0x97: {  	_ =	strace $0x8FFFFFFF  }
0x98: {  	s18 =	sld [smem:$0x3FDB];
	_ =	sdelay $0x1  }
0x99: {  	s19 =	simm.s32 $_scs_section_size  }
0x9a: {  	s4 =	simm.s32 $_size__tile_overlayer_lowered;
	s5 =	simm.s32 $_tile_overlayer_lowered  }
0x9b: {  	s22 =	simm.s32 $0x1BFF;
	s21 =	sshll.u32 s5, $0x1;
	s2 =	sadd.s32 s19, s18  }
0x9c: {  	s6 =	simm.s32 $0x0;
	s20 =	sshll.u32 s4, $0x1;
	s4 =	sadd.s32 s21, s2  }
0x9d: {  	[timem:s6], [sflag:s22] =	dma.local [hbm:s4], s20  }
0x9e: {  	_ =	swait.ge [sflag:s22], s20  }
0x9f: {  	s3 =	ssub.s32 $0x0, s20;
	[sflag:s22] =	ssyncset.done $0x0  }
0xa0: {  	[sflag:s22] =	ssyncadd.s32 s3;
	_ =	sdelay $0x1  }
0xa1: {  	s23 =	simm.s32 $0x1B8B  }
0xa2: {  	_ =	swait.ge [sflag:s23], $0x1  }
0xa3: {  	[sflag:s23] =	ssyncset.done $0x0  }
0xa4: {  	s25 =	simm.s32 $0x1B8E;
	s24 =	sld [smem:$0x3FFE];
	[sflag:s23] =	ssyncadd.s32 $0xFFFFFFFF  }
0xa5: {  	s26 =	simm.s32 $execute0_lowered;
	[smem:$0x3FD2] =	sst s25  }
0xa6: {  	s4 =	sshll.u32 s26, $0x1;
	_ =	strace $0x8000004C;
	[dreg:$0x1] =	wrdreg $0xFFFFFFFF  }
0xa7: {  	s28 =	simm.s32 $_size_execute0_lowered;
	s2 =	sadd.s32 s2, s4;
	[dreg:$0x0] =	wrdreg $0x0  }
0xa8: {  	s4 =	sshll.u32 s28, $0x1;
	[dreg:$0x2] =	wrdreg s2  }
0xa9: {  	[dreg:$0x3] =	wrdreg s4  }
0xaa: {  	[dreg:$0x4] =	wrdreg $0xC0  }
0xab: {  	_ =	task [dreg:s6], $0x5FFFF  }
0xac: {  	[dreg:$0x1] =	wrdreg $0xFFFFFFFF  }
0xad: {  	[dreg:$0x0] =	wrdreg $0x60  }
0xae: {  	[dreg:$0x2] =	wrdreg s24  }
0xaf: {  	[dreg:$0x3] =	wrdreg $0x90000  }
0xb0: {  	[dreg:$0x4] =	wrdreg $0x9  }
0xb1: {  	_ =	task.clear_ibuf [dreg:s6], $0x5FFFF;
	_ =	strace $0x9000004C  }
0xb2: {  	s29 =	simm.s32 $0x9;
	_ =	strace $0x8000004E  }
0xb3: {  	_ =	swait.ge [sflag:s29], $0x1  }
0xb4: {  	[sflag:s29] =	ssyncadd.s32 $0xFFFFFFFF  }
0xb5: {  	_ =	strace $0x9000004E  }
0xb6: {  	_ =	sfence  }
0xb7: {  	s30 =	sld [smem:$0x0];
	_ =	sdelay $0x2  }
0xb8: {  	s31 =	sshll.u32 s1, $0xD;
	s1 =	sshrl.u32 s1, $0x2  }
0xb9: {  	s3 =	sand.u32 $0x4000, s31;
	s1 =	sadd.s32 s1, s30  }
0xba: {  	s0 =	sor.u32 s3, s0;
	s1 =	sshll.u32 s1, $0x11  }
0xbb: {  	s0 =	sor.u32 s1, s0  }
0xbc: {  	s0 =	sadd.s32 $0x8F2B, s0  }
0xbd: {  	[sflag:s0] =	ssyncadd.remote.s32 $0x1  }
0xbe: {  	_ =	sfence.sel $0xFFFF  }
0xbf: {  	[dreg:$0x0] =	wrdreg $0xFFFFFFFF;
	(pc) =	sbr.abs _section_cstart, $3  }
0xc0: {  	[dreg:$0x1] =	wrdreg $0xFFFFFFFF  }
0xc1: {  	_ =	task.clear_ibuf [dreg:s6], $0x2FFFF;
	_ =	strace $0x9FFFFFFF  }
0xc2: {  	(tm) =	ssettm $0x7FFFFFFF  }
0xc3: {  	_ =	shalt  }
tec
execute0_lowered:
.L_overlay_start_1:
0x0: {  	(tag) =	ssettag $0x1  }
0x1: {  	s0 =	srdreg.scid  }
0x2: {  	s1 =	rddreg [dreg:$0x0];
	s9 =	stileid.u32  }
0x3: {  	s2 =	rddreg [dreg:$0x1];
	s3 =	simm.s32 $0x0;
	s11 =	simm.s32 $0x100  }
0x4: {  	s12 =	simm.s32 $0x880;
	s13 =	simm.s32 $0x180;
	s15 =	simm.s32 $0x900  }
0x5: {  	s17 =	simm.s32 $0x200;
	s19 =	simm.s32 $0x980;
	[smem:$0x7FF] =	sst s3  }
0x6: {  	s21 =	simm.s32 $0x280;
	_ =	strace $0x8000004D;
	[dreg:$0x6] =	wrdreg s11  }
0x7: {  	s22 =	simm.s32 $0xA00;
	s23 =	simm.s32 $0x300;
	[dreg:$0x7] =	wrdreg s12  }
0x8: {  	s24 =	simm.s32 $0xA80;
	s28 =	simm.s32 $0x600;
	[dreg:$0x8] =	wrdreg s13  }
0x9: {  	s29 =	simm.s32 $0xD80;
	s30 =	simm.s32 $0x680;
	[dreg:$0x9] =	wrdreg s15  }
0xa: {  	s31 =	simm.s32 $0xE00;
	s6 =	smul.u32 $0x2800, s9;
	[dreg:$0xa] =	wrdreg s17  }
0xb: {  	s0 =	sand.u32 $0x1, s0;
	s8 =	smul.u32 $0x13C00, s9;
	[dreg:$0xb] =	wrdreg s19  }
0xc: {  	s4 =	sadd.s32 $0xD000, s1;
	s5 =	smul.u32 $0x28000, s0;
	[dreg:$0xc] =	wrdreg s21  }
0xd: {  	s7 =	smul.u32 $0x13C000, s0;
	s0 =	ssub.s32 $0x2, s0;
	[dreg:$0xd] =	wrdreg s22  }
0xe: {  	s12 =	simm.s32 $0x1000;
	s13 =	simm.s32 $0x3;
	[dreg:$0xe] =	wrdreg s23  }
0xf: {  	s15 =	simm.s32 $0x7D;
	[dreg:$0xf] =	wrdreg s24;
	s17 =	simm.s32 $0x1  }
0x10: {  	s19 =	simm.s32 $0x400;
	s21 =	simm.s32 $0x480;
	s22 =	simm.s32 $0xC00  }
0x11: {  	s23 =	simm.s32 $0x500;
	s24 =	simm.s32 $0xC80;
	s26 =	sshrl.u32 s0, $0x1  }
0x12: {  	s5 =	sadd.s32 s6, s5;
	s25 =	sadd.s32 s8, s7;
	s0 =	ssub.s32 s0, s26  }
0x13: {  	s8 =	smul.u32 $0x4E200, s9;
	s9 =	simm.s32 $0x80;
	s26 =	simm.s32 $0xB00  }
0x14: {  	s5 =	sshrl.u32 s5, $0x3;
	s6 =	sshrl.u32 s25, $0x3;
	[dreg:$0x5] =	wrdreg s9  }
0x15: {  	s0 =	smax.u32 s0, $0x1;
	s25 =	simm.s32 $0x380;
	[dreg:$0x11] =	wrdreg s26  }
0x16: {  	s26 =	simm.s32 $0xD00;
	s5 =	sadd.s32 s5, s1;
	[dreg:$0x14] =	wrdreg s0  }
0x17: {  	s1 =	sadd.s32 s6, s1;
	[dreg:$0x10] =	wrdreg s25;
	s7 =	sadd.s32 $0x3000, s5  }
0x18: {  	s9 =	simm.s32 $0x0;
	s1 =	sadd.s32 $0xD1200, s1;
	[dreg:$0x3] =	wrdreg s7  }
0x19: {  	s10 =	sshrl.u32 s8, $0x2;
	s5 =	sadd.s32 $0x16E400, s5;
	[dreg:$0x12] =	wrdreg s1  }
0x1a: {  	s25 =	simm.s32 $0x580;
	[dreg:$0x4] =	wrdreg s5;
	s5 =	sadd.s32 s10, s2  }
0x1b: {  	s0 =	simm.s32 $0xE80;
	s14 =	sadd.s32 $0x3E80, s5;
	[dreg:$0x13] =	wrdreg s5  }
0x1c: {  	s8 =	simm.s32 $0xF80;
	s16 =	sadd.s32 $0x7D00, s5;
	[dreg:$0x15] =	wrdreg s14  }
0x1d: {  	s1 =	simm.s32 $0x700;
	s18 =	sadd.s32 $0xBB80, s5;
	[dreg:$0x16] =	wrdreg s16  }
0x1e: {  	s7 =	simm.s32 $0xF00;
	s20 =	sadd.s32 $0xFA00, s5;
	[dreg:$0x17] =	wrdreg s18  }
0x1f: {  	s5 =	simm.s32 $0x780;
	[dreg:$0x18] =	wrdreg s20;
	s14 =	simm.s32 $0x800  }
0x20: {  	v0 =	vimm.f32 $0.0e+00;
	s16 =	simm.s32 $0x5000;
	s18 =	simm.s32 $0x2;
	s20 =	simm.s32 $0xB80  }
.LBB2_1:
0x21: {  	s6 =	sand.u32 $0xFE00, s3  }
0x22: {  	[dreg:$0x19] =	wrdreg s9;
	s11 =	sand.u32 $0x70, s3;
	s6 =	sshrl.u32 s6, $0x2  }
0x23: {  	s10 =	simm.s32 $0x40;
	s6 =	sor.u32 s11, s6;
	s11 =	simm.s32 $0x0  }
.LBB2_2:
0x24: {  	p0 =	sne.s32 s10, $0xF9C0  }
0x25: {  	[tilespmem:s6+$0x1000] =	vst v0;
	s11 =	sadd.s32 $0x10, s11;
	s6 =	smov.u32 s10;
	s10 =	sadd.s32 $0x40, s10  }
.Ltmp0:
0x26: {  	(pc) =	sbr.rel @p0 .LBB2_2-.Ltmp0, $4  }
0x27: {  	_ = 	snop  }
0x28: {  	s6 =	sand.u32 $0xFE00, s6  }
0x29: {  	s9 =	sand.u32 $0x70, s11;
	s6 =	sshrl.u32 s6, $0x2  }
0x2a: {  	s6 =	sor.u32 s9, s6  }
0x2b: {  	[tilespmem:s6+$0x1000] =	vst v0;
	s10 =	rddreg [dreg:$0x13]  }
0x2c: {  	[spmem:s10] =	stream.linear.scatter [tilespmem:s12], [sflag:$0x3], $0x3E80, $0x38;
	[tilespmem:$0x1C880] =	vst v63  }
0x2d: {  	_ =	swait.ge [sflag:s13], $0x3E80  }
0x2e: {  	[sflag:s13] =	ssyncset.done $0x0  }
0x2f: {  	s11 =	rddreg [dreg:$0x15];
	[sflag:s13] =	ssyncadd.s32 $0xFFFFC180  }
0x30: {  	[spmem:s11] =	stream.linear.scatter [tilespmem:s12], [sflag:$0x3], $0x3E80, $0x38;
	[tilespmem:$0x1C880] =	vst v63  }
0x31: {  	_ =	swait.ge [sflag:s13], $0x3E80  }
0x32: {  	[sflag:s13] =	ssyncset.done $0x0  }
0x33: {  	s9 =	rddreg [dreg:$0x16];
	[sflag:s13] =	ssyncadd.s32 $0xFFFFC180  }
0x34: {  	[spmem:s9] =	stream.linear.scatter [tilespmem:s12], [sflag:$0x3], $0x3E80, $0x38;
	[tilespmem:$0x1C880] =	vst v63  }
0x35: {  	_ =	swait.ge [sflag:s13], $0x3E80  }
0x36: {  	[sflag:s13] =	ssyncset.done $0x0  }
0x37: {  	s10 =	rddreg [dreg:$0x17];
	[sflag:s13] =	ssyncadd.s32 $0xFFFFC180  }
0x38: {  	[spmem:s10] =	stream.linear.scatter [tilespmem:s12], [sflag:$0x3], $0x3E80, $0x38;
	[tilespmem:$0x1C880] =	vst v63  }
0x39: {  	_ =	swait.ge [sflag:s13], $0x3E80  }
0x3a: {  	[sflag:s13] =	ssyncset.done $0x0  }
0x3b: {  	s11 =	rddreg [dreg:$0x18];
	[sflag:s13] =	ssyncadd.s32 $0xFFFFC180  }
0x3c: {  	[spmem:s11] =	stream.linear.scatter [tilespmem:s12], [sflag:$0x3], $0x3E80, $0x38;
	[tilespmem:$0x1C880] =	vst v63  }
0x3d: {  	_ =	swait.ge [sflag:s13], $0x3E80  }
0x3e: {  	[sflag:s13] =	ssyncset.done $0x0  }
0x3f: {  	[sflag:s13] =	ssyncadd.s32 $0xFFFFC180  }
0x40: {  	[bflag:$0x0] =	sbarrier.arrive $0xFFFF  }
0x41: {  	s9 =	rddreg [dreg:$0x4]  }
0x42: {  	s6 =	sadd.s32 $0x0, s9  }
0x43: {  	[tilespmem:s3], [sflag:$0x3] =	stream.linear.gather [hbm4b:s6+s3], $0x800, $0x38;
	[tilespmem:$0x1C880] =	vst v63  }
0x44: {  	_ =	swait.ge [sflag:s13], $0x800  }
0x45: {  	s10 =	rddreg [dreg:$0x3];
	[sflag:s13] =	ssyncset.done $0x0  }
0x46: {  	[sflag:s13] =	ssyncadd.s32 $0xFFFFF800;
	s6 =	sadd.s32 $0x0, s10  }
0x47: {  	[tilespmem:s14], [sflag:$0x3] =	stream.linear.gather [hbm4b:s6+s3], $0x800, $0x38;
	[tilespmem:$0x1C880] =	vst v63  }
0x48: {  	_ =	swait.ge [sflag:s13], $0x800  }
0x49: {  	[sflag:s13] =	ssyncset.done $0x0  }
0x4a: {  	[sflag:s13] =	ssyncadd.s32 $0xFFFFF800  }
0x4b: {  	[tilespmem:s12], [sflag:$0x1] =	stream.indirect.gather [hbm4b:s4+s15], $0x80, s3, s15, $0xb8;
	[tilespmem:$0x1C880] =	vst v63  }
0x4c: {  	s11 =	rddreg [dreg:$0x5]  }
0x4d: {  	[tilespmem:s16], [sflag:$0x2] =	stream.indirect.gather [hbm4b:s4+s15], $0x80, s11, s15, $0xb8;
	[tilespmem:$0x1C880] =	vst v63  }
0x4e: {  	_ =	swait.ge [sflag:s17], $0x3E80  }
0x4f: {  	[sflag:s17] =	ssyncset.done $0x0  }
0x50: {  	[sflag:s17] =	ssyncadd.s32 $0xFFFFC180  }
0x51: {  	[spmem:s2] =	stream.indirect.scatter.add.f32 [tilespmem:s12], [sflag:$0x3], $0x80, s14, s15, $0xb8;
	[tilespmem:$0x1C880] =	vst v63  }
0x52: {  	_ =	swait.ge [sflag:s13], $0x3E80  }
0x53: {  	[sflag:s13] =	ssyncset.done $0x0  }
0x54: {  	s9 =	rddreg [dreg:$0x6];
	[sflag:s13] =	ssyncadd.s32 $0xFFFFC180  }
0x55: {  	[tilespmem:s12], [sflag:$0x1] =	stream.indirect.gather [hbm4b:s4+s15], $0x80, s9, s15, $0xb8;
	[tilespmem:$0x1C880] =	vst v63  }
0x56: {  	_ =	swait.ge [sflag:s18], $0x3E80  }
0x57: {  	[sflag:s18] =	ssyncset.done $0x0  }
0x58: {  	s10 =	rddreg [dreg:$0x7];
	[sflag:s18] =	ssyncadd.s32 $0xFFFFC180  }
0x59: {  	[spmem:s2] =	stream.indirect.scatter.add.f32 [tilespmem:s16], [sflag:$0x3], $0x80, s10, s15, $0xb8;
	[tilespmem:$0x1C880] =	vst v63  }
0x5a: {  	_ =	swait.ge [sflag:s13], $0x3E80  }
0x5b: {  	[sflag:s13] =	ssyncset.done $0x0  }
0x5c: {  	s11 =	rddreg [dreg:$0x8];
	[sflag:s13] =	ssyncadd.s32 $0xFFFFC180  }
0x5d: {  	[tilespmem:s16], [sflag:$0x2] =	stream.indirect.gather [hbm4b:s4+s15], $0x80, s11, s15, $0xb8;
	[tilespmem:$0x1C880] =	vst v63  }
0x5e: {  	_ =	swait.ge [sflag:s17], $0x3E80  }
0x5f: {  	[sflag:s17] =	ssyncset.done $0x0  }
0x60: {  	s9 =	rddreg [dreg:$0x9];
	[sflag:s17] =	ssyncadd.s32 $0xFFFFC180  }
0x61: {  	[spmem:s2] =	stream.indirect.scatter.add.f32 [tilespmem:s12], [sflag:$0x3], $0x80, s9, s15, $0xb8;
	[tilespmem:$0x1C880] =	vst v63  }
0x62: {  	_ =	swait.ge [sflag:s13], $0x3E80  }
0x63: {  	[sflag:s13] =	ssyncset.done $0x0  }
0x64: {  	s10 =	rddreg [dreg:$0xa];
	[sflag:s13] =	ssyncadd.s32 $0xFFFFC180  }
0x65: {  	[tilespmem:s12], [sflag:$0x1] =	stream.indirect.gather [hbm4b:s4+s15], $0x80, s10, s15, $0xb8;
	[tilespmem:$0x1C880] =	vst v63  }
0x66: {  	_ =	swait.ge [sflag:s18], $0x3E80  }
0x67: {  	[sflag:s18] =	ssyncset.done $0x0  }
0x68: {  	s11 =	rddreg [dreg:$0xb];
	[sflag:s18] =	ssyncadd.s32 $0xFFFFC180  }
0x69: {  	[spmem:s2] =	stream.indirect.scatter.add.f32 [tilespmem:s16], [sflag:$0x3], $0x80, s11, s15, $0xb8;
	[tilespmem:$0x1C880] =	vst v63  }
0x6a: {  	_ =	swait.ge [sflag:s13], $0x3E80  }
0x6b: {  	[sflag:s13] =	ssyncset.done $0x0  }
0x6c: {  	s9 =	rddreg [dreg:$0xc];
	[sflag:s13] =	ssyncadd.s32 $0xFFFFC180  }
0x6d: {  	[tilespmem:s16], [sflag:$0x2] =	stream.indirect.gather [hbm4b:s4+s15], $0x80, s9, s15, $0xb8;
	[tilespmem:$0x1C880] =	vst v63  }
0x6e: {  	_ =	swait.ge [sflag:s17], $0x3E80  }
0x6f: {  	[sflag:s17] =	ssyncset.done $0x0  }
0x70: {  	s10 =	rddreg [dreg:$0xd];
	[sflag:s17] =	ssyncadd.s32 $0xFFFFC180  }
0x71: {  	[spmem:s2] =	stream.indirect.scatter.add.f32 [tilespmem:s12], [sflag:$0x3], $0x80, s10, s15, $0xb8;
	[tilespmem:$0x1C880] =	vst v63  }
0x72: {  	_ =	swait.ge [sflag:s13], $0x3E80  }
0x73: {  	[sflag:s13] =	ssyncset.done $0x0  }
0x74: {  	s11 =	rddreg [dreg:$0xe];
	[sflag:s13] =	ssyncadd.s32 $0xFFFFC180  }
0x75: {  	[tilespmem:s12], [sflag:$0x1] =	stream.indirect.gather [hbm4b:s4+s15], $0x80, s11, s15, $0xb8;
	[tilespmem:$0x1C880] =	vst v63  }
0x76: {  	_ =	swait.ge [sflag:s18], $0x3E80  }
0x77: {  	[sflag:s18] =	ssyncset.done $0x0  }
0x78: {  	s9 =	rddreg [dreg:$0xf];
	[sflag:s18] =	ssyncadd.s32 $0xFFFFC180  }
0x79: {  	[spmem:s2] =	stream.indirect.scatter.add.f32 [tilespmem:s16], [sflag:$0x3], $0x80, s9, s15, $0xb8;
	[tilespmem:$0x1C880] =	vst v63  }
0x7a: {  	_ =	swait.ge [sflag:s13], $0x3E80  }
0x7b: {  	[sflag:s13] =	ssyncset.done $0x0  }
0x7c: {  	s10 =	rddreg [dreg:$0x10];
	[sflag:s13] =	ssyncadd.s32 $0xFFFFC180  }
0x7d: {  	[tilespmem:s16], [sflag:$0x2] =	stream.indirect.gather [hbm4b:s4+s15], $0x80, s10, s15, $0xb8;
	[tilespmem:$0x1C880] =	vst v63  }
0x7e: {  	_ =	swait.ge [sflag:s17], $0x3E80  }
0x7f: {  	[sflag:s17] =	ssyncset.done $0x0  }
0x80: {  	s11 =	rddreg [dreg:$0x11];
	[sflag:s17] =	ssyncadd.s32 $0xFFFFC180  }
0x81: {  	[spmem:s2] =	stream.indirect.scatter.add.f32 [tilespmem:s12], [sflag:$0x3], $0x80, s11, s15, $0xb8;
	[tilespmem:$0x1C880] =	vst v63  }
0x82: {  	_ =	swait.ge [sflag:s13], $0x3E80  }
0x83: {  	[sflag:s13] =	ssyncset.done $0x0  }
0x84: {  	[sflag:s13] =	ssyncadd.s32 $0xFFFFC180  }
0x85: {  	[tilespmem:s12], [sflag:$0x1] =	stream.indirect.gather [hbm4b:s4+s15], $0x80, s19, s15, $0xb8;
	[tilespmem:$0x1C880] =	vst v63  }
0x86: {  	_ =	swait.ge [sflag:s18], $0x3E80  }
0x87: {  	[sflag:s18] =	ssyncset.done $0x0  }
0x88: {  	[sflag:s18] =	ssyncadd.s32 $0xFFFFC180  }
0x89: {  	[spmem:s2] =	stream.indirect.scatter.add.f32 [tilespmem:s16], [sflag:$0x3], $0x80, s20, s15, $0xb8;
	[tilespmem:$0x1C880] =	vst v63  }
0x8a: {  	_ =	swait.ge [sflag:s13], $0x3E80  }
0x8b: {  	[sflag:s13] =	ssyncset.done $0x0  }
0x8c: {  	[sflag:s13] =	ssyncadd.s32 $0xFFFFC180  }
0x8d: {  	[tilespmem:s16], [sflag:$0x2] =	stream.indirect.gather [hbm4b:s4+s15], $0x80, s21, s15, $0xb8;
	[tilespmem:$0x1C880] =	vst v63  }
0x8e: {  	_ =	swait.ge [sflag:s17], $0x3E80  }
0x8f: {  	[sflag:s17] =	ssyncset.done $0x0  }
0x90: {  	[sflag:s17] =	ssyncadd.s32 $0xFFFFC180  }
0x91: {  	[spmem:s2] =	stream.indirect.scatter.add.f32 [tilespmem:s12], [sflag:$0x3], $0x80, s22, s15, $0xb8;
	[tilespmem:$0x1C880] =	vst v63  }
0x92: {  	_ =	swait.ge [sflag:s13], $0x3E80  }
0x93: {  	[sflag:s13] =	ssyncset.done $0x0  }
0x94: {  	[sflag:s13] =	ssyncadd.s32 $0xFFFFC180  }
0x95: {  	[tilespmem:s12], [sflag:$0x1] =	stream.indirect.gather [hbm4b:s4+s15], $0x80, s23, s15, $0xb8;
	[tilespmem:$0x1C880] =	vst v63  }
0x96: {  	_ =	swait.ge [sflag:s18], $0x3E80  }
0x97: {  	[sflag:s18] =	ssyncset.done $0x0  }
0x98: {  	[sflag:s18] =	ssyncadd.s32 $0xFFFFC180  }
0x99: {  	[spmem:s2] =	stream.indirect.scatter.add.f32 [tilespmem:s16], [sflag:$0x3], $0x80, s24, s15, $0xb8;
	[tilespmem:$0x1C880] =	vst v63  }
0x9a: {  	_ =	swait.ge [sflag:s13], $0x3E80  }
0x9b: {  	[sflag:s13] =	ssyncset.done $0x0  }
0x9c: {  	[sflag:s13] =	ssyncadd.s32 $0xFFFFC180  }
0x9d: {  	[tilespmem:s16], [sflag:$0x2] =	stream.indirect.gather [hbm4b:s4+s15], $0x80, s25, s15, $0xb8;
	[tilespmem:$0x1C880] =	vst v63  }
0x9e: {  	_ =	swait.ge [sflag:s17], $0x3E80  }
0x9f: {  	[sflag:s17] =	ssyncset.done $0x0  }
0xa0: {  	[sflag:s17] =	ssyncadd.s32 $0xFFFFC180  }
0xa1: {  	[spmem:s2] =	stream.indirect.scatter.add.f32 [tilespmem:s12], [sflag:$0x3], $0x80, s26, s15, $0xb8;
	[tilespmem:$0x1C880] =	vst v63  }
0xa2: {  	_ =	swait.ge [sflag:s13], $0x3E80  }
0xa3: {  	[sflag:s13] =	ssyncset.done $0x0  }
0xa4: {  	[sflag:s13] =	ssyncadd.s32 $0xFFFFC180  }
0xa5: {  	[tilespmem:s12], [sflag:$0x1] =	stream.indirect.gather [hbm4b:s4+s15], $0x80, s28, s15, $0xb8;
	[tilespmem:$0x1C880] =	vst v63  }
0xa6: {  	_ =	swait.ge [sflag:s18], $0x3E80  }
0xa7: {  	[sflag:s18] =	ssyncset.done $0x0  }
0xa8: {  	[sflag:s18] =	ssyncadd.s32 $0xFFFFC180  }
0xa9: {  	[spmem:s2] =	stream.indirect.scatter.add.f32 [tilespmem:s16], [sflag:$0x3], $0x80, s29, s15, $0xb8;
	[tilespmem:$0x1C880] =	vst v63  }
0xaa: {  	_ =	swait.ge [sflag:s13], $0x3E80  }
0xab: {  	[sflag:s13] =	ssyncset.done $0x0  }
0xac: {  	[sflag:s13] =	ssyncadd.s32 $0xFFFFC180  }
0xad: {  	[tilespmem:s16], [sflag:$0x2] =	stream.indirect.gather [hbm4b:s4+s15], $0x80, s30, s15, $0xb8;
	[tilespmem:$0x1C880] =	vst v63  }
0xae: {  	_ =	swait.ge [sflag:s17], $0x3E80  }
0xaf: {  	[sflag:s17] =	ssyncset.done $0x0  }
0xb0: {  	[sflag:s17] =	ssyncadd.s32 $0xFFFFC180  }
0xb1: {  	[spmem:s2] =	stream.indirect.scatter.add.f32 [tilespmem:s12], [sflag:$0x3], $0x80, s31, s15, $0xb8;
	[tilespmem:$0x1C880] =	vst v63  }
0xb2: {  	_ =	swait.ge [sflag:s13], $0x3E80  }
0xb3: {  	[sflag:s13] =	ssyncset.done $0x0  }
0xb4: {  	[sflag:s13] =	ssyncadd.s32 $0xFFFFC180  }
0xb5: {  	[tilespmem:s12], [sflag:$0x1] =	stream.indirect.gather [hbm4b:s4+s15], $0x80, s1, s15, $0xb8;
	[tilespmem:$0x1C880] =	vst v63  }
0xb6: {  	_ =	swait.ge [sflag:s18], $0x3E80  }
0xb7: {  	[sflag:s18] =	ssyncset.done $0x0  }
0xb8: {  	[sflag:s18] =	ssyncadd.s32 $0xFFFFC180  }
0xb9: {  	[spmem:s2] =	stream.indirect.scatter.add.f32 [tilespmem:s16], [sflag:$0x3], $0x80, s0, s15, $0xb8;
	[tilespmem:$0x1C880] =	vst v63  }
0xba: {  	_ =	swait.ge [sflag:s13], $0x3E80  }
0xbb: {  	[sflag:s13] =	ssyncset.done $0x0  }
0xbc: {  	[sflag:s13] =	ssyncadd.s32 $0xFFFFC180  }
0xbd: {  	[tilespmem:s16], [sflag:$0x2] =	stream.indirect.gather [hbm4b:s4+s15], $0x80, s5, s15, $0xb8;
	[tilespmem:$0x1C880] =	vst v63  }
0xbe: {  	_ =	swait.ge [sflag:s17], $0x3E80  }
0xbf: {  	[sflag:s17] =	ssyncset.done $0x0  }
0xc0: {  	[sflag:s17] =	ssyncadd.s32 $0xFFFFC180  }
0xc1: {  	[spmem:s2] =	stream.indirect.scatter.add.f32 [tilespmem:s12], [sflag:$0x3], $0x80, s7, s15, $0xb8;
	[tilespmem:$0x1C880] =	vst v63  }
0xc2: {  	_ =	swait.ge [sflag:s13], $0x3E80  }
0xc3: {  	[sflag:s13] =	ssyncset.done $0x0  }
0xc4: {  	[sflag:s13] =	ssyncadd.s32 $0xFFFFC180  }
0xc5: {  	_ =	swait.ge [sflag:s18], $0x3E80  }
0xc6: {  	[sflag:s18] =	ssyncset.done $0x0  }
0xc7: {  	[sflag:s18] =	ssyncadd.s32 $0xFFFFC180  }
0xc8: {  	[spmem:s2] =	stream.indirect.scatter.add.f32 [tilespmem:s16], [sflag:$0x3], $0x80, s8, s15, $0xb8;
	[tilespmem:$0x1C880] =	vst v63  }
0xc9: {  	s10 =	simm.s32 $0x100;
	_ =	swait.ge [sflag:s13], $0x3E80  }
0xca: {  	s11 =	simm.s32 $0x200;
	s6 =	rddreg [dreg:$0x4];
	[sflag:s13] =	ssyncset.done $0x0  }
.LBB2_4:
0xcb: {  	[sflag:s13] =	ssyncadd.s32 $0xFFFFC180;
	s6 =	sadd.s32 s10, s6  }
0xcc: {  	[tilespmem:s3], [sflag:$0x3] =	stream.linear.gather [hbm4b:s6+s3], $0x800, $0x38;
	[tilespmem:$0x1C880] =	vst v63  }
0xcd: {  	_ =	swait.ge [sflag:s13], $0x800  }
0xce: {  	s6 =	rddreg [dreg:$0x3];
	[sflag:s13] =	ssyncset.done $0x0  }
0xcf: {  	[sflag:s13] =	ssyncadd.s32 $0xFFFFF800;
	s6 =	sadd.s32 s10, s6  }
0xd0: {  	[tilespmem:s14], [sflag:$0x3] =	stream.linear.gather [hbm4b:s6+s3], $0x800, $0x38;
	[tilespmem:$0x1C880] =	vst v63  }
0xd1: {  	_ =	swait.ge [sflag:s13], $0x800  }
0xd2: {  	[sflag:s13] =	ssyncset.done $0x0  }
0xd3: {  	s9 =	smov.u32 s11;
	[sflag:s13] =	ssyncadd.s32 $0xFFFFF800  }
0xd4: {  	[tilespmem:s12], [sflag:$0x1] =	stream.indirect.gather [hbm4b:s4+s15], $0x80, s3, s15, $0xb8;
	[tilespmem:$0x1C880] =	vst v63  }
0xd5: {  	s10 =	smov.u32 s9;
	s9 =	rddreg [dreg:$0x5]  }
0xd6: {  	[tilespmem:s16], [sflag:$0x2] =	stream.indirect.gather [hbm4b:s4+s15], $0x80, s9, s15, $0xb8;
	[tilespmem:$0x1C880] =	vst v63  }
0xd7: {  	_ =	swait.ge [sflag:s17], $0x3E80  }
0xd8: {  	[sflag:s17] =	ssyncset.done $0x0  }
0xd9: {  	[sflag:s17] =	ssyncadd.s32 $0xFFFFC180  }
0xda: {  	[spmem:s2] =	stream.indirect.scatter.add.f32 [tilespmem:s12], [sflag:$0x3], $0x80, s14, s15, $0xb8;
	[tilespmem:$0x1C880] =	vst v63  }
0xdb: {  	_ =	swait.ge [sflag:s13], $0x3E80  }
0xdc: {  	[sflag:s13] =	ssyncset.done $0x0  }
0xdd: {  	s9 =	rddreg [dreg:$0x6];
	[sflag:s13] =	ssyncadd.s32 $0xFFFFC180  }
0xde: {  	[tilespmem:s12], [sflag:$0x1] =	stream.indirect.gather [hbm4b:s4+s15], $0x80, s9, s15, $0xb8;
	[tilespmem:$0x1C880] =	vst v63  }
0xdf: {  	_ =	swait.ge [sflag:s18], $0x3E80  }
0xe0: {  	[sflag:s18] =	ssyncset.done $0x0  }
0xe1: {  	s9 =	rddreg [dreg:$0x7];
	[sflag:s18] =	ssyncadd.s32 $0xFFFFC180  }
0xe2: {  	[spmem:s2] =	stream.indirect.scatter.add.f32 [tilespmem:s16], [sflag:$0x3], $0x80, s9, s15, $0xb8;
	[tilespmem:$0x1C880] =	vst v63  }
0xe3: {  	_ =	swait.ge [sflag:s13], $0x3E80  }
0xe4: {  	[sflag:s13] =	ssyncset.done $0x0  }
0xe5: {  	s9 =	rddreg [dreg:$0x8];
	[sflag:s13] =	ssyncadd.s32 $0xFFFFC180  }
0xe6: {  	[tilespmem:s16], [sflag:$0x2] =	stream.indirect.gather [hbm4b:s4+s15], $0x80, s9, s15, $0xb8;
	[tilespmem:$0x1C880] =	vst v63  }
0xe7: {  	_ =	swait.ge [sflag:s17], $0x3E80  }
0xe8: {  	[sflag:s17] =	ssyncset.done $0x0  }
0xe9: {  	s9 =	rddreg [dreg:$0x9];
	[sflag:s17] =	ssyncadd.s32 $0xFFFFC180  }
0xea: {  	[spmem:s2] =	stream.indirect.scatter.add.f32 [tilespmem:s12], [sflag:$0x3], $0x80, s9, s15, $0xb8;
	[tilespmem:$0x1C880] =	vst v63  }
0xeb: {  	_ =	swait.ge [sflag:s13], $0x3E80  }
0xec: {  	[sflag:s13] =	ssyncset.done $0x0  }
0xed: {  	s9 =	rddreg [dreg:$0xa];
	[sflag:s13] =	ssyncadd.s32 $0xFFFFC180  }
0xee: {  	[tilespmem:s12], [sflag:$0x1] =	stream.indirect.gather [hbm4b:s4+s15], $0x80, s9, s15, $0xb8;
	[tilespmem:$0x1C880] =	vst v63  }
0xef: {  	_ =	swait.ge [sflag:s18], $0x3E80  }
0xf0: {  	[sflag:s18] =	ssyncset.done $0x0  }
0xf1: {  	s9 =	rddreg [dreg:$0xb];
	[sflag:s18] =	ssyncadd.s32 $0xFFFFC180  }
0xf2: {  	[spmem:s2] =	stream.indirect.scatter.add.f32 [tilespmem:s16], [sflag:$0x3], $0x80, s9, s15, $0xb8;
	[tilespmem:$0x1C880] =	vst v63  }
0xf3: {  	_ =	swait.ge [sflag:s13], $0x3E80  }
0xf4: {  	[sflag:s13] =	ssyncset.done $0x0  }
0xf5: {  	s9 =	rddreg [dreg:$0xc];
	[sflag:s13] =	ssyncadd.s32 $0xFFFFC180  }
0xf6: {  	[tilespmem:s16], [sflag:$0x2] =	stream.indirect.gather [hbm4b:s4+s15], $0x80, s9, s15, $0xb8;
	[tilespmem:$0x1C880] =	vst v63  }
0xf7: {  	_ =	swait.ge [sflag:s17], $0x3E80  }
0xf8: {  	[sflag:s17] =	ssyncset.done $0x0  }
0xf9: {  	s9 =	rddreg [dreg:$0xd];
	[sflag:s17] =	ssyncadd.s32 $0xFFFFC180  }
0xfa: {  	[spmem:s2] =	stream.indirect.scatter.add.f32 [tilespmem:s12], [sflag:$0x3], $0x80, s9, s15, $0xb8;
	[tilespmem:$0x1C880] =	vst v63  }
0xfb: {  	_ =	swait.ge [sflag:s13], $0x3E80  }
0xfc: {  	[sflag:s13] =	ssyncset.done $0x0  }
0xfd: {  	s9 =	rddreg [dreg:$0xe];
	[sflag:s13] =	ssyncadd.s32 $0xFFFFC180  }
0xfe: {  	[tilespmem:s12], [sflag:$0x1] =	stream.indirect.gather [hbm4b:s4+s15], $0x80, s9, s15, $0xb8;
	[tilespmem:$0x1C880] =	vst v63  }
0xff: {  	_ =	swait.ge [sflag:s18], $0x3E80  }
0x100: {  	[sflag:s18] =	ssyncset.done $0x0  }
0x101: {  	s9 =	rddreg [dreg:$0xf];
	[sflag:s18] =	ssyncadd.s32 $0xFFFFC180  }
0x102: {  	[spmem:s2] =	stream.indirect.scatter.add.f32 [tilespmem:s16], [sflag:$0x3], $0x80, s9, s15, $0xb8;
	[tilespmem:$0x1C880] =	vst v63  }
0x103: {  	_ =	swait.ge [sflag:s13], $0x3E80  }
0x104: {  	[sflag:s13] =	ssyncset.done $0x0  }
0x105: {  	s9 =	rddreg [dreg:$0x10];
	[sflag:s13] =	ssyncadd.s32 $0xFFFFC180  }
0x106: {  	[tilespmem:s16], [sflag:$0x2] =	stream.indirect.gather [hbm4b:s4+s15], $0x80, s9, s15, $0xb8;
	[tilespmem:$0x1C880] =	vst v63  }
0x107: {  	_ =	swait.ge [sflag:s17], $0x3E80  }
0x108: {  	[sflag:s17] =	ssyncset.done $0x0  }
0x109: {  	s9 =	rddreg [dreg:$0x11];
	[sflag:s17] =	ssyncadd.s32 $0xFFFFC180  }
0x10a: {  	[spmem:s2] =	stream.indirect.scatter.add.f32 [tilespmem:s12], [sflag:$0x3], $0x80, s9, s15, $0xb8;
	[tilespmem:$0x1C880] =	vst v63  }
0x10b: {  	_ =	swait.ge [sflag:s13], $0x3E80  }
0x10c: {  	[sflag:s13] =	ssyncset.done $0x0  }
0x10d: {  	[sflag:s13] =	ssyncadd.s32 $0xFFFFC180  }
0x10e: {  	[tilespmem:s12], [sflag:$0x1] =	stream.indirect.gather [hbm4b:s4+s15], $0x80, s19, s15, $0xb8;
	[tilespmem:$0x1C880] =	vst v63  }
0x10f: {  	_ =	swait.ge [sflag:s18], $0x3E80  }
0x110: {  	[sflag:s18] =	ssyncset.done $0x0  }
0x111: {  	[sflag:s18] =	ssyncadd.s32 $0xFFFFC180  }
0x112: {  	[spmem:s2] =	stream.indirect.scatter.add.f32 [tilespmem:s16], [sflag:$0x3], $0x80, s20, s15, $0xb8;
	[tilespmem:$0x1C880] =	vst v63  }
0x113: {  	_ =	swait.ge [sflag:s13], $0x3E80  }
0x114: {  	[sflag:s13] =	ssyncset.done $0x0  }
0x115: {  	[sflag:s13] =	ssyncadd.s32 $0xFFFFC180  }
0x116: {  	[tilespmem:s16], [sflag:$0x2] =	stream.indirect.gather [hbm4b:s4+s15], $0x80, s21, s15, $0xb8;
	[tilespmem:$0x1C880] =	vst v63  }
0x117: {  	_ =	swait.ge [sflag:s17], $0x3E80  }
0x118: {  	[sflag:s17] =	ssyncset.done $0x0  }
0x119: {  	[sflag:s17] =	ssyncadd.s32 $0xFFFFC180  }
0x11a: {  	[spmem:s2] =	stream.indirect.scatter.add.f32 [tilespmem:s12], [sflag:$0x3], $0x80, s22, s15, $0xb8;
	[tilespmem:$0x1C880] =	vst v63  }
0x11b: {  	_ =	swait.ge [sflag:s13], $0x3E80  }
0x11c: {  	[sflag:s13] =	ssyncset.done $0x0  }
0x11d: {  	[sflag:s13] =	ssyncadd.s32 $0xFFFFC180  }
0x11e: {  	[tilespmem:s12], [sflag:$0x1] =	stream.indirect.gather [hbm4b:s4+s15], $0x80, s23, s15, $0xb8;
	[tilespmem:$0x1C880] =	vst v63  }
0x11f: {  	_ =	swait.ge [sflag:s18], $0x3E80  }
0x120: {  	[sflag:s18] =	ssyncset.done $0x0  }
0x121: {  	[sflag:s18] =	ssyncadd.s32 $0xFFFFC180  }
0x122: {  	[spmem:s2] =	stream.indirect.scatter.add.f32 [tilespmem:s16], [sflag:$0x3], $0x80, s24, s15, $0xb8;
	[tilespmem:$0x1C880] =	vst v63  }
0x123: {  	_ =	swait.ge [sflag:s13], $0x3E80  }
0x124: {  	[sflag:s13] =	ssyncset.done $0x0  }
0x125: {  	[sflag:s13] =	ssyncadd.s32 $0xFFFFC180  }
0x126: {  	[tilespmem:s16], [sflag:$0x2] =	stream.indirect.gather [hbm4b:s4+s15], $0x80, s25, s15, $0xb8;
	[tilespmem:$0x1C880] =	vst v63  }
0x127: {  	_ =	swait.ge [sflag:s17], $0x3E80  }
0x128: {  	[sflag:s17] =	ssyncset.done $0x0  }
0x129: {  	[sflag:s17] =	ssyncadd.s32 $0xFFFFC180  }
0x12a: {  	[spmem:s2] =	stream.indirect.scatter.add.f32 [tilespmem:s12], [sflag:$0x3], $0x80, s26, s15, $0xb8;
	[tilespmem:$0x1C880] =	vst v63  }
0x12b: {  	_ =	swait.ge [sflag:s13], $0x3E80  }
0x12c: {  	[sflag:s13] =	ssyncset.done $0x0  }
0x12d: {  	[sflag:s13] =	ssyncadd.s32 $0xFFFFC180  }
0x12e: {  	[tilespmem:s12], [sflag:$0x1] =	stream.indirect.gather [hbm4b:s4+s15], $0x80, s28, s15, $0xb8;
	[tilespmem:$0x1C880] =	vst v63  }
0x12f: {  	_ =	swait.ge [sflag:s18], $0x3E80  }
0x130: {  	[sflag:s18] =	ssyncset.done $0x0  }
0x131: {  	[sflag:s18] =	ssyncadd.s32 $0xFFFFC180  }
0x132: {  	[spmem:s2] =	stream.indirect.scatter.add.f32 [tilespmem:s16], [sflag:$0x3], $0x80, s29, s15, $0xb8;
	[tilespmem:$0x1C880] =	vst v63  }
0x133: {  	_ =	swait.ge [sflag:s13], $0x3E80  }
0x134: {  	[sflag:s13] =	ssyncset.done $0x0  }
0x135: {  	[sflag:s13] =	ssyncadd.s32 $0xFFFFC180  }
0x136: {  	[tilespmem:s16], [sflag:$0x2] =	stream.indirect.gather [hbm4b:s4+s15], $0x80, s30, s15, $0xb8;
	[tilespmem:$0x1C880] =	vst v63  }
0x137: {  	_ =	swait.ge [sflag:s17], $0x3E80  }
0x138: {  	[sflag:s17] =	ssyncset.done $0x0  }
0x139: {  	[sflag:s17] =	ssyncadd.s32 $0xFFFFC180  }
0x13a: {  	[spmem:s2] =	stream.indirect.scatter.add.f32 [tilespmem:s12], [sflag:$0x3], $0x80, s31, s15, $0xb8;
	[tilespmem:$0x1C880] =	vst v63  }
0x13b: {  	_ =	swait.ge [sflag:s13], $0x3E80  }
0x13c: {  	[sflag:s13] =	ssyncset.done $0x0  }
0x13d: {  	[sflag:s13] =	ssyncadd.s32 $0xFFFFC180  }
0x13e: {  	[tilespmem:s12], [sflag:$0x1] =	stream.indirect.gather [hbm4b:s4+s15], $0x80, s1, s15, $0xb8;
	[tilespmem:$0x1C880] =	vst v63  }
0x13f: {  	_ =	swait.ge [sflag:s18], $0x3E80  }
0x140: {  	[sflag:s18] =	ssyncset.done $0x0  }
0x141: {  	[sflag:s18] =	ssyncadd.s32 $0xFFFFC180  }
0x142: {  	[spmem:s2] =	stream.indirect.scatter.add.f32 [tilespmem:s16], [sflag:$0x3], $0x80, s0, s15, $0xb8;
	[tilespmem:$0x1C880] =	vst v63  }
0x143: {  	_ =	swait.ge [sflag:s13], $0x3E80  }
0x144: {  	[sflag:s13] =	ssyncset.done $0x0  }
0x145: {  	[sflag:s13] =	ssyncadd.s32 $0xFFFFC180  }
0x146: {  	[tilespmem:s16], [sflag:$0x2] =	stream.indirect.gather [hbm4b:s4+s15], $0x80, s5, s15, $0xb8;
	[tilespmem:$0x1C880] =	vst v63  }
0x147: {  	_ =	swait.ge [sflag:s17], $0x3E80  }
0x148: {  	[sflag:s17] =	ssyncset.done $0x0  }
0x149: {  	[sflag:s17] =	ssyncadd.s32 $0xFFFFC180  }
0x14a: {  	[spmem:s2] =	stream.indirect.scatter.add.f32 [tilespmem:s12], [sflag:$0x3], $0x80, s7, s15, $0xb8;
	[tilespmem:$0x1C880] =	vst v63  }
0x14b: {  	_ =	swait.ge [sflag:s13], $0x3E80  }
0x14c: {  	[sflag:s13] =	ssyncset.done $0x0  }
0x14d: {  	[sflag:s13] =	ssyncadd.s32 $0xFFFFC180  }
0x14e: {  	p0 =	sne.s32 s11, $0x400;
	_ =	swait.ge [sflag:s18], $0x3E80  }
.Ltmp1:
0x14f: {  	[sflag:s18] =	ssyncset.done $0x0;
	(pc) =	sbr.rel @p0 .LBB2_4-.Ltmp1, $4  }
0x150: {  	[sflag:s18] =	ssyncadd.s32 $0xFFFFC180  }
0x151: {  	[spmem:s2] =	stream.indirect.scatter.add.f32 [tilespmem:s16], [sflag:$0x3], $0x80, s8, s15, $0xb8;
	[tilespmem:$0x1C880] =	vst v63  }
0x152: {  	_ =	swait.ge [sflag:s13], $0x3E80  }
0x153: {  	s11 =	sadd.s32 $0x100, s11;
	s6 =	rddreg [dreg:$0x4];
	[sflag:s13] =	ssyncset.done $0x0  }
0x154: {  	[sflag:s13] =	ssyncadd.s32 $0xFFFFC180;
	s6 =	sadd.s32 s10, s6  }
0x155: {  	[tilespmem:s3], [sflag:$0x3] =	stream.linear.gather [hbm4b:s6+s3], $0x800, $0x38;
	[tilespmem:$0x1C880] =	vst v63  }
0x156: {  	_ =	swait.ge [sflag:s13], $0x800  }
0x157: {  	s11 =	rddreg [dreg:$0x3];
	[sflag:s13] =	ssyncset.done $0x0  }
0x158: {  	[sflag:s13] =	ssyncadd.s32 $0xFFFFF800;
	s6 =	sadd.s32 s10, s11  }
0x159: {  	[tilespmem:s14], [sflag:$0x3] =	stream.linear.gather [hbm4b:s6+s3], $0x800, $0x38;
	[tilespmem:$0x1C880] =	vst v63  }
0x15a: {  	_ =	swait.ge [sflag:s13], $0x800  }
0x15b: {  	[sflag:s13] =	ssyncset.done $0x0  }
0x15c: {  	[sflag:s13] =	ssyncadd.s32 $0xFFFFF800  }
0x15d: {  	[tilespmem:s12], [sflag:$0x1] =	stream.indirect.gather [hbm4b:s4+s15], $0x80, s3, s15, $0xb8;
	[tilespmem:$0x1C880] =	vst v63  }
0x15e: {  	s9 =	rddreg [dreg:$0x5]  }
0x15f: {  	[tilespmem:s16], [sflag:$0x2] =	stream.indirect.gather [hbm4b:s4+s15], $0x80, s9, s15, $0xb8;
	[tilespmem:$0x1C880] =	vst v63  }
0x160: {  	_ =	swait.ge [sflag:s17], $0x3E80  }
0x161: {  	[sflag:s17] =	ssyncset.done $0x0  }
0x162: {  	[sflag:s17] =	ssyncadd.s32 $0xFFFFC180  }
0x163: {  	[spmem:s2] =	stream.indirect.scatter.add.f32 [tilespmem:s12], [sflag:$0x3], $0x80, s14, s15, $0xb8;
	[tilespmem:$0x1C880] =	vst v63  }
0x164: {  	_ =	swait.ge [sflag:s13], $0x3E80  }
0x165: {  	[sflag:s13] =	ssyncset.done $0x0  }
0x166: {  	s10 =	rddreg [dreg:$0x6];
	[sflag:s13] =	ssyncadd.s32 $0xFFFFC180  }
0x167: {  	[tilespmem:s12], [sflag:$0x1] =	stream.indirect.gather [hbm4b:s4+s15], $0x80, s10, s15, $0xb8;
	[tilespmem:$0x1C880] =	vst v63  }
0x168: {  	_ =	swait.ge [sflag:s18], $0x3E80  }
0x169: {  	[sflag:s18] =	ssyncset.done $0x0  }
0x16a: {  	s11 =	rddreg [dreg:$0x7];
	[sflag:s18] =	ssyncadd.s32 $0xFFFFC180  }
0x16b: {  	[spmem:s2] =	stream.indirect.scatter.add.f32 [tilespmem:s16], [sflag:$0x3], $0x80, s11, s15, $0xb8;
	[tilespmem:$0x1C880] =	vst v63  }
0x16c: {  	_ =	swait.ge [sflag:s13], $0x3E80  }
0x16d: {  	[sflag:s13] =	ssyncset.done $0x0  }
0x16e: {  	s9 =	rddreg [dreg:$0x8];
	[sflag:s13] =	ssyncadd.s32 $0xFFFFC180  }
0x16f: {  	[tilespmem:s16], [sflag:$0x2] =	stream.indirect.gather [hbm4b:s4+s15], $0x80, s9, s15, $0xb8;
	[tilespmem:$0x1C880] =	vst v63  }
0x170: {  	_ =	swait.ge [sflag:s17], $0x3E80  }
0x171: {  	[sflag:s17] =	ssyncset.done $0x0  }
0x172: {  	s10 =	rddreg [dreg:$0x9];
	[sflag:s17] =	ssyncadd.s32 $0xFFFFC180  }
0x173: {  	[spmem:s2] =	stream.indirect.scatter.add.f32 [tilespmem:s12], [sflag:$0x3], $0x80, s10, s15, $0xb8;
	[tilespmem:$0x1C880] =	vst v63  }
0x174: {  	_ =	swait.ge [sflag:s13], $0x3E80  }
0x175: {  	[sflag:s13] =	ssyncset.done $0x0  }
0x176: {  	s11 =	rddreg [dreg:$0xa];
	[sflag:s13] =	ssyncadd.s32 $0xFFFFC180  }
0x177: {  	[tilespmem:s12], [sflag:$0x1] =	stream.indirect.gather [hbm4b:s4+s15], $0x80, s11, s15, $0xb8;
	[tilespmem:$0x1C880] =	vst v63  }
0x178: {  	_ =	swait.ge [sflag:s18], $0x3E80  }
0x179: {  	[sflag:s18] =	ssyncset.done $0x0  }
0x17a: {  	s9 =	rddreg [dreg:$0xb];
	[sflag:s18] =	ssyncadd.s32 $0xFFFFC180  }
0x17b: {  	[spmem:s2] =	stream.indirect.scatter.add.f32 [tilespmem:s16], [sflag:$0x3], $0x80, s9, s15, $0xb8;
	[tilespmem:$0x1C880] =	vst v63  }
0x17c: {  	_ =	swait.ge [sflag:s13], $0x3E80  }
0x17d: {  	[sflag:s13] =	ssyncset.done $0x0  }
0x17e: {  	s10 =	rddreg [dreg:$0xc];
	[sflag:s13] =	ssyncadd.s32 $0xFFFFC180  }
0x17f: {  	[tilespmem:s16], [sflag:$0x2] =	stream.indirect.gather [hbm4b:s4+s15], $0x80, s10, s15, $0xb8;
	[tilespmem:$0x1C880] =	vst v63  }
0x180: {  	_ =	swait.ge [sflag:s17], $0x3E80  }
0x181: {  	[sflag:s17] =	ssyncset.done $0x0  }
0x182: {  	s11 =	rddreg [dreg:$0xd];
	[sflag:s17] =	ssyncadd.s32 $0xFFFFC180  }
0x183: {  	[spmem:s2] =	stream.indirect.scatter.add.f32 [tilespmem:s12], [sflag:$0x3], $0x80, s11, s15, $0xb8;
	[tilespmem:$0x1C880] =	vst v63  }
0x184: {  	_ =	swait.ge [sflag:s13], $0x3E80  }
0x185: {  	[sflag:s13] =	ssyncset.done $0x0  }
0x186: {  	s9 =	rddreg [dreg:$0xe];
	[sflag:s13] =	ssyncadd.s32 $0xFFFFC180  }
0x187: {  	[tilespmem:s12], [sflag:$0x1] =	stream.indirect.gather [hbm4b:s4+s15], $0x80, s9, s15, $0xb8;
	[tilespmem:$0x1C880] =	vst v63  }
0x188: {  	_ =	swait.ge [sflag:s18], $0x3E80  }
0x189: {  	[sflag:s18] =	ssyncset.done $0x0  }
0x18a: {  	s10 =	rddreg [dreg:$0xf];
	[sflag:s18] =	ssyncadd.s32 $0xFFFFC180  }
0x18b: {  	[spmem:s2] =	stream.indirect.scatter.add.f32 [tilespmem:s16], [sflag:$0x3], $0x80, s10, s15, $0xb8;
	[tilespmem:$0x1C880] =	vst v63  }
0x18c: {  	_ =	swait.ge [sflag:s13], $0x3E80  }
0x18d: {  	[sflag:s13] =	ssyncset.done $0x0  }
0x18e: {  	s11 =	rddreg [dreg:$0x10];
	[sflag:s13] =	ssyncadd.s32 $0xFFFFC180  }
0x18f: {  	[tilespmem:s16], [sflag:$0x2] =	stream.indirect.gather [hbm4b:s4+s15], $0x80, s11, s15, $0xb8;
	[tilespmem:$0x1C880] =	vst v63  }
0x190: {  	_ =	swait.ge [sflag:s17], $0x3E80  }
0x191: {  	[sflag:s17] =	ssyncset.done $0x0  }
0x192: {  	s9 =	rddreg [dreg:$0x11];
	[sflag:s17] =	ssyncadd.s32 $0xFFFFC180  }
0x193: {  	[spmem:s2] =	stream.indirect.scatter.add.f32 [tilespmem:s12], [sflag:$0x3], $0x80, s9, s15, $0xb8;
	[tilespmem:$0x1C880] =	vst v63  }
0x194: {  	_ =	swait.ge [sflag:s13], $0x3E80  }
0x195: {  	[sflag:s13] =	ssyncset.done $0x0  }
0x196: {  	[sflag:s13] =	ssyncadd.s32 $0xFFFFC180  }
0x197: {  	[tilespmem:s12], [sflag:$0x1] =	stream.indirect.gather [hbm4b:s4+s15], $0x80, s19, s15, $0xb8;
	[tilespmem:$0x1C880] =	vst v63  }
0x198: {  	_ =	swait.ge [sflag:s18], $0x3E80  }
0x199: {  	[sflag:s18] =	ssyncset.done $0x0  }
0x19a: {  	[sflag:s18] =	ssyncadd.s32 $0xFFFFC180  }
0x19b: {  	[spmem:s2] =	stream.indirect.scatter.add.f32 [tilespmem:s16], [sflag:$0x3], $0x80, s20, s15, $0xb8;
	[tilespmem:$0x1C880] =	vst v63  }
0x19c: {  	_ =	swait.ge [sflag:s13], $0x3E80  }
0x19d: {  	[sflag:s13] =	ssyncset.done $0x0  }
0x19e: {  	[sflag:s13] =	ssyncadd.s32 $0xFFFFC180  }
0x19f: {  	[tilespmem:s16], [sflag:$0x2] =	stream.indirect.gather [hbm4b:s4+s15], $0x80, s21, s15, $0xb8;
	[tilespmem:$0x1C880] =	vst v63  }
0x1a0: {  	_ =	swait.ge [sflag:s17], $0x3E80  }
0x1a1: {  	[sflag:s17] =	ssyncset.done $0x0  }
0x1a2: {  	[sflag:s17] =	ssyncadd.s32 $0xFFFFC180  }
0x1a3: {  	[spmem:s2] =	stream.indirect.scatter.add.f32 [tilespmem:s12], [sflag:$0x3], $0x80, s22, s15, $0xb8;
	[tilespmem:$0x1C880] =	vst v63  }
0x1a4: {  	_ =	swait.ge [sflag:s13], $0x3E80  }
0x1a5: {  	[sflag:s13] =	ssyncset.done $0x0  }
0x1a6: {  	[sflag:s13] =	ssyncadd.s32 $0xFFFFC180  }
0x1a7: {  	[tilespmem:s12], [sflag:$0x1] =	stream.indirect.gather [hbm4b:s4+s15], $0x80, s23, s15, $0xb8;
	[tilespmem:$0x1C880] =	vst v63  }
0x1a8: {  	_ =	swait.ge [sflag:s18], $0x3E80  }
0x1a9: {  	[sflag:s18] =	ssyncset.done $0x0  }
0x1aa: {  	[sflag:s18] =	ssyncadd.s32 $0xFFFFC180  }
0x1ab: {  	[spmem:s2] =	stream.indirect.scatter.add.f32 [tilespmem:s16], [sflag:$0x3], $0x80, s24, s15, $0xb8;
	[tilespmem:$0x1C880] =	vst v63  }
0x1ac: {  	_ =	swait.ge [sflag:s13], $0x3E80  }
0x1ad: {  	[sflag:s13] =	ssyncset.done $0x0  }
0x1ae: {  	[sflag:s13] =	ssyncadd.s32 $0xFFFFC180  }
0x1af: {  	[tilespmem:s16], [sflag:$0x2] =	stream.indirect.gather [hbm4b:s4+s15], $0x80, s25, s15, $0xb8;
	[tilespmem:$0x1C880] =	vst v63  }
0x1b0: {  	_ =	swait.ge [sflag:s17], $0x3E80  }
0x1b1: {  	[sflag:s17] =	ssyncset.done $0x0  }
0x1b2: {  	[sflag:s17] =	ssyncadd.s32 $0xFFFFC180  }
0x1b3: {  	[spmem:s2] =	stream.indirect.scatter.add.f32 [tilespmem:s12], [sflag:$0x3], $0x80, s26, s15, $0xb8;
	[tilespmem:$0x1C880] =	vst v63  }
0x1b4: {  	_ =	swait.ge [sflag:s13], $0x3E80  }
0x1b5: {  	[sflag:s13] =	ssyncset.done $0x0  }
0x1b6: {  	[sflag:s13] =	ssyncadd.s32 $0xFFFFC180  }
0x1b7: {  	[tilespmem:s12], [sflag:$0x1] =	stream.indirect.gather [hbm4b:s4+s15], $0x80, s28, s15, $0xb8;
	[tilespmem:$0x1C880] =	vst v63  }
0x1b8: {  	_ =	swait.ge [sflag:s18], $0x3E80  }
0x1b9: {  	[sflag:s18] =	ssyncset.done $0x0  }
0x1ba: {  	[sflag:s18] =	ssyncadd.s32 $0xFFFFC180  }
0x1bb: {  	[spmem:s2] =	stream.indirect.scatter.add.f32 [tilespmem:s16], [sflag:$0x3], $0x80, s29, s15, $0xb8;
	[tilespmem:$0x1C880] =	vst v63  }
0x1bc: {  	_ =	swait.ge [sflag:s13], $0x3E80  }
0x1bd: {  	[sflag:s13] =	ssyncset.done $0x0  }
0x1be: {  	[sflag:s13] =	ssyncadd.s32 $0xFFFFC180  }
0x1bf: {  	[tilespmem:s16], [sflag:$0x2] =	stream.indirect.gather [hbm4b:s4+s15], $0x80, s30, s15, $0xb8;
	[tilespmem:$0x1C880] =	vst v63  }
0x1c0: {  	_ =	swait.ge [sflag:s17], $0x3E80  }
0x1c1: {  	[sflag:s17] =	ssyncset.done $0x0  }
0x1c2: {  	[sflag:s17] =	ssyncadd.s32 $0xFFFFC180  }
0x1c3: {  	[spmem:s2] =	stream.indirect.scatter.add.f32 [tilespmem:s12], [sflag:$0x3], $0x80, s31, s15, $0xb8;
	[tilespmem:$0x1C880] =	vst v63  }
0x1c4: {  	_ =	swait.ge [sflag:s13], $0x3E80  }
0x1c5: {  	[sflag:s13] =	ssyncset.done $0x0  }
0x1c6: {  	[sflag:s13] =	ssyncadd.s32 $0xFFFFC180  }
0x1c7: {  	[tilespmem:s12], [sflag:$0x1] =	stream.indirect.gather [hbm4b:s4+s15], $0x80, s1, s15, $0xb8;
	[tilespmem:$0x1C880] =	vst v63  }
0x1c8: {  	_ =	swait.ge [sflag:s18], $0x3E80  }
0x1c9: {  	[sflag:s18] =	ssyncset.done $0x0  }
0x1ca: {  	[sflag:s18] =	ssyncadd.s32 $0xFFFFC180  }
0x1cb: {  	[spmem:s2] =	stream.indirect.scatter.add.f32 [tilespmem:s16], [sflag:$0x3], $0x80, s0, s15, $0xb8;
	[tilespmem:$0x1C880] =	vst v63  }
0x1cc: {  	_ =	swait.ge [sflag:s13], $0x3E80  }
0x1cd: {  	[sflag:s13] =	ssyncset.done $0x0  }
0x1ce: {  	[sflag:s13] =	ssyncadd.s32 $0xFFFFC180  }
0x1cf: {  	[tilespmem:s16], [sflag:$0x2] =	stream.indirect.gather [hbm4b:s4+s15], $0x80, s5, s15, $0xb8;
	[tilespmem:$0x1C880] =	vst v63  }
0x1d0: {  	_ =	swait.ge [sflag:s17], $0x3E80  }
0x1d1: {  	[sflag:s17] =	ssyncset.done $0x0  }
0x1d2: {  	[sflag:s17] =	ssyncadd.s32 $0xFFFFC180  }
0x1d3: {  	[spmem:s2] =	stream.indirect.scatter.add.f32 [tilespmem:s12], [sflag:$0x3], $0x80, s7, s15, $0xb8;
	[tilespmem:$0x1C880] =	vst v63  }
0x1d4: {  	_ =	swait.ge [sflag:s13], $0x3E80  }
0x1d5: {  	[sflag:s13] =	ssyncset.done $0x0  }
0x1d6: {  	[sflag:s13] =	ssyncadd.s32 $0xFFFFC180  }
0x1d7: {  	_ =	swait.ge [sflag:s18], $0x3E80  }
0x1d8: {  	[sflag:s18] =	ssyncset.done $0x0  }
0x1d9: {  	[sflag:s18] =	ssyncadd.s32 $0xFFFFC180  }
0x1da: {  	[spmem:s2] =	stream.indirect.scatter.add.f32 [tilespmem:s16], [sflag:$0x3], $0x80, s8, s15, $0xb8;
	[tilespmem:$0x1C880] =	vst v63  }
0x1db: {  	_ =	swait.ge [sflag:s13], $0x3E80  }
0x1dc: {  	[sflag:s13] =	ssyncset.done $0x0  }
0x1dd: {  	[sflag:s13] =	ssyncadd.s32 $0xFFFFC180  }
0x1de: {  	s10 =	stileid.u32;
	[bflag:$0x0] =	sbarrier.arrive $0xFFFF  }
0x1df: {  	s6 =	sshll.u32 s10, $0x6;
	s9 =	rddreg [dreg:$0x13]  }
0x1e0: {  	s6 =	sor.u32 $0x1C03, s6;
	s11 =	rddreg [dreg:$0x12];
	s9 =	sshrl.u32 s9, $0x3  }
0x1e1: {  	[hbm:s11], [sflag:s6] =	dma.local [spmem:s9], $0x2710  }
0x1e2: {  	_ =	swait.ge [sflag:s13], $0x2710  }
0x1e3: {  	s10 =	rddreg [dreg:$0x19]  }
0x1e4: {  	s11 =	rddreg [dreg:$0x14];
	s9 =	sadd.s32 $0x1, s10  }
0x1e5: {  	p0 =	sne.s32 s9, s11  }
.Ltmp2:
0x1e6: {  	_ = 	snop;
	(pc) =	sbr.rel @p0 .LBB2_1-.Ltmp2, $3  }
0x1e7: {  	_ =	sdelay $0x1  }
0x1e8: {  	[sflag:s13] =	ssyncset.done $0x0  }
0x1e9: {  	[sflag:s13] =	ssyncadd.s32 $0xFFFFD8F0  }
0x1ea: {  	_ =	sfence.sel $0x180000  }
0x1eb: {  	[bflag:$0x0] =	sbarrier.arrive $0xFFFF  }
0x1ec: {  	_ =	strace $0x9000004D  }
0x1ed: {  	s0 =	stileid.u32;
	[bflag:$0x2] =	sbarrier.arrive $0xFFFF  }
0x1ee: {  	p0 =	sne.s32 s0, $0x0;
	s0 =	rddreg [dreg:$0x2]  }
0x1ef: {  	s0 =	sadd.s32 @!p0 $0x100000, s0  }
0x1f0: {  	[sflag:s0] =	ssyncadd.tile.s32 @!p0 $0x1;
	_ =	shalt  }
.Lfunc_end2:
_tile_overlayer_lowered:
.L_overlay_start_2:
0x1f1: {  	(tag) =	ssettag $0x2  }
0x1f2: {  	s0 =	rddreg [dreg:$0x0];
	s2 =	stileid.u32  }
0x1f3: {  	s1 =	rddreg [dreg:$0x1];
	p0 =	sne.s32 s2, $0x0  }
0x1f4: {  	s3 =	rddreg [dreg:$0x2];
	[bflag:$0x3] =	sbarrier.arrive $0xFFFF;
	s2 =	simm.s32 @!p0 $0x1C03  }
0x1f5: {  	[timem:s3], [sflag:s2] =	dma.local @!p0 [hbm:s0], s1  }
0x1f6: {  	s0 =	simm.s32 @!p0 $0x3  }
0x1f7: {  	_ =	swait.ge @!p0 [sflag:s0], s1  }
0x1f8: {  	s1 =	ssub.s32 @!p0 $0x0, s1;
	[sflag:s0] =	ssyncset.done @!p0 $0x0  }
0x1f9: {  	[sflag:s0] =	ssyncadd.s32 @!p0 s1  }
0x1fa: {  	[bflag:$0x3] =	sbarrier.arrive $0xFFFF  }
0x1fb: {  	_ =	shalt  }

// kernel: kernel.9.cloned.1.call-start
scs
__scs_entry_jumppad:
0x0: {  	(pc) =	sbr.rel $0x88, $3  }
0x1: {  	(tag) =	ssettag $0x0;
	lr =	simm.s32 $0x1  }
0x2: {  	[smem:$0x3F96] =	sst lr;
	_ =	strace $0xD0000000  }
0x3: {  	_ = 	snop  }
0x4: {  	_ = 	snop  }
0x5: {  	_ = 	snop  }
0x6: {  	_ = 	snop  }
0x7: {  	_ = 	snop  }
__scs_overlays_trampoline_lowered:
0x8: {  	[smem:$0x3FA5] =	sst s0  }
0x9: {  	[smem:$0x3FA6] =	sst s1  }
0xa: {  	[smem:$0x3FA7] =	sst s2  }
0xb: {  	[smem:$0x3FA8] =	sst s3  }
0xc: {  	[smem:$0x3FA9] =	sst s4  }
0xd: {  	[smem:$0x3FAA] =	sst s5  }
0xe: {  	[smem:$0x3FAB] =	sst s6  }
0xf: {  	[smem:$0x3FAC] =	sst s7  }
0x10: {  	[smem:$0x3FAD] =	sst s8  }
0x11: {  	[smem:$0x3FAE] =	sst s9;
	s0 =	simm.s32 @!p0 $0x0  }
0x12: {  	s1 =	sld [smem:$0x3F94];
	s0 =	simm.s32 @p0 $0x1  }
0x13: {  	[smem:$0x3FAF] =	sst s0;
	s0 =	simm.s32 @!p1 $0x0  }
0x14: {  	s2 =	sld [smem:$0x3F93];
	s0 =	simm.s32 @p1 $0x1  }
0x15: {  	[smem:$0x3FB0] =	sst s0;
	s0 =	simm.s32 @!p2 $0x0  }
0x16: {  	s3 =	sld [smem:$0x3FDB];
	s0 =	simm.s32 @p2 $0x1  }
0x17: {  	s4 =	simm.s32 $0x1BF5;
	[smem:$0x3FB2] =	sst s0  }
0x18: {  	s0 =	sld [smem:$0x3F95];
	_ =	swait.ge [sflag:s4], $0x0  }
0x19: {  	s7 =	sld [smem:$0x3F96]  }
0x1a: {  	s8 =	sadd.s32 $0xFFFFE003, lr  }
0x1b: {  	s9 =	sadd.s32 $0xFFFFFEF7, lr;
	s5 =	simm.s32 $0xFFFFFFFF;
	p2 =	slt.u32 s8, $0xFFFFF086  }
0x1c: {  	p1 =	slt.u32 s9, $0xF7A;
	s5 =	simm.s32 @!p2 $0x0  }
0x1d: {  	s5 =	simm.s32 @p1 $0x1;
	p0 =	seq.s32 s7, s2  }
0x1e: {  	s7 =	smul.u32 @!p0 $0xF7A, s2;
	p2 =	seq.s32 @!p0 s5, $0x0  }
0x1f: {  	s9 =	smul.u32 $0xF7A, s1;
	s8 =	simm.s32 @!p0 $0x1BF5;
	p2 =	por !p2, p0  }
0x20: {  	[sflag:s8] =	ssyncset.s32 @!p0 $0xFFFFF086;
	s6 =	sadd.s32 @!p0 s3, s7;
	s7 =	simm.s32 @!p0 $0x108  }
0x21: {  	s3 =	sadd.s32 s3, s9;
	s6 =	sadd.s32 @!p0 $0x88, s6;
	s7 =	simm.s32 @p2 $0x1082  }
0x22: {  	[simem:s7], [sflag:s8] =	dma.local @!p0 [hbm:s6], $0xF7A  }
0x23: {  	s9 =	sor.u32 $0xD0000000, s2;
	s6 =	simm.s32 $0x108;
	_ =	swait.ge @!p0 [sflag:s8], $0x0  }
0x24: {  	s3 =	sadd.s32 $0x88, s3;
	s6 =	simm.s32 @!p1 $0x1082;
	[sflag:s4] =	ssyncset.s32 $0xFFFFF086  }
0x25: {  	[simem:s6], [sflag:s4] =	dma.local [hbm:s3], $0xF7A  }
0x26: {  	[smem:$0x3F96] =	sst s1;
	(tag) =	ssettag s2;
	_ =	strace s9  }
0x27: {  	s1 =	sld [smem:$0x3FA6]  }
0x28: {  	s2 =	sld [smem:$0x3FA7]  }
0x29: {  	s4 =	sld [smem:$0x3FA9]  }
0x2a: {  	p0 =	seq.s32 s5, $0x0;
	s5 =	sld [smem:$0x3FAA]  }
0x2b: {  	s6 =	sld [smem:$0x3FAB]  }
0x2c: {  	s7 =	sld [smem:$0x3FAC]  }
0x2d: {  	s3 =	simm.s32 $0x108;
	s8 =	sld [smem:$0x3FAD]  }
0x2e: {  	s3 =	simm.s32 @!p0 $0x1082;
	s9 =	sld [smem:$0x3FAE]  }
0x2f: {  	lr =	sadd.s32 s0, s3;
	s0 =	sld [smem:$0x3FA5]  }
0x30: {  	s3 =	sld [smem:$0x3FA8]  }
0x31: {  	[smem:$0x3FB1] =	sst s10  }
0x32: {  	s10 =	sld [smem:$0x3FAF];
	_ =	sdelay $0x3  }
0x33: {  	p0 =	seq.s32 s10, $0x1;
	s10 =	sld [smem:$0x3FB1];
	_ =	sdelay $0x3  }
0x34: {  	[smem:$0x3FB1] =	sst s10  }
0x35: {  	s10 =	sld [smem:$0x3FB0];
	_ =	sdelay $0x3  }
0x36: {  	p1 =	seq.s32 s10, $0x1;
	s10 =	sld [smem:$0x3FB1];
	_ =	sdelay $0x3  }
0x37: {  	[smem:$0x3FB1] =	sst s10  }
0x38: {  	s10 =	sld [smem:$0x3FB2]  }
0x39: {  	_ = 	snop;
	(pc) =	sbr.ind lr, $3  }
0x3a: {  	_ = 	snop  }
0x3b: {  	_ = 	snop  }
0x3c: {  	p2 =	seq.s32 s10, $0x1;
	s10 =	sld [smem:$0x3FB1]  }
0x3d: {  	_ =	shalt  }
0x3e: {  	_ =	shalt  }
0x3f: {  	_ =	shalt  }
0x40: {  	_ =	shalt  }
0x41: {  	_ =	shalt  }
0x42: {  	_ =	shalt  }
0x43: {  	_ =	shalt  }
0x44: {  	_ =	shalt  }
0x45: {  	_ =	shalt  }
0x46: {  	_ =	shalt  }
0x47: {  	_ =	shalt  }
0x48: {  	_ =	shalt  }
0x49: {  	_ =	shalt  }
0x4a: {  	_ =	shalt  }
0x4b: {  	_ =	shalt  }
0x4c: {  	_ =	shalt  }
0x4d: {  	_ =	shalt  }
0x4e: {  	_ =	shalt  }
0x4f: {  	_ =	shalt  }
0x50: {  	_ =	shalt  }
0x51: {  	_ =	shalt  }
0x52: {  	_ =	shalt  }
0x53: {  	_ =	shalt  }
0x54: {  	_ =	shalt  }
0x55: {  	_ =	shalt  }
0x56: {  	_ =	shalt  }
0x57: {  	_ =	shalt  }
0x58: {  	_ =	shalt  }
0x59: {  	_ =	shalt  }
0x5a: {  	_ =	shalt  }
0x5b: {  	_ =	shalt  }
0x5c: {  	_ =	shalt  }
0x5d: {  	_ =	shalt  }
0x5e: {  	_ =	shalt  }
0x5f: {  	_ =	shalt  }
0x60: {  	_ =	shalt  }
0x61: {  	_ =	shalt  }
0x62: {  	_ =	shalt  }
0x63: {  	_ =	shalt  }
0x64: {  	_ =	shalt  }
0x65: {  	_ =	shalt  }
0x66: {  	_ =	shalt  }
0x67: {  	_ =	shalt  }
0x68: {  	_ =	shalt  }
0x69: {  	_ =	shalt  }
0x6a: {  	_ =	shalt  }
0x6b: {  	_ =	shalt  }
0x6c: {  	_ =	shalt  }
0x6d: {  	_ =	shalt  }
0x6e: {  	_ =	shalt  }
0x6f: {  	_ =	shalt  }
0x70: {  	_ =	shalt  }
0x71: {  	_ =	shalt  }
0x72: {  	_ =	shalt  }
0x73: {  	_ =	shalt  }
0x74: {  	_ =	shalt  }
0x75: {  	_ =	shalt  }
0x76: {  	_ =	shalt  }
0x77: {  	_ =	shalt  }
0x78: {  	_ =	shalt  }
0x79: {  	_ =	shalt  }
0x7a: {  	_ =	shalt  }
0x7b: {  	_ =	shalt  }
0x7c: {  	_ =	shalt  }
0x7d: {  	_ =	shalt  }
0x7e: {  	_ =	shalt  }
0x7f: {  	_ =	shalt  }
0x80: {  	_ =	shalt  }
0x81: {  	_ =	shalt  }
0x82: {  	_ =	shalt  }
0x83: {  	_ =	shalt  }
0x84: {  	_ =	shalt  }
0x85: {  	_ =	shalt  }
0x86: {  	_ =	shalt  }
0x87: {  	_ =	shalt  }
.Lfunc_end0:
.L_simem_size_0:
called_computation_lowered:
.L_overlay_start_0:
0x88: {  	s2 =	sld [smem:$0x3FD9]  }
0x89: {  	s3 =	sld [smem:$0x3FFE];
	_ =	sdelay $0x1  }
0x8a: {  	s1 =	srdreg.scid  }
0x8b: {  	s0 =	sand.u32 $0x1, s1  }
0x8c: {  	s16 =	sshll.u32 s0, $0xA;
	s2 =	sadd.s32 s3, s2  }
0x8d: {  	s2 =	sadd.s32 s2, s16  }
0x8e: {  	[smem:$0x3FBD] =	sst s2  }
0x8f: {  	_ = 	snop  }
0x90: {  	(tm) =	ssettm $0x1  }
0x91: {  	s17 =	sld [smem:$0x3FFB];
	_ =	sdelay $0x3  }
0x92: {  	_ =	strace s17  }
0x93: {  	s2 =	sld [smem:$0x3FFC];
	_ =	sdelay $0x3  }
0x94: {  	_ =	strace s2  }
0x95: {  	s2 =	sld [smem:$0x3FFD];
	_ =	sdelay $0x3  }
0x96: {  	_ =	strace s2  }
0x97: {  	_ =	strace $0x8FFFFFFF  }
0x98: {  	s18 =	sld [smem:$0x3FDB];
	_ =	sdelay $0x1  }
0x99: {  	s19 =	simm.s32 $_scs_section_size  }
0x9a: {  	s4 =	simm.s32 $_size__tile_overlayer_lowered;
	s5 =	simm.s32 $_tile_overlayer_lowered  }
0x9b: {  	s22 =	simm.s32 $0x1BFF;
	s21 =	sshll.u32 s5, $0x1;
	s2 =	sadd.s32 s19, s18  }
0x9c: {  	s6 =	simm.s32 $0x0;
	s20 =	sshll.u32 s4, $0x1;
	s4 =	sadd.s32 s21, s2  }
0x9d: {  	[timem:s6], [sflag:s22] =	dma.local [hbm:s4], s20  }
0x9e: {  	_ =	swait.ge [sflag:s22], s20  }
0x9f: {  	s3 =	ssub.s32 $0x0, s20;
	[sflag:s22] =	ssyncset.done $0x0  }
0xa0: {  	[sflag:s22] =	ssyncadd.s32 s3;
	_ =	sdelay $0x1  }
0xa1: {  	s23 =	simm.s32 $0x1B8B  }
0xa2: {  	_ =	swait.ge [sflag:s23], $0x1  }
0xa3: {  	[sflag:s23] =	ssyncset.done $0x0  }
0xa4: {  	s25 =	simm.s32 $0x1B8E;
	s24 =	sld [smem:$0x3FFE];
	[sflag:s23] =	ssyncadd.s32 $0xFFFFFFFF  }
0xa5: {  	s26 =	simm.s32 $execute0_lowered;
	[smem:$0x3FD2] =	sst s25  }
0xa6: {  	s4 =	sshll.u32 s26, $0x1;
	_ =	strace $0x80000046;
	[dreg:$0x1] =	wrdreg $0xFFFFFFFF  }
0xa7: {  	s28 =	simm.s32 $_size_execute0_lowered;
	s2 =	sadd.s32 s2, s4;
	[dreg:$0x0] =	wrdreg $0x0  }
0xa8: {  	s4 =	sshll.u32 s28, $0x1;
	[dreg:$0x2] =	wrdreg s2  }
0xa9: {  	[dreg:$0x3] =	wrdreg s4  }
0xaa: {  	[dreg:$0x4] =	wrdreg $0xC0  }
0xab: {  	_ =	task [dreg:s6], $0x5FFFF  }
0xac: {  	[dreg:$0x1] =	wrdreg $0xFFFFFFFF  }
0xad: {  	[dreg:$0x0] =	wrdreg $0x60  }
0xae: {  	[dreg:$0x2] =	wrdreg s24  }
0xaf: {  	[dreg:$0x3] =	wrdreg $0x8F800  }
0xb0: {  	[dreg:$0x4] =	wrdreg $0x9  }
0xb1: {  	_ =	task.clear_ibuf [dreg:s6], $0x5FFFF;
	_ =	strace $0x90000046  }
0xb2: {  	s29 =	simm.s32 $0x9;
	_ =	strace $0x80000048  }
0xb3: {  	_ =	swait.ge [sflag:s29], $0x1  }
0xb4: {  	[sflag:s29] =	ssyncadd.s32 $0xFFFFFFFF  }
0xb5: {  	_ =	strace $0x90000048  }
0xb6: {  	_ =	sfence  }
0xb7: {  	s30 =	sld [smem:$0x0];
	_ =	sdelay $0x2  }
0xb8: {  	s31 =	sshll.u32 s1, $0xD;
	s1 =	sshrl.u32 s1, $0x2  }
0xb9: {  	s3 =	sand.u32 $0x4000, s31;
	s1 =	sadd.s32 s1, s30  }
0xba: {  	s0 =	sor.u32 s3, s0;
	s1 =	sshll.u32 s1, $0x11  }
0xbb: {  	s0 =	sor.u32 s1, s0  }
0xbc: {  	s0 =	sadd.s32 $0x8F2B, s0  }
0xbd: {  	[sflag:s0] =	ssyncadd.remote.s32 $0x1  }
0xbe: {  	_ =	sfence.sel $0xFFFF  }
0xbf: {  	[dreg:$0x0] =	wrdreg $0xFFFFFFFF;
	(pc) =	sbr.abs _section_cstart, $3  }
0xc0: {  	[dreg:$0x1] =	wrdreg $0xFFFFFFFF  }
0xc1: {  	_ =	task.clear_ibuf [dreg:s6], $0x2FFFF;
	_ =	strace $0x9FFFFFFF  }
0xc2: {  	(tm) =	ssettm $0x7FFFFFFF  }
0xc3: {  	_ =	shalt  }
tec
execute0_lowered:
.L_overlay_start_1:
0x0: {  	(tag) =	ssettag $0x1  }
0x1: {  	s1 =	srdreg.scid;
	s4 =	rddreg [dreg:$0x0]  }
0x2: {  	s0 =	stileid.u32;
	s2 =	rddreg [dreg:$0x1]  }
0x3: {  	s3 =	simm.s32 $0x0;
	s13 =	simm.s32 $0x1;
	s14 =	simm.s32 $0x2800  }
0x4: {  	s15 =	simm.s32 $0x7D;
	s16 =	simm.s32 $0x80;
	s17 =	simm.s32 $0x400  }
0x5: {  	s18 =	simm.s32 $0x6800;
	s19 =	simm.s32 $0x0;
	s5 =	sand.u32 $0x1, s1  }
0x6: {  	s7 =	sshrl.u32 s0, $0x3;
	s1 =	rddreg [dreg:$0x2];
	s29 =	smul.u32 $0x4E200, s0  }
0x7: {  	[smem:$0x7FF] =	sst s3;
	s9 =	sshll.u32 s0, $0x7;
	s6 =	smul.u32 $0x27800, s5  }
0x8: {  	s7 =	smul.u32 $0x13C00, s7;
	s8 =	sshll.u32 s5, $0x4;
	s28 =	sand.u32 $0x380, s9  }
0x9: {  	_ =	strace $0x80000047;
	s5 =	ssub.s32 $0x2, s5;
	s8 =	sor.u32 s0, s8  }
0xa: {  	s30 =	sshrl.u32 s5, $0x1;
	s6 =	sadd.s32 s6, s7;
	s8 =	smul.u32 $0x500, s8  }
0xb: {  	s31 =	ssub.s32 s5, s30;
	s7 =	sshrl.u32 s29, $0x2;
	s6 =	sor.u32 s28, s6  }
0xc: {  	s5 =	smul.u32 $0x271, s0;
	s7 =	sadd.s32 s7, s2;
	s6 =	sshrl.u32 s6, $0x3  }
0xd: {  	s8 =	sadd.s32 s8, s4;
	s9 =	sadd.s32 $0x3E80, s7;
	s10 =	sadd.s32 $0x7D00, s7  }
0xe: {  	v0 =	vimm.f32 $0.0e+00;
	vm0 =	vcmask $0x300;
	s11 =	sadd.s32 $0xBB80, s7;
	s12 =	sadd.s32 $0xFA00, s7;
	s6 =	sadd.s32 s6, s4  }
0xf: {  	v1 =	vsel vm0, $0x3F800000, v0;
	s4 =	sadd.s32 $0x3000, s8;
	s8 =	smax.u32 s31, $0x1;
	s6 =	sadd.s32 $0xD000, s6  }
.LBB2_1:
0x10: {  	[tilespmem:s3], [sflag:$0x1] =	stream.linear.gather [hbm4b:s4+s3], $0x2800, $0x38;
	[tilespmem:$0x1C800] =	vst v63  }
0x11: {  	s20 =	sand.u32 $0xFE00, s3;
	s21 =	sand.u32 $0x70, s3;
	_ =	swait.ge [sflag:s13], $0x2800  }
0x12: {  	s22 =	sshrl.u32 s20, $0x2;
	s20 =	simm.s32 $0x40;
	[sflag:s13] =	ssyncset.done $0x0  }
0x13: {  	s22 =	sor.u32 s21, s22;
	s21 =	simm.s32 $0x0;
	[sflag:s13] =	ssyncadd.s32 $0xFFFFD800  }
.LBB2_2:
0x14: {  	p0 =	sne.s32 s20, $0xF9C0  }
0x15: {  	[tilespmem:s22+$0x2800] =	vst v0;
	s21 =	sadd.s32 $0x10, s21;
	s22 =	smov.u32 s20;
	s20 =	sadd.s32 $0x40, s20  }
.Ltmp0:
0x16: {  	(pc) =	sbr.rel @p0 .LBB2_2-.Ltmp0, $4  }
0x17: {  	_ = 	snop  }
0x18: {  	s22 =	sand.u32 $0xFE00, s22  }
0x19: {  	s23 =	sand.u32 $0x70, s21;
	s22 =	sshrl.u32 s22, $0x2  }
0x1a: {  	s22 =	sor.u32 s23, s22  }
0x1b: {  	[tilespmem:s22+$0x2800] =	vst v0  }
0x1c: {  	[spmem:s7] =	stream.linear.scatter [tilespmem:s14], [sflag:$0x1], $0x3E80, $0x38;
	[tilespmem:$0x1C800] =	vst v63  }
0x1d: {  	_ =	swait.ge [sflag:s13], $0x3E80  }
0x1e: {  	[sflag:s13] =	ssyncset.done $0x0  }
0x1f: {  	[sflag:s13] =	ssyncadd.s32 $0xFFFFC180  }
0x20: {  	[spmem:s9] =	stream.linear.scatter [tilespmem:s14], [sflag:$0x1], $0x3E80, $0x38;
	[tilespmem:$0x1C800] =	vst v63  }
0x21: {  	_ =	swait.ge [sflag:s13], $0x3E80  }
0x22: {  	[sflag:s13] =	ssyncset.done $0x0  }
0x23: {  	[sflag:s13] =	ssyncadd.s32 $0xFFFFC180  }
0x24: {  	[spmem:s10] =	stream.linear.scatter [tilespmem:s14], [sflag:$0x1], $0x3E80, $0x38;
	[tilespmem:$0x1C800] =	vst v63  }
0x25: {  	_ =	swait.ge [sflag:s13], $0x3E80  }
0x26: {  	[sflag:s13] =	ssyncset.done $0x0  }
0x27: {  	[sflag:s13] =	ssyncadd.s32 $0xFFFFC180  }
0x28: {  	[spmem:s11] =	stream.linear.scatter [tilespmem:s14], [sflag:$0x1], $0x3E80, $0x38;
	[tilespmem:$0x1C800] =	vst v63  }
0x29: {  	_ =	swait.ge [sflag:s13], $0x3E80  }
0x2a: {  	[sflag:s13] =	ssyncset.done $0x0  }
0x2b: {  	[sflag:s13] =	ssyncadd.s32 $0xFFFFC180  }
0x2c: {  	[spmem:s12] =	stream.linear.scatter [tilespmem:s14], [sflag:$0x1], $0x3E80, $0x38;
	[tilespmem:$0x1C800] =	vst v63  }
0x2d: {  	_ =	swait.ge [sflag:s13], $0x3E80  }
0x2e: {  	[sflag:s13] =	ssyncset.done $0x0  }
0x2f: {  	s20 =	simm.s32 $0x200;
	s21 =	simm.s32 $0x0;
	[sflag:s13] =	ssyncadd.s32 $0xFFFFC180  }
.LBB2_4:
0x30: {  	p0 =	sne.s32 s20, $0xF800;
	[tilespmem:s21+$0x2800] =	vst v1;
	s21 =	smov.u32 s20;
	s20 =	sadd.s32 $0x200, s20  }
.Ltmp1:
0x31: {  	(pc) =	sbr.rel @p0 .LBB2_4-.Ltmp1, $2  }
0x32: {  	_ =	sdelay $0x2  }
0x33: {  	s21 =	sshra.s32 s21, $0x2  }
0x34: {  	[tilespmem:s21+$0x2800] =	vst v1  }
0x35: {  	s20 =	simm.s32 $0x0;
	[bflag:$0x0] =	sbarrier.arrive $0xFFFF  }
0x36: {  	[spmem:s2] =	stream.indirect.scatter.add.f32 [tilespmem:s14], [sflag:$0x1], $0x80, s20, s15, $0xb8;
	[tilespmem:$0x1C800] =	vst v63  }
0x37: {  	_ =	swait.ge [sflag:s13], $0x3E80  }
0x38: {  	s20 =	simm.s32 $0x200;
	[sflag:s13] =	ssyncset.done $0x0  }
.LBB2_6:
0x39: {  	s21 =	sshra.s32 s20, $0x2;
	[sflag:s13] =	ssyncadd.s32 $0xFFFFC180;
	p0 =	sne.s32 s20, $0x9E00  }
0x3a: {  	[spmem:s2] =	stream.indirect.scatter.add.f32 [tilespmem:s14], [sflag:$0x1], $0x80, s21, s15, $0xb8;
	[tilespmem:$0x1C800] =	vst v63  }
.Ltmp2:
0x3b: {  	_ = 	snop;
	(pc) =	sbr.rel @p0 .LBB2_6-.Ltmp2, $4  }
0x3c: {  	_ = 	snop  }
0x3d: {  	s20 =	sadd.s32 $0x200, s20  }
0x3e: {  	_ =	swait.ge [sflag:s13], $0x3E80  }
0x3f: {  	[sflag:s13] =	ssyncset.done $0x0  }
0x40: {  	[sflag:s13] =	ssyncadd.s32 $0xFFFFC180  }
0x41: {  	s20 =	simm.s32 $0x0;
	s21 =	simm.s32 $0x6800;
	[bflag:$0x0] =	sbarrier.arrive $0xFFFF  }
.LBB2_8:
0x42: {  	s22 =	smul.u32 $0x7D, s20;
	_ =	sdelay $0x1  }
0x43: {  	s22 =	sadd.s32 s5, s22  }
0x44: {  	s22 =	sshll.u32 s22, $0x7  }
0x45: {  	s22 =	sand.u32 $0x3FFFFF80, s22  }
0x46: {  	s22 =	sadd.s32 s22, s2  }
0x47: {  	[tilespmem:s14], [sflag:$0x1] =	stream.linear.gather [spmem:s22], $0x3E80, $0x38;
	[tilespmem:$0x1C800] =	vst v63  }
0x48: {  	_ =	swait.ge [sflag:s13], $0x3E80  }
0x49: {  	[sflag:s13] =	ssyncset.done $0x0  }
0x4a: {  	s22 =	simm.s32 $0x2840;
	[sflag:s13] =	ssyncadd.s32 $0xFFFFC180  }
0x4b: {  	v3 =	vld [tilespmem:s22+$0xFFFFFFD0]  }
0x4c: {  	v2 =	vmov s21;
	s24 =	simm.s32 $0x40;
	s23 =	simm.s32 $0x0;
	v4 =	vld [tilespmem:s22+$0xFFFFFFC0]  }
.LBB2_9:
0x4d: {  	p0 =	sne.s32 s24, $0x1F00  }
0x4e: {  	v5 =	vld [tilespmem:s22+$0xFFFFFFE0];
	_ =	sdelay $0x1  }
0x4f: {  	v6 =	vld [tilespmem:s22+$0xFFFFFFF0]  }
0x50: {  	v3 =	vadd.f32 v3, v4  }
0x51: {  	v4 =	vld [tilespmem:s22+$0x0]  }
0x52: {  	v3 =	vadd.f32 v5, v3  }
0x53: {  	v5 =	vld [tilespmem:s22+$0x10]  }
0x54: {  	v3 =	vadd.f32 v6, v3  }
0x55: {  	v6 =	vld [tilespmem:s22+$0x20]  }
0x56: {  	v3 =	vadd.f32 v4, v3  }
0x57: {  	v4 =	vld [tilespmem:s22+$0x30]  }
0x58: {  	v3 =	vadd.f32 v5, v3;
	_ =	sdelay $0x1  }
0x59: {  	v3 =	vadd.f32 v6, v3;
	_ =	sdelay $0x1  }
.Ltmp3:
0x5a: {  	v3 =	vadd.f32 v4, v3;
	(pc) =	sbr.rel @p0 .LBB2_9-.Ltmp3, $4  }
0x5b: {  	s25 =	sshra.s32 s23, $0x2;
	s23 =	smov.u32 s24  }
0x5c: {  	s22 =	sadd.s32 $0x80, s22;
	[tilespmem:v2+s25+$0x0 ss:$0x1] =	vst.idx.msk $0xffff, v3  }
0x5d: {  	v3 =	vld [tilespmem:s22+$0xFFFFFFD0]  }
0x5e: {  	s24 =	sadd.s32 $0x40, s24;
	v4 =	vld [tilespmem:s22+$0xFFFFFFC0]  }
0x5f: {  	_ = 	snop  }
0x60: {  	v5 =	vld [tilespmem:s22+$0xFFFFFFE0];
	_ =	sdelay $0x1  }
0x61: {  	v6 =	vld [tilespmem:s22+$0xFFFFFFF0]  }
0x62: {  	v3 =	vadd.f32 v3, v4  }
0x63: {  	v60 =	vld [tilespmem:s22+$0x0]  }
0x64: {  	v3 =	vadd.f32 v5, v3  }
0x65: {  	v61 =	vld [tilespmem:s22+$0x10]  }
0x66: {  	v3 =	vadd.f32 v6, v3  }
0x67: {  	v62 =	vld [tilespmem:s22+$0x20]  }
0x68: {  	v3 =	vadd.f32 v60, v3  }
0x69: {  	v63 =	vld [tilespmem:s22+$0x30]  }
0x6a: {  	s20 =	sadd.s32 $0x1, s20;
	v3 =	vadd.f32 v61, v3  }
0x6b: {  	p0 =	sne.s32 s20, $0x5  }
.Ltmp4:
0x6c: {  	v3 =	vadd.f32 v62, v3;
	(pc) =	sbr.rel @p0 .LBB2_8-.Ltmp4, $4  }
0x6d: {  	_ = 	snop  }
0x6e: {  	v3 =	vadd.f32 v63, v3  }
0x6f: {  	s31 =	sshra.s32 s23, $0x2  }
0x70: {  	s21 =	sadd.s32 $0x7D0, s21;
	[tilespmem:v2+s31+$0x0 ss:$0x1] =	vst.idx.msk $0xffff, v3  }
0x71: {  	s19 =	sadd.s32 $0x1, s19  }
0x72: {  	p0 =	sne.s32 s19, s8  }
.Ltmp5:
0x73: {  	_ = 	snop;
	(pc) =	sbr.rel @p0 .LBB2_1-.Ltmp5, $4  }
0x74: {  	[hbm4b:s6+s16] =	stream.strided.scatter [tilespmem:s18], [sflag:$0x1], $0x2780, s17, s16, $0x38;
	[tilespmem:$0x1C800] =	vst v63  }
0x75: {  	_ =	swait.ge [sflag:s13], $0x2780  }
0x76: {  	[sflag:s13] =	ssyncset.done $0x0  }
0x77: {  	[sflag:s13] =	ssyncadd.s32 $0xFFFFD880  }
0x78: {  	_ =	sfence.sel $0x180000  }
0x79: {  	[bflag:$0x0] =	sbarrier.arrive $0xFFFF  }
0x7a: {  	p0 =	sne.s32 s0, $0x0;
	_ =	strace $0x90000047  }
0x7b: {  	s0 =	sadd.s32 @!p0 $0x100000, s1;
	[bflag:$0x2] =	sbarrier.arrive $0xFFFF  }
0x7c: {  	[sflag:s0] =	ssyncadd.tile.s32 @!p0 $0x1;
	_ =	shalt  }
.Lfunc_end2:
_tile_overlayer_lowered:
.L_overlay_start_2:
0x7d: {  	(tag) =	ssettag $0x2  }
0x7e: {  	s0 =	rddreg [dreg:$0x0];
	s2 =	stileid.u32  }
0x7f: {  	s1 =	rddreg [dreg:$0x1];
	p0 =	sne.s32 s2, $0x0  }
0x80: {  	s3 =	rddreg [dreg:$0x2];
	[bflag:$0x3] =	sbarrier.arrive $0xFFFF;
	s2 =	simm.s32 @!p0 $0x1C01  }
0x81: {  	[timem:s3], [sflag:s2] =	dma.local @!p0 [hbm:s0], s1  }
0x82: {  	s0 =	simm.s32 @!p0 $0x1  }
0x83: {  	_ =	swait.ge @!p0 [sflag:s0], s1  }
0x84: {  	s1 =	ssub.s32 @!p0 $0x0, s1;
	[sflag:s0] =	ssyncset.done @!p0 $0x0  }
0x85: {  	[sflag:s0] =	ssyncadd.s32 @!p0 s1  }
0x86: {  	[bflag:$0x3] =	sbarrier.arrive $0xFFFF  }
0x87: {  	_ =	shalt  }

</sc_bundles>
